<compile_context>
chip_gen: v7x
topology: tpu7x:2x2x1
jax: 0.10.2.dev20260603
libtpu: 0.0.44.dev20260713+nightly
codegen_flags: <defaults>
</compile_context>

<pallas_src>
import jax
import jax.numpy as jnp
from jax import lax
from jax.experimental import pallas as pl
from jax.experimental.pallas import tpu as pltpu
from jax.experimental.pallas import tpu_sc as plsc

N = 10000
D = 128
E = 320000
HD = D // 2

NC = 2
NS = 16
EPT = E // NS
CHUNK = 40
NCHUNK = EPT // CHUNK
NP = 10240
RPT = NP // NS


def _make_sc_agg(with_counts: bool):
    nbuf = 10
    ngrp = NCHUNK // nbuf
    mesh = plsc.VectorSubcoreMesh(core_axis_name="c", subcore_axis_name="s")
    out_type = [jax.ShapeDtypeStruct((NC, NP, HD), jnp.float32)]
    scratch = [
        pltpu.VMEM((EPT,), jnp.int32),
        pltpu.VMEM((EPT,), jnp.int32),
        pltpu.VMEM((nbuf, CHUNK, HD), jnp.float32),
        pltpu.VMEM((CHUNK, HD), jnp.float32),
        pltpu.VMEM_SHARED((NP, HD), jnp.float32),
        pltpu.SemaphoreType.DMA,
        pltpu.SemaphoreType.DMA,
    ]
    if with_counts:
        out_type.append(jax.ShapeDtypeStruct((NS, NP), jnp.float32))
        scratch.insert(4, pltpu.VMEM((NP,), jnp.float32))

    def body(*refs):
        if with_counts:
            (h_hbm, edge_hbm,
             agg_hbm, cnt_hbm,
             src_v, dst_v, rows_v, zbuf, cnt_t, acc_sh,
             sem_g, sem_s) = refs
        else:
            (h_hbm, edge_hbm,
             agg_hbm,
             src_v, dst_v, rows_v, zbuf, acc_sh, sem_g, sem_s) = refs

        cid = lax.axis_index("c")
        sid = lax.axis_index("s")
        base = sid * RPT

        def zb(i, carry):
            zbuf[i // (HD // 16), pl.ds((i % (HD // 16)) * 16, 16)] = (
                jnp.zeros((16,), jnp.float32))
            return carry

        lax.fori_loop(0, CHUNK * (HD // 16), zb, 0)
        for m in range(RPT // CHUNK):
            pltpu.sync_copy(zbuf, acc_sh.at[pl.ds(base + m * CHUNK, CHUNK)])

        pltpu.sync_copy(edge_hbm.at[0, pl.ds(sid * EPT, EPT)], src_v)
        pltpu.sync_copy(edge_hbm.at[1, pl.ds(sid * EPT, EPT)], dst_v)

        def xform(i, carry):
            s = src_v[pl.ds(i * 16, 16)]
            src_v[pl.ds(i * 16, 16)] = s + s + cid
            return carry

        lax.fori_loop(0, EPT // 16, xform, 0)

        if with_counts:
            @pl.when(cid == 0)
            def _():
                def czero(i, carry):
                    cnt_t[pl.ds(i * 16, 16)] = jnp.zeros((16,), jnp.float32)
                    return carry

                lax.fori_loop(0, NP // 16, czero, 0)

                def count(i, carry):
                    idx = dst_v[pl.ds(i * 16, 16)]
                    plsc.addupdate_scatter(cnt_t, [idx],
                                           jnp.ones((16,), jnp.float32))
                    return carry

                lax.fori_loop(0, EPT // 16, count, 0)
                pltpu.sync_copy(cnt_t, cnt_hbm.at[sid])

        plsc.subcore_barrier()

        def step(j, carry):
            c0 = j * nbuf
            gathers = []
            for b in range(nbuf):
                gathers.append(pltpu.async_copy(
                    h_hbm.at[src_v.at[pl.ds((c0 + b) * CHUNK, CHUNK)]],
                    rows_v.at[b], sem_g))
            scatters = []
            for b in range(nbuf):
                gathers[b].wait()
                scatters.append(pltpu.async_copy(
                    rows_v.at[b],
                    acc_sh.at[dst_v.at[pl.ds((c0 + b) * CHUNK, CHUNK)]],
                    sem_s, add=True))
            for s in scatters:
                s.wait()
            return carry

        lax.fori_loop(0, ngrp, step, 0)

        plsc.subcore_barrier()
        pltpu.sync_copy(acc_sh.at[pl.ds(base, RPT)],
                        agg_hbm.at[cid, pl.ds(base, RPT)])

    return pl.kernel(body, out_type=tuple(out_type), mesh=mesh,
                     scratch_types=scratch,
                     compiler_params=pltpu.CompilerParams(
                         use_tc_tiling_on_sc=False,
                         needs_layout_passes=False))


_sc_agg_counts = _make_sc_agg(True)
_sc_agg = _make_sc_agg(False)


def _bn_body(x_ref, g_ref, b_ref, o_ref):
    x = x_ref[...]
    m = jnp.mean(x, axis=0, keepdims=True)
    xc = x - m
    v = jnp.mean(xc * xc, axis=0, keepdims=True)
    o_ref[...] = xc * lax.rsqrt(v + 1e-5) * g_ref[...] + b_ref[...]


_bn = pl.pallas_call(
    _bn_body, out_shape=jax.ShapeDtypeStruct((N, D), jnp.float32))


def _mean_from_parts(agg_ref, cnt_ref):
    agg = jnp.concatenate([agg_ref[0, :N], agg_ref[1, :N]], axis=1)
    cnt = lax.dot_general(cnt_ref[...], jnp.ones((NS, 1), jnp.float32),
                          (((0,), (0,)), ((), ())),
                          preferred_element_type=jnp.float32)
    return agg / jnp.maximum(cnt[:N], 1.0)


def _mix1_body(agg_ref, cnt_ref, h_ref, wlT_ref, bl_ref, wrT_ref, br_ref,
               g_ref, b_ref, o_ref):
    mean = _mean_from_parts(agg_ref, cnt_ref)
    t = (jnp.dot(mean, wlT_ref[...], preferred_element_type=jnp.float32)
         + bl_ref[...]
         + jnp.dot(h_ref[...], wrT_ref[...], preferred_element_type=jnp.float32)
         + br_ref[...])
    t = jnp.maximum(t, 0.0)
    m = jnp.mean(t, axis=0, keepdims=True)
    tc = t - m
    v = jnp.mean(tc * tc, axis=0, keepdims=True)
    o_ref[...] = tc * lax.rsqrt(v + 1e-5) * g_ref[...] + b_ref[...]


_mix1 = pl.pallas_call(
    _mix1_body, out_shape=jax.ShapeDtypeStruct((N, D), jnp.float32))


def _mix2_body(agg_ref, cnt_ref, h_ref, wlT_ref, bl_ref, wrT_ref, br_ref,
               woT_ref, bo_ref, o_ref):
    mean = _mean_from_parts(agg_ref, cnt_ref)
    t = (jnp.dot(mean, wlT_ref[...], preferred_element_type=jnp.float32)
         + bl_ref[...]
         + jnp.dot(h_ref[...], wrT_ref[...], preferred_element_type=jnp.float32)
         + br_ref[...])
    t = jnp.maximum(t, 0.0)
    z = jnp.dot(t, woT_ref[...], preferred_element_type=jnp.float32) + bo_ref[...]
    o_ref[...] = jax.nn.sigmoid(z)


_mix2 = pl.pallas_call(
    _mix2_body, out_shape=jax.ShapeDtypeStruct((N, 1), jnp.float32))


def kernel(x, edge_index, bn1_g, bn1_b, W_l1, b_l1, W_r1, b_r1,
           bn2_g, bn2_b, W_l2, b_l2, W_r2, b_r2, W_out, b_out):
    edges = edge_index.astype(jnp.int32)

    h = _bn(x, bn1_g.reshape(1, D), bn1_b.reshape(1, D))
    aggp, cntp = _sc_agg_counts(h.reshape(2 * N, HD), edges)
    h2 = _mix1(aggp, cntp, h, W_l1.T, b_l1.reshape(1, D),
               W_r1.T, b_r1.reshape(1, D),
               bn2_g.reshape(1, D), bn2_b.reshape(1, D))
    (aggp2,) = _sc_agg(h2.reshape(2 * N, HD), edges)
    out = _mix2(aggp2, cntp, h2, W_l2.T, b_l2.reshape(1, D),
                W_r2.T, b_r2.reshape(1, D),
                W_out.T, b_out.reshape(1, 1))
    return out.reshape(N)

# --- scband reference (transcript-rebuilt; emitter-appended) ---
"""Pipeline reference for scband-graph-sage-25271587570311 (READ-ONLY COPY).

The authoritative reference and input builder live on the scoring server;
editing this copy changes nothing except your own understanding.
"""

import jax, jax.numpy as jnp
import numpy as np

N = 10000
E = 320000
D = 128

def setup_inputs(seed: int = 0):
    key = jax.random.key(seed)
    ks = jax.random.split(key, 12)
    s = 1.0 / np.sqrt(D)
    return {
        'x': jax.random.normal(ks[0], (N, D), dtype=jnp.float32),
        'edge_index': jax.random.randint(ks[1], (2, E), 0, N),
        'bn1_g': jnp.ones((D,), dtype=jnp.float32),
        'bn1_b': jnp.zeros((D,), dtype=jnp.float32),
        'W_l1': jax.random.normal(ks[2], (D, D), dtype=jnp.float32) * s,
        'b_l1': jnp.zeros((D,), dtype=jnp.float32),
        'W_r1': jax.random.normal(ks[3], (D, D), dtype=jnp.float32) * s,
        'b_r1': jnp.zeros((D,), dtype=jnp.float32),
        'bn2_g': jnp.ones((D,), dtype=jnp.float32),
        'bn2_b': jnp.zeros((D,), dtype=jnp.float32),
        'W_l2': jax.random.normal(ks[4], (D, D), dtype=jnp.float32) * s,
        'b_l2': jnp.zeros((D,), dtype=jnp.float32),
        'W_r2': jax.random.normal(ks[5], (D, D), dtype=jnp.float32) * s,
        'b_r2': jnp.zeros((D,), dtype=jnp.float32),
        'W_out': jax.random.normal(ks[6], (1, D), dtype=jnp.float32) * s,
        'b_out': jnp.zeros((1,), dtype=jnp.float32),
    }

def _batchnorm(x, g, b):
    m = jnp.mean(x, axis=0)
    v = jnp.var(x, axis=0)
    return (x - m) / jnp.sqrt(v + 1e-5) * g + b

def _sage_mean(x, src, dst, Wl, bl, Wr, br):
    msg = x[src]
    agg = jax.ops.segment_sum(msg, dst, num_segments=N)
    cnt = jax.ops.segment_sum(jnp.ones((src.shape[0], 1), dtype=x.dtype), dst, num_segments=N)
    mean = agg / jnp.maximum(cnt, 1.0)
    return mean @ Wl.T + bl + x @ Wr.T + br

def reference(x, edge_index, bn1_g, bn1_b, W_l1, b_l1, W_r1, b_r1, bn2_g, bn2_b, W_l2, b_l2, W_r2, b_r2, W_out, b_out):
    src = edge_index[0]
    dst = edge_index[1]
    h = _batchnorm(x, bn1_g, bn1_b)
    h = _sage_mean(h, src, dst, W_l1, b_l1, W_r1, b_r1)
    h = jax.nn.relu(h)
    h = _batchnorm(h, bn2_g, bn2_b)
    h = _sage_mean(h, src, dst, W_l2, b_l2, W_r2, b_r2)
    h = jax.nn.relu(h)
    out = h @ W_out.T + b_out
    return jax.nn.sigmoid(out.squeeze(-1))

if __name__ == "__main__":
    import jax
    _d = setup_inputs()
    print(jax.jit(kernel)(*tuple(_d.values())))

</pallas_src>

<mosaic_0001>
#map = affine_map<(d0, d1) -> (0, 0)>
#map1 = affine_map<(d0, d1) -> (0, 0, 0)>
module attributes {stable_mosaic.version = 14 : i64} {
  func.func @body(%arg0: i32, %arg1: i32, %arg2: memref<20000x64xf32, #tpu.memory_space<hbm>>, %arg3: memref<2x320000xi32, #tpu.memory_space<hbm>>, %arg4: memref<2x10240x64xf32, #tpu.memory_space<hbm>>, %arg5: memref<16x10240xf32, #tpu.memory_space<hbm>>, %arg6: memref<20000xi32, #tpu.memory_space<vmem>>, %arg7: memref<20000xi32, #tpu.memory_space<vmem>>, %arg8: memref<10x40x64xf32, #tpu.memory_space<vmem>>, %arg9: memref<40x64xf32, #tpu.memory_space<vmem>>, %arg10: memref<10240xf32, #tpu.memory_space<vmem>>, %arg11: memref<10240x64xf32, #tpu.memory_space<vmem_shared>>, %arg12: memref<!tpu.dma_semaphore, #tpu.memory_space<semaphore_mem>>, %arg13: memref<!tpu.dma_semaphore, #tpu.memory_space<semaphore_mem>>) attributes {dimension_semantics = [#tpu.dimension_semantics<core_parallel>, #tpu.dimension_semantics<subcore_parallel>], iteration_bounds = array<i64: 2, 16>, scalar_prefetch = 0 : i64, scratch_operands = 8 : i64, tpu.core_type = #tpu.core_type<sc_vector_subcore>, window_params = [{transform_indices = #map}, {transform_indices = #map}, {transform_indices = #map1}, {transform_indices = #map}]} {
    %mul3A = arith.constant 640 : i32
    %mul3A_0 = arith.muli %arg1, %mul3A : i32
    %scan3A = arith.constant 0 : i32
    %scan3A_1 = arith.constant 0 : i32
    %scan3A_2 = arith.constant 160 : i32
    %scan3A_3 = arith.addi %scan3A_1, %scan3A_2 : i32
    %scan3A_4 = arith.constant 1 : i32
    scf.for %scan3A_57 = %scan3A_1 to %scan3A_3 step %scan3A_4  : i32 {
      %broadcast_in_dim3A = arith.constant 0.000000e+00 : f32
      %broadcast_in_dim3A_58 = vector.broadcast %broadcast_in_dim3A : f32 to vector<16xf32>
      %jit3A = arith.constant 4 : i32
      %div3A = arith.divsi %scan3A_57, %jit3A : i32
      %sign3A = arith.constant 0 : i32
      %sign3A_59 = arith.cmpi sgt, %scan3A_57, %sign3A : i32
      %sign3A_60 = arith.extui %sign3A_59 : i1 to i32
      %sign3A_61 = arith.constant 0 : i32
      %sign3A_62 = arith.cmpi slt, %scan3A_57, %sign3A_61 : i32
      %sign3A_63 = arith.extui %sign3A_62 : i1 to i32
      %sign3A_64 = arith.subi %sign3A_60, %sign3A_63 : i32
      %sign3A_65 = arith.constant 0 : i32
      %sign3A_66 = arith.cmpi sgt, %jit3A, %sign3A_65 : i32
      %sign3A_67 = arith.extui %sign3A_66 : i1 to i32
      %sign3A_68 = arith.constant 0 : i32
      %sign3A_69 = arith.cmpi slt, %jit3A, %sign3A_68 : i32
      %sign3A_70 = arith.extui %sign3A_69 : i1 to i32
      %sign3A_71 = arith.subi %sign3A_67, %sign3A_70 : i32
      %ne3A = arith.cmpi ne, %sign3A_64, %sign3A_71 : i32
      %rem3A = arith.remsi %scan3A_57, %jit3A : i32
      %ne3A_72 = arith.constant 0 : i32
      %ne3A_73 = arith.cmpi ne, %rem3A, %ne3A_72 : i32
      %and3A = arith.andi %ne3A, %ne3A_73 : i1
      %sub3A = arith.constant 1 : i32
      %sub3A_74 = arith.subi %div3A, %sub3A : i32
      %select_n3A = arith.select %and3A, %sub3A_74, %div3A : i32
      %jit3A_75 = arith.constant 4 : i32
      %eq3A_76 = arith.constant 0 : i32
      %eq3A_77 = arith.cmpi eq, %jit3A_75, %eq3A_76 : i32
      %jit3A_78 = arith.constant 1 : i32
      %select_n3A_79 = arith.select %eq3A_77, %jit3A_78, %jit3A_75 : i32
      %rem3A_80 = arith.remsi %scan3A_57, %select_n3A_79 : i32
      %ne3A_81 = arith.constant 0 : i32
      %ne3A_82 = arith.cmpi ne, %rem3A_80, %ne3A_81 : i32
      %lt3A = arith.constant 0 : i32
      %lt3A_83 = arith.cmpi slt, %rem3A_80, %lt3A : i32
      %lt3A_84 = arith.constant 0 : i32
      %lt3A_85 = arith.cmpi slt, %select_n3A_79, %lt3A_84 : i32
      %ne3A_86 = arith.xori %lt3A_83, %lt3A_85 : i1
      %and3A_87 = arith.andi %ne3A_86, %ne3A_82 : i1
      %add3A_88 = arith.addi %rem3A_80, %select_n3A_79 : i32
      %select_n3A_89 = arith.select %and3A_87, %add3A_88, %rem3A_80 : i32
      %mul3A_90 = arith.constant 16 : i32
      %mul3A_91 = arith.muli %select_n3A_89, %mul3A_90 : i32
      %swap3A = arith.index_cast %select_n3A : i32 to index
      %swap3A_92 = arith.index_cast %mul3A_91 : i32 to index
      %swap3A_93 = tpu.vector_load %arg9[%swap3A, %swap3A_92] {strides = array<i32>} : memref<40x64xf32, #tpu.memory_space<vmem>>, vector<16xf32>,
      tpu.vector_store %arg9[%swap3A, %swap3A_92], %broadcast_in_dim3A_58 {strides = array<i32>} : memref<40x64xf32, #tpu.memory_space<vmem>>, vector<16xf32>,
    }
    %scan3A_5 = arith.constant 160 : i32
    %add3A = arith.constant 0 : i32
    %add3A_6 = arith.addi %mul3A_0, %add3A : i32
    "tpu.region"() ({
      %run_scoped3A_57 = tpu.sem_alloc : memref<!tpu.dma_semaphore, #tpu.memory_space<semaphore_mem>>
      %dma_start3A = arith.constant 0 : i32
      %dma_start3A_58 = tpu.memref_slice %arg11[%add3A_6, %dma_start3A] : memref<10240x64xf32, #tpu.memory_space<vmem_shared>> -> memref<40x64xf32, #tpu.memory_space<vmem_shared>>
      %dma_start3A_59 = arith.constant 0 : i32
      %dma_start3A_60 = tpu.memref_slice %arg11[%add3A_6, %dma_start3A_59] : memref<10240x64xf32, #tpu.memory_space<vmem_shared>> -> memref<40x64xf32, #tpu.memory_space<vmem_shared>>
      tpu.enqueue_dma source(%arg9 : memref<40x64xf32, #tpu.memory_space<vmem>>) target(%dma_start3A_60 : memref<40x64xf32, #tpu.memory_space<vmem_shared>>) target_semaphore(%run_scoped3A_57 : memref<!tpu.dma_semaphore, #tpu.memory_space<semaphore_mem>>)
      %dma_wait3A = arith.constant 0 : i32
      %dma_wait3A_61 = tpu.memref_slice %arg11[%add3A_6, %dma_wait3A] : memref<10240x64xf32, #tpu.memory_space<vmem_shared>> -> memref<40x64xf32, #tpu.memory_space<vmem_shared>>
      %dma_wait3A_62 = arith.constant 0 : i32
      %dma_wait3A_63 = tpu.memref_slice %arg11[%add3A_6, %dma_wait3A_62] : memref<10240x64xf32, #tpu.memory_space<vmem_shared>> -> memref<40x64xf32, #tpu.memory_space<vmem_shared>>
      tpu.wait_dma2 semaphore(%run_scoped3A_57 : memref<!tpu.dma_semaphore, #tpu.memory_space<semaphore_mem>>) src(%arg9 : memref<40x64xf32, #tpu.memory_space<vmem>>) dst(%dma_wait3A_63 : memref<40x64xf32, #tpu.memory_space<vmem_shared>>)
      tpu.yield
    }) : () -> ()
    %add3A_7 = arith.constant 40 : i32
    %add3A_8 = arith.addi %mul3A_0, %add3A_7 : i32
    "tpu.region"() ({
      %run_scoped3A_57 = tpu.sem_alloc : memref<!tpu.dma_semaphore, #tpu.memory_space<semaphore_mem>>
      %dma_start3A = arith.constant 0 : i32
      %dma_start3A_58 = tpu.memref_slice %arg11[%add3A_8, %dma_start3A] : memref<10240x64xf32, #tpu.memory_space<vmem_shared>> -> memref<40x64xf32, #tpu.memory_space<vmem_shared>>
      %dma_start3A_59 = arith.constant 0 : i32
      %dma_start3A_60 = tpu.memref_slice %arg11[%add3A_8, %dma_start3A_59] : memref<10240x64xf32, #tpu.memory_space<vmem_shared>> -> memref<40x64xf32, #tpu.memory_space<vmem_shared>>
      tpu.enqueue_dma source(%arg9 : memref<40x64xf32, #tpu.memory_space<vmem>>) target(%dma_start3A_60 : memref<40x64xf32, #tpu.memory_space<vmem_shared>>) target_semaphore(%run_scoped3A_57 : memref<!tpu.dma_semaphore, #tpu.memory_space<semaphore_mem>>)
      %dma_wait3A = arith.constant 0 : i32
      %dma_wait3A_61 = tpu.memref_slice %arg11[%add3A_8, %dma_wait3A] : memref<10240x64xf32, #tpu.memory_space<vmem_shared>> -> memref<40x64xf32, #tpu.memory_space<vmem_shared>>
      %dma_wait3A_62 = arith.constant 0 : i32
      %dma_wait3A_63 = tpu.memref_slice %arg11[%add3A_8, %dma_wait3A_62] : memref<10240x64xf32, #tpu.memory_space<vmem_shared>> -> memref<40x64xf32, #tpu.memory_space<vmem_shared>>
      tpu.wait_dma2 semaphore(%run_scoped3A_57 : memref<!tpu.dma_semaphore, #tpu.memory_space<semaphore_mem>>) src(%arg9 : memref<40x64xf32, #tpu.memory_space<vmem>>) dst(%dma_wait3A_63 : memref<40x64xf32, #tpu.memory_space<vmem_shared>>)
      tpu.yield
    }) : () -> ()
    %add3A_9 = arith.constant 80 : i32
    %add3A_10 = arith.addi %mul3A_0, %add3A_9 : i32
    "tpu.region"() ({
      %run_scoped3A_57 = tpu.sem_alloc : memref<!tpu.dma_semaphore, #tpu.memory_space<semaphore_mem>>
      %dma_start3A = arith.constant 0 : i32
      %dma_start3A_58 = tpu.memref_slice %arg11[%add3A_10, %dma_start3A] : memref<10240x64xf32, #tpu.memory_space<vmem_shared>> -> memref<40x64xf32, #tpu.memory_space<vmem_shared>>
      %dma_start3A_59 = arith.constant 0 : i32
      %dma_start3A_60 = tpu.memref_slice %arg11[%add3A_10, %dma_start3A_59] : memref<10240x64xf32, #tpu.memory_space<vmem_shared>> -> memref<40x64xf32, #tpu.memory_space<vmem_shared>>
      tpu.enqueue_dma source(%arg9 : memref<40x64xf32, #tpu.memory_space<vmem>>) target(%dma_start3A_60 : memref<40x64xf32, #tpu.memory_space<vmem_shared>>) target_semaphore(%run_scoped3A_57 : memref<!tpu.dma_semaphore, #tpu.memory_space<semaphore_mem>>)
      %dma_wait3A = arith.constant 0 : i32
      %dma_wait3A_61 = tpu.memref_slice %arg11[%add3A_10, %dma_wait3A] : memref<10240x64xf32, #tpu.memory_space<vmem_shared>> -> memref<40x64xf32, #tpu.memory_space<vmem_shared>>
      %dma_wait3A_62 = arith.constant 0 : i32
      %dma_wait3A_63 = tpu.memref_slice %arg11[%add3A_10, %dma_wait3A_62] : memref<10240x64xf32, #tpu.memory_space<vmem_shared>> -> memref<40x64xf32, #tpu.memory_space<vmem_shared>>
      tpu.wait_dma2 semaphore(%run_scoped3A_57 : memref<!tpu.dma_semaphore, #tpu.memory_space<semaphore_mem>>) src(%arg9 : memref<40x64xf32, #tpu.memory_space<vmem>>) dst(%dma_wait3A_63 : memref<40x64xf32, #tpu.memory_space<vmem_shared>>)
      tpu.yield
    }) : () -> ()
    %add3A_11 = arith.constant 120 : i32
    %add3A_12 = arith.addi %mul3A_0, %add3A_11 : i32
    "tpu.region"() ({
      %run_scoped3A_57 = tpu.sem_alloc : memref<!tpu.dma_semaphore, #tpu.memory_space<semaphore_mem>>
      %dma_start3A = arith.constant 0 : i32
      %dma_start3A_58 = tpu.memref_slice %arg11[%add3A_12, %dma_start3A] : memref<10240x64xf32, #tpu.memory_space<vmem_shared>> -> memref<40x64xf32, #tpu.memory_space<vmem_shared>>
      %dma_start3A_59 = arith.constant 0 : i32
      %dma_start3A_60 = tpu.memref_slice %arg11[%add3A_12, %dma_start3A_59] : memref<10240x64xf32, #tpu.memory_space<vmem_shared>> -> memref<40x64xf32, #tpu.memory_space<vmem_shared>>
      tpu.enqueue_dma source(%arg9 : memref<40x64xf32, #tpu.memory_space<vmem>>) target(%dma_start3A_60 : memref<40x64xf32, #tpu.memory_space<vmem_shared>>) target_semaphore(%run_scoped3A_57 : memref<!tpu.dma_semaphore, #tpu.memory_space<semaphore_mem>>)
      %dma_wait3A = arith.constant 0 : i32
      %dma_wait3A_61 = tpu.memref_slice %arg11[%add3A_12, %dma_wait3A] : memref<10240x64xf32, #tpu.memory_space<vmem_shared>> -> memref<40x64xf32, #tpu.memory_space<vmem_shared>>
      %dma_wait3A_62 = arith.constant 0 : i32
      %dma_wait3A_63 = tpu.memref_slice %arg11[%add3A_12, %dma_wait3A_62] : memref<10240x64xf32, #tpu.memory_space<vmem_shared>> -> memref<40x64xf32, #tpu.memory_space<vmem_shared>>
      tpu.wait_dma2 semaphore(%run_scoped3A_57 : memref<!tpu.dma_semaphore, #tpu.memory_space<semaphore_mem>>) src(%arg9 : memref<40x64xf32, #tpu.memory_space<vmem>>) dst(%dma_wait3A_63 : memref<40x64xf32, #tpu.memory_space<vmem_shared>>)
      tpu.yield
    }) : () -> ()
    %add3A_13 = arith.constant 160 : i32
    %add3A_14 = arith.addi %mul3A_0, %add3A_13 : i32
    "tpu.region"() ({
      %run_scoped3A_57 = tpu.sem_alloc : memref<!tpu.dma_semaphore, #tpu.memory_space<semaphore_mem>>
      %dma_start3A = arith.constant 0 : i32
      %dma_start3A_58 = tpu.memref_slice %arg11[%add3A_14, %dma_start3A] : memref<10240x64xf32, #tpu.memory_space<vmem_shared>> -> memref<40x64xf32, #tpu.memory_space<vmem_shared>>
      %dma_start3A_59 = arith.constant 0 : i32
      %dma_start3A_60 = tpu.memref_slice %arg11[%add3A_14, %dma_start3A_59] : memref<10240x64xf32, #tpu.memory_space<vmem_shared>> -> memref<40x64xf32, #tpu.memory_space<vmem_shared>>
      tpu.enqueue_dma source(%arg9 : memref<40x64xf32, #tpu.memory_space<vmem>>) target(%dma_start3A_60 : memref<40x64xf32, #tpu.memory_space<vmem_shared>>) target_semaphore(%run_scoped3A_57 : memref<!tpu.dma_semaphore, #tpu.memory_space<semaphore_mem>>)
      %dma_wait3A = arith.constant 0 : i32
      %dma_wait3A_61 = tpu.memref_slice %arg11[%add3A_14, %dma_wait3A] : memref<10240x64xf32, #tpu.memory_space<vmem_shared>> -> memref<40x64xf32, #tpu.memory_space<vmem_shared>>
      %dma_wait3A_62 = arith.constant 0 : i32
      %dma_wait3A_63 = tpu.memref_slice %arg11[%add3A_14, %dma_wait3A_62] : memref<10240x64xf32, #tpu.memory_space<vmem_shared>> -> memref<40x64xf32, #tpu.memory_space<vmem_shared>>
      tpu.wait_dma2 semaphore(%run_scoped3A_57 : memref<!tpu.dma_semaphore, #tpu.memory_space<semaphore_mem>>) src(%arg9 : memref<40x64xf32, #tpu.memory_space<vmem>>) dst(%dma_wait3A_63 : memref<40x64xf32, #tpu.memory_space<vmem_shared>>)
      tpu.yield
    }) : () -> ()
    %add3A_15 = arith.constant 200 : i32
    %add3A_16 = arith.addi %mul3A_0, %add3A_15 : i32
    "tpu.region"() ({
      %run_scoped3A_57 = tpu.sem_alloc : memref<!tpu.dma_semaphore, #tpu.memory_space<semaphore_mem>>
      %dma_start3A = arith.constant 0 : i32
      %dma_start3A_58 = tpu.memref_slice %arg11[%add3A_16, %dma_start3A] : memref<10240x64xf32, #tpu.memory_space<vmem_shared>> -> memref<40x64xf32, #tpu.memory_space<vmem_shared>>
      %dma_start3A_59 = arith.constant 0 : i32
      %dma_start3A_60 = tpu.memref_slice %arg11[%add3A_16, %dma_start3A_59] : memref<10240x64xf32, #tpu.memory_space<vmem_shared>> -> memref<40x64xf32, #tpu.memory_space<vmem_shared>>
      tpu.enqueue_dma source(%arg9 : memref<40x64xf32, #tpu.memory_space<vmem>>) target(%dma_start3A_60 : memref<40x64xf32, #tpu.memory_space<vmem_shared>>) target_semaphore(%run_scoped3A_57 : memref<!tpu.dma_semaphore, #tpu.memory_space<semaphore_mem>>)
      %dma_wait3A = arith.constant 0 : i32
      %dma_wait3A_61 = tpu.memref_slice %arg11[%add3A_16, %dma_wait3A] : memref<10240x64xf32, #tpu.memory_space<vmem_shared>> -> memref<40x64xf32, #tpu.memory_space<vmem_shared>>
      %dma_wait3A_62 = arith.constant 0 : i32
      %dma_wait3A_63 = tpu.memref_slice %arg11[%add3A_16, %dma_wait3A_62] : memref<10240x64xf32, #tpu.memory_space<vmem_shared>> -> memref<40x64xf32, #tpu.memory_space<vmem_shared>>
      tpu.wait_dma2 semaphore(%run_scoped3A_57 : memref<!tpu.dma_semaphore, #tpu.memory_space<semaphore_mem>>) src(%arg9 : memref<40x64xf32, #tpu.memory_space<vmem>>) dst(%dma_wait3A_63 : memref<40x64xf32, #tpu.memory_space<vmem_shared>>)
      tpu.yield
    }) : () -> ()
    %add3A_17 = arith.constant 240 : i32
    %add3A_18 = arith.addi %mul3A_0, %add3A_17 : i32
    "tpu.region"() ({
      %run_scoped3A_57 = tpu.sem_alloc : memref<!tpu.dma_semaphore, #tpu.memory_space<semaphore_mem>>
      %dma_start3A = arith.constant 0 : i32
      %dma_start3A_58 = tpu.memref_slice %arg11[%add3A_18, %dma_start3A] : memref<10240x64xf32, #tpu.memory_space<vmem_shared>> -> memref<40x64xf32, #tpu.memory_space<vmem_shared>>
      %dma_start3A_59 = arith.constant 0 : i32
      %dma_start3A_60 = tpu.memref_slice %arg11[%add3A_18, %dma_start3A_59] : memref<10240x64xf32, #tpu.memory_space<vmem_shared>> -> memref<40x64xf32, #tpu.memory_space<vmem_shared>>
      tpu.enqueue_dma source(%arg9 : memref<40x64xf32, #tpu.memory_space<vmem>>) target(%dma_start3A_60 : memref<40x64xf32, #tpu.memory_space<vmem_shared>>) target_semaphore(%run_scoped3A_57 : memref<!tpu.dma_semaphore, #tpu.memory_space<semaphore_mem>>)
      %dma_wait3A = arith.constant 0 : i32
      %dma_wait3A_61 = tpu.memref_slice %arg11[%add3A_18, %dma_wait3A] : memref<10240x64xf32, #tpu.memory_space<vmem_shared>> -> memref<40x64xf32, #tpu.memory_space<vmem_shared>>
      %dma_wait3A_62 = arith.constant 0 : i32
      %dma_wait3A_63 = tpu.memref_slice %arg11[%add3A_18, %dma_wait3A_62] : memref<10240x64xf32, #tpu.memory_space<vmem_shared>> -> memref<40x64xf32, #tpu.memory_space<vmem_shared>>
      tpu.wait_dma2 semaphore(%run_scoped3A_57 : memref<!tpu.dma_semaphore, #tpu.memory_space<semaphore_mem>>) src(%arg9 : memref<40x64xf32, #tpu.memory_space<vmem>>) dst(%dma_wait3A_63 : memref<40x64xf32, #tpu.memory_space<vmem_shared>>)
      tpu.yield
    }) : () -> ()
    %add3A_19 = arith.constant 280 : i32
    %add3A_20 = arith.addi %mul3A_0, %add3A_19 : i32
    "tpu.region"() ({
      %run_scoped3A_57 = tpu.sem_alloc : memref<!tpu.dma_semaphore, #tpu.memory_space<semaphore_mem>>
      %dma_start3A = arith.constant 0 : i32
      %dma_start3A_58 = tpu.memref_slice %arg11[%add3A_20, %dma_start3A] : memref<10240x64xf32, #tpu.memory_space<vmem_shared>> -> memref<40x64xf32, #tpu.memory_space<vmem_shared>>
      %dma_start3A_59 = arith.constant 0 : i32
      %dma_start3A_60 = tpu.memref_slice %arg11[%add3A_20, %dma_start3A_59] : memref<10240x64xf32, #tpu.memory_space<vmem_shared>> -> memref<40x64xf32, #tpu.memory_space<vmem_shared>>
      tpu.enqueue_dma source(%arg9 : memref<40x64xf32, #tpu.memory_space<vmem>>) target(%dma_start3A_60 : memref<40x64xf32, #tpu.memory_space<vmem_shared>>) target_semaphore(%run_scoped3A_57 : memref<!tpu.dma_semaphore, #tpu.memory_space<semaphore_mem>>)
      %dma_wait3A = arith.constant 0 : i32
      %dma_wait3A_61 = tpu.memref_slice %arg11[%add3A_20, %dma_wait3A] : memref<10240x64xf32, #tpu.memory_space<vmem_shared>> -> memref<40x64xf32, #tpu.memory_space<vmem_shared>>
      %dma_wait3A_62 = arith.constant 0 : i32
      %dma_wait3A_63 = tpu.memref_slice %arg11[%add3A_20, %dma_wait3A_62] : memref<10240x64xf32, #tpu.memory_space<vmem_shared>> -> memref<40x64xf32, #tpu.memory_space<vmem_shared>>
      tpu.wait_dma2 semaphore(%run_scoped3A_57 : memref<!tpu.dma_semaphore, #tpu.memory_space<semaphore_mem>>) src(%arg9 : memref<40x64xf32, #tpu.memory_space<vmem>>) dst(%dma_wait3A_63 : memref<40x64xf32, #tpu.memory_space<vmem_shared>>)
      tpu.yield
    }) : () -> ()
    %add3A_21 = arith.constant 320 : i32
    %add3A_22 = arith.addi %mul3A_0, %add3A_21 : i32
    "tpu.region"() ({
      %run_scoped3A_57 = tpu.sem_alloc : memref<!tpu.dma_semaphore, #tpu.memory_space<semaphore_mem>>
      %dma_start3A = arith.constant 0 : i32
      %dma_start3A_58 = tpu.memref_slice %arg11[%add3A_22, %dma_start3A] : memref<10240x64xf32, #tpu.memory_space<vmem_shared>> -> memref<40x64xf32, #tpu.memory_space<vmem_shared>>
      %dma_start3A_59 = arith.constant 0 : i32
      %dma_start3A_60 = tpu.memref_slice %arg11[%add3A_22, %dma_start3A_59] : memref<10240x64xf32, #tpu.memory_space<vmem_shared>> -> memref<40x64xf32, #tpu.memory_space<vmem_shared>>
      tpu.enqueue_dma source(%arg9 : memref<40x64xf32, #tpu.memory_space<vmem>>) target(%dma_start3A_60 : memref<40x64xf32, #tpu.memory_space<vmem_shared>>) target_semaphore(%run_scoped3A_57 : memref<!tpu.dma_semaphore, #tpu.memory_space<semaphore_mem>>)
      %dma_wait3A = arith.constant 0 : i32
      %dma_wait3A_61 = tpu.memref_slice %arg11[%add3A_22, %dma_wait3A] : memref<10240x64xf32, #tpu.memory_space<vmem_shared>> -> memref<40x64xf32, #tpu.memory_space<vmem_shared>>
      %dma_wait3A_62 = arith.constant 0 : i32
      %dma_wait3A_63 = tpu.memref_slice %arg11[%add3A_22, %dma_wait3A_62] : memref<10240x64xf32, #tpu.memory_space<vmem_shared>> -> memref<40x64xf32, #tpu.memory_space<vmem_shared>>
      tpu.wait_dma2 semaphore(%run_scoped3A_57 : memref<!tpu.dma_semaphore, #tpu.memory_space<semaphore_mem>>) src(%arg9 : memref<40x64xf32, #tpu.memory_space<vmem>>) dst(%dma_wait3A_63 : memref<40x64xf32, #tpu.memory_space<vmem_shared>>)
      tpu.yield
    }) : () -> ()
    %add3A_23 = arith.constant 360 : i32
    %add3A_24 = arith.addi %mul3A_0, %add3A_23 : i32
    "tpu.region"() ({
      %run_scoped3A_57 = tpu.sem_alloc : memref<!tpu.dma_semaphore, #tpu.memory_space<semaphore_mem>>
      %dma_start3A = arith.constant 0 : i32
      %dma_start3A_58 = tpu.memref_slice %arg11[%add3A_24, %dma_start3A] : memref<10240x64xf32, #tpu.memory_space<vmem_shared>> -> memref<40x64xf32, #tpu.memory_space<vmem_shared>>
      %dma_start3A_59 = arith.constant 0 : i32
      %dma_start3A_60 = tpu.memref_slice %arg11[%add3A_24, %dma_start3A_59] : memref<10240x64xf32, #tpu.memory_space<vmem_shared>> -> memref<40x64xf32, #tpu.memory_space<vmem_shared>>
      tpu.enqueue_dma source(%arg9 : memref<40x64xf32, #tpu.memory_space<vmem>>) target(%dma_start3A_60 : memref<40x64xf32, #tpu.memory_space<vmem_shared>>) target_semaphore(%run_scoped3A_57 : memref<!tpu.dma_semaphore, #tpu.memory_space<semaphore_mem>>)
      %dma_wait3A = arith.constant 0 : i32
      %dma_wait3A_61 = tpu.memref_slice %arg11[%add3A_24, %dma_wait3A] : memref<10240x64xf32, #tpu.memory_space<vmem_shared>> -> memref<40x64xf32, #tpu.memory_space<vmem_shared>>
      %dma_wait3A_62 = arith.constant 0 : i32
      %dma_wait3A_63 = tpu.memref_slice %arg11[%add3A_24, %dma_wait3A_62] : memref<10240x64xf32, #tpu.memory_space<vmem_shared>> -> memref<40x64xf32, #tpu.memory_space<vmem_shared>>
      tpu.wait_dma2 semaphore(%run_scoped3A_57 : memref<!tpu.dma_semaphore, #tpu.memory_space<semaphore_mem>>) src(%arg9 : memref<40x64xf32, #tpu.memory_space<vmem>>) dst(%dma_wait3A_63 : memref<40x64xf32, #tpu.memory_space<vmem_shared>>)
      tpu.yield
    }) : () -> ()
    %add3A_25 = arith.constant 400 : i32
    %add3A_26 = arith.addi %mul3A_0, %add3A_25 : i32
    "tpu.region"() ({
      %run_scoped3A_57 = tpu.sem_alloc : memref<!tpu.dma_semaphore, #tpu.memory_space<semaphore_mem>>
      %dma_start3A = arith.constant 0 : i32
      %dma_start3A_58 = tpu.memref_slice %arg11[%add3A_26, %dma_start3A] : memref<10240x64xf32, #tpu.memory_space<vmem_shared>> -> memref<40x64xf32, #tpu.memory_space<vmem_shared>>
      %dma_start3A_59 = arith.constant 0 : i32
      %dma_start3A_60 = tpu.memref_slice %arg11[%add3A_26, %dma_start3A_59] : memref<10240x64xf32, #tpu.memory_space<vmem_shared>> -> memref<40x64xf32, #tpu.memory_space<vmem_shared>>
      tpu.enqueue_dma source(%arg9 : memref<40x64xf32, #tpu.memory_space<vmem>>) target(%dma_start3A_60 : memref<40x64xf32, #tpu.memory_space<vmem_shared>>) target_semaphore(%run_scoped3A_57 : memref<!tpu.dma_semaphore, #tpu.memory_space<semaphore_mem>>)
      %dma_wait3A = arith.constant 0 : i32
      %dma_wait3A_61 = tpu.memref_slice %arg11[%add3A_26, %dma_wait3A] : memref<10240x64xf32, #tpu.memory_space<vmem_shared>> -> memref<40x64xf32, #tpu.memory_space<vmem_shared>>
      %dma_wait3A_62 = arith.constant 0 : i32
      %dma_wait3A_63 = tpu.memref_slice %arg11[%add3A_26, %dma_wait3A_62] : memref<10240x64xf32, #tpu.memory_space<vmem_shared>> -> memref<40x64xf32, #tpu.memory_space<vmem_shared>>
      tpu.wait_dma2 semaphore(%run_scoped3A_57 : memref<!tpu.dma_semaphore, #tpu.memory_space<semaphore_mem>>) src(%arg9 : memref<40x64xf32, #tpu.memory_space<vmem>>) dst(%dma_wait3A_63 : memref<40x64xf32, #tpu.memory_space<vmem_shared>>)
      tpu.yield
    }) : () -> ()
    %add3A_27 = arith.constant 440 : i32
    %add3A_28 = arith.addi %mul3A_0, %add3A_27 : i32
    "tpu.region"() ({
      %run_scoped3A_57 = tpu.sem_alloc : memref<!tpu.dma_semaphore, #tpu.memory_space<semaphore_mem>>
      %dma_start3A = arith.constant 0 : i32
      %dma_start3A_58 = tpu.memref_slice %arg11[%add3A_28, %dma_start3A] : memref<10240x64xf32, #tpu.memory_space<vmem_shared>> -> memref<40x64xf32, #tpu.memory_space<vmem_shared>>
      %dma_start3A_59 = arith.constant 0 : i32
      %dma_start3A_60 = tpu.memref_slice %arg11[%add3A_28, %dma_start3A_59] : memref<10240x64xf32, #tpu.memory_space<vmem_shared>> -> memref<40x64xf32, #tpu.memory_space<vmem_shared>>
      tpu.enqueue_dma source(%arg9 : memref<40x64xf32, #tpu.memory_space<vmem>>) target(%dma_start3A_60 : memref<40x64xf32, #tpu.memory_space<vmem_shared>>) target_semaphore(%run_scoped3A_57 : memref<!tpu.dma_semaphore, #tpu.memory_space<semaphore_mem>>)
      %dma_wait3A = arith.constant 0 : i32
      %dma_wait3A_61 = tpu.memref_slice %arg11[%add3A_28, %dma_wait3A] : memref<10240x64xf32, #tpu.memory_space<vmem_shared>> -> memref<40x64xf32, #tpu.memory_space<vmem_shared>>
      %dma_wait3A_62 = arith.constant 0 : i32
      %dma_wait3A_63 = tpu.memref_slice %arg11[%add3A_28, %dma_wait3A_62] : memref<10240x64xf32, #tpu.memory_space<vmem_shared>> -> memref<40x64xf32, #tpu.memory_space<vmem_shared>>
      tpu.wait_dma2 semaphore(%run_scoped3A_57 : memref<!tpu.dma_semaphore, #tpu.memory_space<semaphore_mem>>) src(%arg9 : memref<40x64xf32, #tpu.memory_space<vmem>>) dst(%dma_wait3A_63 : memref<40x64xf32, #tpu.memory_space<vmem_shared>>)
      tpu.yield
    }) : () -> ()
    %add3A_29 = arith.constant 480 : i32
    %add3A_30 = arith.addi %mul3A_0, %add3A_29 : i32
    "tpu.region"() ({
      %run_scoped3A_57 = tpu.sem_alloc : memref<!tpu.dma_semaphore, #tpu.memory_space<semaphore_mem>>
      %dma_start3A = arith.constant 0 : i32
      %dma_start3A_58 = tpu.memref_slice %arg11[%add3A_30, %dma_start3A] : memref<10240x64xf32, #tpu.memory_space<vmem_shared>> -> memref<40x64xf32, #tpu.memory_space<vmem_shared>>
      %dma_start3A_59 = arith.constant 0 : i32
      %dma_start3A_60 = tpu.memref_slice %arg11[%add3A_30, %dma_start3A_59] : memref<10240x64xf32, #tpu.memory_space<vmem_shared>> -> memref<40x64xf32, #tpu.memory_space<vmem_shared>>
      tpu.enqueue_dma source(%arg9 : memref<40x64xf32, #tpu.memory_space<vmem>>) target(%dma_start3A_60 : memref<40x64xf32, #tpu.memory_space<vmem_shared>>) target_semaphore(%run_scoped3A_57 : memref<!tpu.dma_semaphore, #tpu.memory_space<semaphore_mem>>)
      %dma_wait3A = arith.constant 0 : i32
      %dma_wait3A_61 = tpu.memref_slice %arg11[%add3A_30, %dma_wait3A] : memref<10240x64xf32, #tpu.memory_space<vmem_shared>> -> memref<40x64xf32, #tpu.memory_space<vmem_shared>>
      %dma_wait3A_62 = arith.constant 0 : i32
      %dma_wait3A_63 = tpu.memref_slice %arg11[%add3A_30, %dma_wait3A_62] : memref<10240x64xf32, #tpu.memory_space<vmem_shared>> -> memref<40x64xf32, #tpu.memory_space<vmem_shared>>
      tpu.wait_dma2 semaphore(%run_scoped3A_57 : memref<!tpu.dma_semaphore, #tpu.memory_space<semaphore_mem>>) src(%arg9 : memref<40x64xf32, #tpu.memory_space<vmem>>) dst(%dma_wait3A_63 : memref<40x64xf32, #tpu.memory_space<vmem_shared>>)
      tpu.yield
    }) : () -> ()
    %add3A_31 = arith.constant 520 : i32
    %add3A_32 = arith.addi %mul3A_0, %add3A_31 : i32
    "tpu.region"() ({
      %run_scoped3A_57 = tpu.sem_alloc : memref<!tpu.dma_semaphore, #tpu.memory_space<semaphore_mem>>
      %dma_start3A = arith.constant 0 : i32
      %dma_start3A_58 = tpu.memref_slice %arg11[%add3A_32, %dma_start3A] : memref<10240x64xf32, #tpu.memory_space<vmem_shared>> -> memref<40x64xf32, #tpu.memory_space<vmem_shared>>
      %dma_start3A_59 = arith.constant 0 : i32
      %dma_start3A_60 = tpu.memref_slice %arg11[%add3A_32, %dma_start3A_59] : memref<10240x64xf32, #tpu.memory_space<vmem_shared>> -> memref<40x64xf32, #tpu.memory_space<vmem_shared>>
      tpu.enqueue_dma source(%arg9 : memref<40x64xf32, #tpu.memory_space<vmem>>) target(%dma_start3A_60 : memref<40x64xf32, #tpu.memory_space<vmem_shared>>) target_semaphore(%run_scoped3A_57 : memref<!tpu.dma_semaphore, #tpu.memory_space<semaphore_mem>>)
      %dma_wait3A = arith.constant 0 : i32
      %dma_wait3A_61 = tpu.memref_slice %arg11[%add3A_32, %dma_wait3A] : memref<10240x64xf32, #tpu.memory_space<vmem_shared>> -> memref<40x64xf32, #tpu.memory_space<vmem_shared>>
      %dma_wait3A_62 = arith.constant 0 : i32
      %dma_wait3A_63 = tpu.memref_slice %arg11[%add3A_32, %dma_wait3A_62] : memref<10240x64xf32, #tpu.memory_space<vmem_shared>> -> memref<40x64xf32, #tpu.memory_space<vmem_shared>>
      tpu.wait_dma2 semaphore(%run_scoped3A_57 : memref<!tpu.dma_semaphore, #tpu.memory_space<semaphore_mem>>) src(%arg9 : memref<40x64xf32, #tpu.memory_space<vmem>>) dst(%dma_wait3A_63 : memref<40x64xf32, #tpu.memory_space<vmem_shared>>)
      tpu.yield
    }) : () -> ()
    %add3A_33 = arith.constant 560 : i32
    %add3A_34 = arith.addi %mul3A_0, %add3A_33 : i32
    "tpu.region"() ({
      %run_scoped3A_57 = tpu.sem_alloc : memref<!tpu.dma_semaphore, #tpu.memory_space<semaphore_mem>>
      %dma_start3A = arith.constant 0 : i32
      %dma_start3A_58 = tpu.memref_slice %arg11[%add3A_34, %dma_start3A] : memref<10240x64xf32, #tpu.memory_space<vmem_shared>> -> memref<40x64xf32, #tpu.memory_space<vmem_shared>>
      %dma_start3A_59 = arith.constant 0 : i32
      %dma_start3A_60 = tpu.memref_slice %arg11[%add3A_34, %dma_start3A_59] : memref<10240x64xf32, #tpu.memory_space<vmem_shared>> -> memref<40x64xf32, #tpu.memory_space<vmem_shared>>
      tpu.enqueue_dma source(%arg9 : memref<40x64xf32, #tpu.memory_space<vmem>>) target(%dma_start3A_60 : memref<40x64xf32, #tpu.memory_space<vmem_shared>>) target_semaphore(%run_scoped3A_57 : memref<!tpu.dma_semaphore, #tpu.memory_space<semaphore_mem>>)
      %dma_wait3A = arith.constant 0 : i32
      %dma_wait3A_61 = tpu.memref_slice %arg11[%add3A_34, %dma_wait3A] : memref<10240x64xf32, #tpu.memory_space<vmem_shared>> -> memref<40x64xf32, #tpu.memory_space<vmem_shared>>
      %dma_wait3A_62 = arith.constant 0 : i32
      %dma_wait3A_63 = tpu.memref_slice %arg11[%add3A_34, %dma_wait3A_62] : memref<10240x64xf32, #tpu.memory_space<vmem_shared>> -> memref<40x64xf32, #tpu.memory_space<vmem_shared>>
      tpu.wait_dma2 semaphore(%run_scoped3A_57 : memref<!tpu.dma_semaphore, #tpu.memory_space<semaphore_mem>>) src(%arg9 : memref<40x64xf32, #tpu.memory_space<vmem>>) dst(%dma_wait3A_63 : memref<40x64xf32, #tpu.memory_space<vmem_shared>>)
      tpu.yield
    }) : () -> ()
    %add3A_35 = arith.constant 600 : i32
    %add3A_36 = arith.addi %mul3A_0, %add3A_35 : i32
    "tpu.region"() ({
      %run_scoped3A_57 = tpu.sem_alloc : memref<!tpu.dma_semaphore, #tpu.memory_space<semaphore_mem>>
      %dma_start3A = arith.constant 0 : i32
      %dma_start3A_58 = tpu.memref_slice %arg11[%add3A_36, %dma_start3A] : memref<10240x64xf32, #tpu.memory_space<vmem_shared>> -> memref<40x64xf32, #tpu.memory_space<vmem_shared>>
      %dma_start3A_59 = arith.constant 0 : i32
      %dma_start3A_60 = tpu.memref_slice %arg11[%add3A_36, %dma_start3A_59] : memref<10240x64xf32, #tpu.memory_space<vmem_shared>> -> memref<40x64xf32, #tpu.memory_space<vmem_shared>>
      tpu.enqueue_dma source(%arg9 : memref<40x64xf32, #tpu.memory_space<vmem>>) target(%dma_start3A_60 : memref<40x64xf32, #tpu.memory_space<vmem_shared>>) target_semaphore(%run_scoped3A_57 : memref<!tpu.dma_semaphore, #tpu.memory_space<semaphore_mem>>)
      %dma_wait3A = arith.constant 0 : i32
      %dma_wait3A_61 = tpu.memref_slice %arg11[%add3A_36, %dma_wait3A] : memref<10240x64xf32, #tpu.memory_space<vmem_shared>> -> memref<40x64xf32, #tpu.memory_space<vmem_shared>>
      %dma_wait3A_62 = arith.constant 0 : i32
      %dma_wait3A_63 = tpu.memref_slice %arg11[%add3A_36, %dma_wait3A_62] : memref<10240x64xf32, #tpu.memory_space<vmem_shared>> -> memref<40x64xf32, #tpu.memory_space<vmem_shared>>
      tpu.wait_dma2 semaphore(%run_scoped3A_57 : memref<!tpu.dma_semaphore, #tpu.memory_space<semaphore_mem>>) src(%arg9 : memref<40x64xf32, #tpu.memory_space<vmem>>) dst(%dma_wait3A_63 : memref<40x64xf32, #tpu.memory_space<vmem_shared>>)
      tpu.yield
    }) : () -> ()
    %mul3A_37 = arith.constant 20000 : i32
    %mul3A_38 = arith.muli %arg1, %mul3A_37 : i32
    %run_scoped3A = arith.constant 0 : i32
    "tpu.region"() ({
      %run_scoped3A_57 = tpu.sem_alloc : memref<!tpu.dma_semaphore, #tpu.memory_space<semaphore_mem>>
      %dma_start3A = tpu.memref_slice %arg3[%run_scoped3A, %mul3A_38] : memref<2x320000xi32, #tpu.memory_space<hbm>> -> memref<1x20000xi32, #tpu.memory_space<hbm>>
      %dma_start3A_58 = tpu.memref_squeeze %dma_start3A : memref<1x20000xi32, #tpu.memory_space<hbm>> -> memref<20000xi32, #tpu.memory_space<hbm>>
      %dma_start3A_59 = tpu.memref_slice %arg3[%run_scoped3A, %mul3A_38] : memref<2x320000xi32, #tpu.memory_space<hbm>> -> memref<1x20000xi32, #tpu.memory_space<hbm>>
      %dma_start3A_60 = tpu.memref_squeeze %dma_start3A_59 : memref<1x20000xi32, #tpu.memory_space<hbm>> -> memref<20000xi32, #tpu.memory_space<hbm>>
      tpu.enqueue_dma source(%dma_start3A_60 : memref<20000xi32, #tpu.memory_space<hbm>>) target(%arg6 : memref<20000xi32, #tpu.memory_space<vmem>>) target_semaphore(%run_scoped3A_57 : memref<!tpu.dma_semaphore, #tpu.memory_space<semaphore_mem>>)
      %dma_wait3A = tpu.memref_slice %arg3[%run_scoped3A, %mul3A_38] : memref<2x320000xi32, #tpu.memory_space<hbm>> -> memref<1x20000xi32, #tpu.memory_space<hbm>>
      %dma_wait3A_61 = tpu.memref_squeeze %dma_wait3A : memref<1x20000xi32, #tpu.memory_space<hbm>> -> memref<20000xi32, #tpu.memory_space<hbm>>
      %dma_wait3A_62 = tpu.memref_slice %arg3[%run_scoped3A, %mul3A_38] : memref<2x320000xi32, #tpu.memory_space<hbm>> -> memref<1x20000xi32, #tpu.memory_space<hbm>>
      %dma_wait3A_63 = tpu.memref_squeeze %dma_wait3A_62 : memref<1x20000xi32, #tpu.memory_space<hbm>> -> memref<20000xi32, #tpu.memory_space<hbm>>
      tpu.wait_dma2 semaphore(%run_scoped3A_57 : memref<!tpu.dma_semaphore, #tpu.memory_space<semaphore_mem>>) src(%dma_wait3A_63 : memref<20000xi32, #tpu.memory_space<hbm>>) dst(%arg6 : memref<20000xi32, #tpu.memory_space<vmem>>)
      tpu.yield
    }) : () -> ()
    %mul3A_39 = arith.constant 20000 : i32
    %mul3A_40 = arith.muli %arg1, %mul3A_39 : i32
    %run_scoped3A_41 = arith.constant 1 : i32
    "tpu.region"() ({
      %run_scoped3A_57 = tpu.sem_alloc : memref<!tpu.dma_semaphore, #tpu.memory_space<semaphore_mem>>
      %dma_start3A = tpu.memref_slice %arg3[%run_scoped3A_41, %mul3A_40] : memref<2x320000xi32, #tpu.memory_space<hbm>> -> memref<1x20000xi32, #tpu.memory_space<hbm>>
      %dma_start3A_58 = tpu.memref_squeeze %dma_start3A : memref<1x20000xi32, #tpu.memory_space<hbm>> -> memref<20000xi32, #tpu.memory_space<hbm>>
      %dma_start3A_59 = tpu.memref_slice %arg3[%run_scoped3A_41, %mul3A_40] : memref<2x320000xi32, #tpu.memory_space<hbm>> -> memref<1x20000xi32, #tpu.memory_space<hbm>>
      %dma_start3A_60 = tpu.memref_squeeze %dma_start3A_59 : memref<1x20000xi32, #tpu.memory_space<hbm>> -> memref<20000xi32, #tpu.memory_space<hbm>>
      tpu.enqueue_dma source(%dma_start3A_60 : memref<20000xi32, #tpu.memory_space<hbm>>) target(%arg7 : memref<20000xi32, #tpu.memory_space<vmem>>) target_semaphore(%run_scoped3A_57 : memref<!tpu.dma_semaphore, #tpu.memory_space<semaphore_mem>>)
      %dma_wait3A = tpu.memref_slice %arg3[%run_scoped3A_41, %mul3A_40] : memref<2x320000xi32, #tpu.memory_space<hbm>> -> memref<1x20000xi32, #tpu.memory_space<hbm>>
      %dma_wait3A_61 = tpu.memref_squeeze %dma_wait3A : memref<1x20000xi32, #tpu.memory_space<hbm>> -> memref<20000xi32, #tpu.memory_space<hbm>>
      %dma_wait3A_62 = tpu.memref_slice %arg3[%run_scoped3A_41, %mul3A_40] : memref<2x320000xi32, #tpu.memory_space<hbm>> -> memref<1x20000xi32, #tpu.memory_space<hbm>>
      %dma_wait3A_63 = tpu.memref_squeeze %dma_wait3A_62 : memref<1x20000xi32, #tpu.memory_space<hbm>> -> memref<20000xi32, #tpu.memory_space<hbm>>
      tpu.wait_dma2 semaphore(%run_scoped3A_57 : memref<!tpu.dma_semaphore, #tpu.memory_space<semaphore_mem>>) src(%dma_wait3A_63 : memref<20000xi32, #tpu.memory_space<hbm>>) dst(%arg7 : memref<20000xi32, #tpu.memory_space<vmem>>)
      tpu.yield
    }) : () -> ()
    %scan3A_42 = arith.constant 0 : i32
    %scan3A_43 = arith.constant 0 : i32
    %scan3A_44 = arith.constant 1250 : i32
    %scan3A_45 = arith.addi %scan3A_43, %scan3A_44 : i32
    %scan3A_46 = arith.constant 1 : i32
    scf.for %scan3A_57 = %scan3A_43 to %scan3A_45 step %scan3A_46  : i32 {
      %mul3A_58 = arith.constant 16 : i32
      %mul3A_59 = arith.muli %scan3A_57, %mul3A_58 : i32
      %get3A = arith.index_cast %mul3A_59 : i32 to index
      %get3A_60 = tpu.vector_load %arg6[%get3A] {strides = array<i32>} : memref<20000xi32, #tpu.memory_space<vmem>>, vector<16xi32>,
      %add3A_61 = arith.addi %get3A_60, %get3A_60 : vector<16xi32>
      %add3A_62 = vector.broadcast %arg0 : i32 to vector<16xi32>
      %add3A_63 = arith.addi %add3A_61, %add3A_62 : vector<16xi32>
      %mul3A_64 = arith.constant 16 : i32
      %mul3A_65 = arith.muli %scan3A_57, %mul3A_64 : i32
      %swap3A = arith.index_cast %mul3A_65 : i32 to index
      %swap3A_66 = tpu.vector_load %arg6[%swap3A] {strides = array<i32>} : memref<20000xi32, #tpu.memory_space<vmem>>, vector<16xi32>,
      tpu.vector_store %arg6[%swap3A], %add3A_63 {strides = array<i32>} : memref<20000xi32, #tpu.memory_space<vmem>>, vector<16xi32>,
    }
    %scan3A_47 = arith.constant 1250 : i32
    %eq3A = arith.constant 0 : i32
    %eq3A_48 = arith.cmpi eq, %arg0, %eq3A : i32
    %convert_element_type3A = arith.extui %eq3A_48 : i1 to i32
    %cond3A = arith.constant 0 : i32
    %cond3A_49 = arith.cmpi ne, %convert_element_type3A, %cond3A : i32
    scf.if %cond3A_49 {
      %scan3A_57 = arith.constant 0 : i32
      %scan3A_58 = arith.constant 0 : i32
      %scan3A_59 = arith.constant 640 : i32
      %scan3A_60 = arith.addi %scan3A_58, %scan3A_59 : i32
      %scan3A_61 = arith.constant 1 : i32
      scf.for %scan3A_69 = %scan3A_58 to %scan3A_60 step %scan3A_61  : i32 {
        %broadcast_in_dim3A = arith.constant 0.000000e+00 : f32
        %broadcast_in_dim3A_70 = vector.broadcast %broadcast_in_dim3A : f32 to vector<16xf32>
        %mul3A_71 = arith.constant 16 : i32
        %mul3A_72 = arith.muli %scan3A_69, %mul3A_71 : i32
        %swap3A = arith.index_cast %mul3A_72 : i32 to index
        %swap3A_73 = tpu.vector_load %arg10[%swap3A] {strides = array<i32>} : memref<10240xf32, #tpu.memory_space<vmem>>, vector<16xf32>,
        tpu.vector_store %arg10[%swap3A], %broadcast_in_dim3A_70 {strides = array<i32>} : memref<10240xf32, #tpu.memory_space<vmem>>, vector<16xf32>,
      }
      %scan3A_62 = arith.constant 640 : i32
      %scan3A_63 = arith.constant 0 : i32
      %scan3A_64 = arith.constant 0 : i32
      %scan3A_65 = arith.constant 1250 : i32
      %scan3A_66 = arith.addi %scan3A_64, %scan3A_65 : i32
      %scan3A_67 = arith.constant 1 : i32
      scf.for %scan3A_69 = %scan3A_64 to %scan3A_66 step %scan3A_67  : i32 {
        %mul3A_70 = arith.constant 16 : i32
        %mul3A_71 = arith.muli %scan3A_69, %mul3A_70 : i32
        %get3A = arith.index_cast %mul3A_71 : i32 to index
        %get3A_72 = tpu.vector_load %arg7[%get3A] {strides = array<i32>} : memref<20000xi32, #tpu.memory_space<vmem>>, vector<16xi32>,
        %broadcast_in_dim3A = arith.constant 1.000000e+00 : f32
        %broadcast_in_dim3A_73 = vector.broadcast %broadcast_in_dim3A : f32 to vector<16xf32>
        tpu.vector_store_idx %arg10[%get3A_72], %broadcast_in_dim3A_73 {add = true} : memref<10240xf32, #tpu.memory_space<vmem>>[vector<16xi32>], vector<16xf32>,
      }
      %scan3A_68 = arith.constant 1250 : i32
      "tpu.region"() ({
        %run_scoped3A_69 = tpu.sem_alloc : memref<!tpu.dma_semaphore, #tpu.memory_space<semaphore_mem>>
        %dma_start3A = arith.constant 0 : i32
        %dma_start3A_70 = tpu.memref_slice %arg5[%arg1, %dma_start3A] : memref<16x10240xf32, #tpu.memory_space<hbm>> -> memref<1x10240xf32, #tpu.memory_space<hbm>>
        %dma_start3A_71 = tpu.memref_squeeze %dma_start3A_70 : memref<1x10240xf32, #tpu.memory_space<hbm>> -> memref<10240xf32, #tpu.memory_space<hbm>>
        %dma_start3A_72 = arith.constant 0 : i32
        %dma_start3A_73 = tpu.memref_slice %arg5[%arg1, %dma_start3A_72] : memref<16x10240xf32, #tpu.memory_space<hbm>> -> memref<1x10240xf32, #tpu.memory_space<hbm>>
        %dma_start3A_74 = tpu.memref_squeeze %dma_start3A_73 : memref<1x10240xf32, #tpu.memory_space<hbm>> -> memref<10240xf32, #tpu.memory_space<hbm>>
        tpu.enqueue_dma source(%arg10 : memref<10240xf32, #tpu.memory_space<vmem>>) target(%dma_start3A_74 : memref<10240xf32, #tpu.memory_space<hbm>>) target_semaphore(%run_scoped3A_69 : memref<!tpu.dma_semaphore, #tpu.memory_space<semaphore_mem>>)
        %dma_wait3A = arith.constant 0 : i32
        %dma_wait3A_75 = tpu.memref_slice %arg5[%arg1, %dma_wait3A] : memref<16x10240xf32, #tpu.memory_space<hbm>> -> memref<1x10240xf32, #tpu.memory_space<hbm>>
        %dma_wait3A_76 = tpu.memref_squeeze %dma_wait3A_75 : memref<1x10240xf32, #tpu.memory_space<hbm>> -> memref<10240xf32, #tpu.memory_space<hbm>>
        %dma_wait3A_77 = arith.constant 0 : i32
        %dma_wait3A_78 = tpu.memref_slice %arg5[%arg1, %dma_wait3A_77] : memref<16x10240xf32, #tpu.memory_space<hbm>> -> memref<1x10240xf32, #tpu.memory_space<hbm>>
        %dma_wait3A_79 = tpu.memref_squeeze %dma_wait3A_78 : memref<1x10240xf32, #tpu.memory_space<hbm>> -> memref<10240xf32, #tpu.memory_space<hbm>>
        tpu.wait_dma2 semaphore(%run_scoped3A_69 : memref<!tpu.dma_semaphore, #tpu.memory_space<semaphore_mem>>) src(%arg10 : memref<10240xf32, #tpu.memory_space<vmem>>) dst(%dma_wait3A_79 : memref<10240xf32, #tpu.memory_space<hbm>>)
        tpu.yield
      }) : () -> ()
    } else {
    }
    %barrier3A = arith.constant 0 : index
    tpu.barrier barrier_id(%barrier3A)
    %scan3A_50 = arith.constant 0 : i32
    %scan3A_51 = arith.constant 0 : i32
    %scan3A_52 = arith.constant 50 : i32
    %scan3A_53 = arith.addi %scan3A_51, %scan3A_52 : i32
    %scan3A_54 = arith.constant 1 : i32
    scf.for %scan3A_57 = %scan3A_51 to %scan3A_53 step %scan3A_54  : i32 {
      %mul3A_58 = arith.constant 10 : i32
      %mul3A_59 = arith.muli %scan3A_57, %mul3A_58 : i32
      %add3A_60 = arith.constant 0 : i32
      %add3A_61 = arith.addi %mul3A_59, %add3A_60 : i32
      %mul3A_62 = arith.constant 40 : i32
      %mul3A_63 = arith.muli %add3A_61, %mul3A_62 : i32
      %dma_start3A = arith.constant 0 : i32
      %dma_start3A_64 = arith.constant 0 : i32
      %dma_start3A_65 = arith.constant 0 : i32
      %dma_start3A_66 = tpu.memref_slice %arg8[%dma_start3A, %dma_start3A_64, %dma_start3A_65] : memref<10x40x64xf32, #tpu.memory_space<vmem>> -> memref<1x40x64xf32, #tpu.memory_space<vmem>>
      %dma_start3A_67 = tpu.memref_squeeze %dma_start3A_66 : memref<1x40x64xf32, #tpu.memory_space<vmem>> -> memref<40x64xf32, #tpu.memory_space<vmem>>
      %dma_start3A_68 = tpu.memref_slice %arg6[%mul3A_63] : memref<20000xi32, #tpu.memory_space<vmem>> -> memref<40xi32, #tpu.memory_space<vmem>>
      %dma_start3A_69 = arith.constant 0 : i32
      %dma_start3A_70 = arith.constant 0 : i32
      %dma_start3A_71 = tpu.memref_slice %arg2[%dma_start3A_69, %dma_start3A_70] : memref<20000x64xf32, #tpu.memory_space<hbm>> -> memref<20000x64xf32, #tpu.memory_space<hbm>>
      tpu.enqueue_indirect_dma source(%dma_start3A_71 : memref<20000x64xf32, #tpu.memory_space<hbm>>) target(%dma_start3A_67 : memref<40x64xf32, #tpu.memory_space<vmem>>) offsets(%dma_start3A_68 : memref<40xi32, #tpu.memory_space<vmem>>) semaphore(%arg12 : memref<!tpu.dma_semaphore, #tpu.memory_space<semaphore_mem>>)
      %add3A_72 = arith.constant 1 : i32
      %add3A_73 = arith.addi %mul3A_59, %add3A_72 : i32
      %mul3A_74 = arith.constant 40 : i32
      %mul3A_75 = arith.muli %add3A_73, %mul3A_74 : i32
      %dma_start3A_76 = arith.constant 1 : i32
      %dma_start3A_77 = arith.constant 0 : i32
      %dma_start3A_78 = arith.constant 0 : i32
      %dma_start3A_79 = tpu.memref_slice %arg8[%dma_start3A_76, %dma_start3A_77, %dma_start3A_78] : memref<10x40x64xf32, #tpu.memory_space<vmem>> -> memref<1x40x64xf32, #tpu.memory_space<vmem>>
      %dma_start3A_80 = tpu.memref_squeeze %dma_start3A_79 : memref<1x40x64xf32, #tpu.memory_space<vmem>> -> memref<40x64xf32, #tpu.memory_space<vmem>>
      %dma_start3A_81 = tpu.memref_slice %arg6[%mul3A_75] : memref<20000xi32, #tpu.memory_space<vmem>> -> memref<40xi32, #tpu.memory_space<vmem>>
      %dma_start3A_82 = arith.constant 0 : i32
      %dma_start3A_83 = arith.constant 0 : i32
      %dma_start3A_84 = tpu.memref_slice %arg2[%dma_start3A_82, %dma_start3A_83] : memref<20000x64xf32, #tpu.memory_space<hbm>> -> memref<20000x64xf32, #tpu.memory_space<hbm>>
      tpu.enqueue_indirect_dma source(%dma_start3A_84 : memref<20000x64xf32, #tpu.memory_space<hbm>>) target(%dma_start3A_80 : memref<40x64xf32, #tpu.memory_space<vmem>>) offsets(%dma_start3A_81 : memref<40xi32, #tpu.memory_space<vmem>>) semaphore(%arg12 : memref<!tpu.dma_semaphore, #tpu.memory_space<semaphore_mem>>)
      %add3A_85 = arith.constant 2 : i32
      %add3A_86 = arith.addi %mul3A_59, %add3A_85 : i32
      %mul3A_87 = arith.constant 40 : i32
      %mul3A_88 = arith.muli %add3A_86, %mul3A_87 : i32
      %dma_start3A_89 = arith.constant 2 : i32
      %dma_start3A_90 = arith.constant 0 : i32
      %dma_start3A_91 = arith.constant 0 : i32
      %dma_start3A_92 = tpu.memref_slice %arg8[%dma_start3A_89, %dma_start3A_90, %dma_start3A_91] : memref<10x40x64xf32, #tpu.memory_space<vmem>> -> memref<1x40x64xf32, #tpu.memory_space<vmem>>
      %dma_start3A_93 = tpu.memref_squeeze %dma_start3A_92 : memref<1x40x64xf32, #tpu.memory_space<vmem>> -> memref<40x64xf32, #tpu.memory_space<vmem>>
      %dma_start3A_94 = tpu.memref_slice %arg6[%mul3A_88] : memref<20000xi32, #tpu.memory_space<vmem>> -> memref<40xi32, #tpu.memory_space<vmem>>
      %dma_start3A_95 = arith.constant 0 : i32
      %dma_start3A_96 = arith.constant 0 : i32
      %dma_start3A_97 = tpu.memref_slice %arg2[%dma_start3A_95, %dma_start3A_96] : memref<20000x64xf32, #tpu.memory_space<hbm>> -> memref<20000x64xf32, #tpu.memory_space<hbm>>
      tpu.enqueue_indirect_dma source(%dma_start3A_97 : memref<20000x64xf32, #tpu.memory_space<hbm>>) target(%dma_start3A_93 : memref<40x64xf32, #tpu.memory_space<vmem>>) offsets(%dma_start3A_94 : memref<40xi32, #tpu.memory_space<vmem>>) semaphore(%arg12 : memref<!tpu.dma_semaphore, #tpu.memory_space<semaphore_mem>>)
      %add3A_98 = arith.constant 3 : i32
      %add3A_99 = arith.addi %mul3A_59, %add3A_98 : i32
      %mul3A_100 = arith.constant 40 : i32
      %mul3A_101 = arith.muli %add3A_99, %mul3A_100 : i32
      %dma_start3A_102 = arith.constant 3 : i32
      %dma_start3A_103 = arith.constant 0 : i32
      %dma_start3A_104 = arith.constant 0 : i32
      %dma_start3A_105 = tpu.memref_slice %arg8[%dma_start3A_102, %dma_start3A_103, %dma_start3A_104] : memref<10x40x64xf32, #tpu.memory_space<vmem>> -> memref<1x40x64xf32, #tpu.memory_space<vmem>>
      %dma_start3A_106 = tpu.memref_squeeze %dma_start3A_105 : memref<1x40x64xf32, #tpu.memory_space<vmem>> -> memref<40x64xf32, #tpu.memory_space<vmem>>
      %dma_start3A_107 = tpu.memref_slice %arg6[%mul3A_101] : memref<20000xi32, #tpu.memory_space<vmem>> -> memref<40xi32, #tpu.memory_space<vmem>>
      %dma_start3A_108 = arith.constant 0 : i32
      %dma_start3A_109 = arith.constant 0 : i32
      %dma_start3A_110 = tpu.memref_slice %arg2[%dma_start3A_108, %dma_start3A_109] : memref<20000x64xf32, #tpu.memory_space<hbm>> -> memref<20000x64xf32, #tpu.memory_space<hbm>>
      tpu.enqueue_indirect_dma source(%dma_start3A_110 : memref<20000x64xf32, #tpu.memory_space<hbm>>) target(%dma_start3A_106 : memref<40x64xf32, #tpu.memory_space<vmem>>) offsets(%dma_start3A_107 : memref<40xi32, #tpu.memory_space<vmem>>) semaphore(%arg12 : memref<!tpu.dma_semaphore, #tpu.memory_space<semaphore_mem>>)
      %add3A_111 = arith.constant 4 : i32
      %add3A_112 = arith.addi %mul3A_59, %add3A_111 : i32
      %mul3A_113 = arith.constant 40 : i32
      %mul3A_114 = arith.muli %add3A_112, %mul3A_113 : i32
      %dma_start3A_115 = arith.constant 4 : i32
      %dma_start3A_116 = arith.constant 0 : i32
      %dma_start3A_117 = arith.constant 0 : i32
      %dma_start3A_118 = tpu.memref_slice %arg8[%dma_start3A_115, %dma_start3A_116, %dma_start3A_117] : memref<10x40x64xf32, #tpu.memory_space<vmem>> -> memref<1x40x64xf32, #tpu.memory_space<vmem>>
      %dma_start3A_119 = tpu.memref_squeeze %dma_start3A_118 : memref<1x40x64xf32, #tpu.memory_space<vmem>> -> memref<40x64xf32, #tpu.memory_space<vmem>>
      %dma_start3A_120 = tpu.memref_slice %arg6[%mul3A_114] : memref<20000xi32, #tpu.memory_space<vmem>> -> memref<40xi32, #tpu.memory_space<vmem>>
      %dma_start3A_121 = arith.constant 0 : i32
      %dma_start3A_122 = arith.constant 0 : i32
      %dma_start3A_123 = tpu.memref_slice %arg2[%dma_start3A_121, %dma_start3A_122] : memref<20000x64xf32, #tpu.memory_space<hbm>> -> memref<20000x64xf32, #tpu.memory_space<hbm>>
      tpu.enqueue_indirect_dma source(%dma_start3A_123 : memref<20000x64xf32, #tpu.memory_space<hbm>>) target(%dma_start3A_119 : memref<40x64xf32, #tpu.memory_space<vmem>>) offsets(%dma_start3A_120 : memref<40xi32, #tpu.memory_space<vmem>>) semaphore(%arg12 : memref<!tpu.dma_semaphore, #tpu.memory_space<semaphore_mem>>)
      %add3A_124 = arith.constant 5 : i32
      %add3A_125 = arith.addi %mul3A_59, %add3A_124 : i32
      %mul3A_126 = arith.constant 40 : i32
      %mul3A_127 = arith.muli %add3A_125, %mul3A_126 : i32
      %dma_start3A_128 = arith.constant 5 : i32
      %dma_start3A_129 = arith.constant 0 : i32
      %dma_start3A_130 = arith.constant 0 : i32
      %dma_start3A_131 = tpu.memref_slice %arg8[%dma_start3A_128, %dma_start3A_129, %dma_start3A_130] : memref<10x40x64xf32, #tpu.memory_space<vmem>> -> memref<1x40x64xf32, #tpu.memory_space<vmem>>
      %dma_start3A_132 = tpu.memref_squeeze %dma_start3A_131 : memref<1x40x64xf32, #tpu.memory_space<vmem>> -> memref<40x64xf32, #tpu.memory_space<vmem>>
      %dma_start3A_133 = tpu.memref_slice %arg6[%mul3A_127] : memref<20000xi32, #tpu.memory_space<vmem>> -> memref<40xi32, #tpu.memory_space<vmem>>
      %dma_start3A_134 = arith.constant 0 : i32
      %dma_start3A_135 = arith.constant 0 : i32
      %dma_start3A_136 = tpu.memref_slice %arg2[%dma_start3A_134, %dma_start3A_135] : memref<20000x64xf32, #tpu.memory_space<hbm>> -> memref<20000x64xf32, #tpu.memory_space<hbm>>
      tpu.enqueue_indirect_dma source(%dma_start3A_136 : memref<20000x64xf32, #tpu.memory_space<hbm>>) target(%dma_start3A_132 : memref<40x64xf32, #tpu.memory_space<vmem>>) offsets(%dma_start3A_133 : memref<40xi32, #tpu.memory_space<vmem>>) semaphore(%arg12 : memref<!tpu.dma_semaphore, #tpu.memory_space<semaphore_mem>>)
      %add3A_137 = arith.constant 6 : i32
      %add3A_138 = arith.addi %mul3A_59, %add3A_137 : i32
      %mul3A_139 = arith.constant 40 : i32
      %mul3A_140 = arith.muli %add3A_138, %mul3A_139 : i32
      %dma_start3A_141 = arith.constant 6 : i32
      %dma_start3A_142 = arith.constant 0 : i32
      %dma_start3A_143 = arith.constant 0 : i32
      %dma_start3A_144 = tpu.memref_slice %arg8[%dma_start3A_141, %dma_start3A_142, %dma_start3A_143] : memref<10x40x64xf32, #tpu.memory_space<vmem>> -> memref<1x40x64xf32, #tpu.memory_space<vmem>>
      %dma_start3A_145 = tpu.memref_squeeze %dma_start3A_144 : memref<1x40x64xf32, #tpu.memory_space<vmem>> -> memref<40x64xf32, #tpu.memory_space<vmem>>
      %dma_start3A_146 = tpu.memref_slice %arg6[%mul3A_140] : memref<20000xi32, #tpu.memory_space<vmem>> -> memref<40xi32, #tpu.memory_space<vmem>>
      %dma_start3A_147 = arith.constant 0 : i32
      %dma_start3A_148 = arith.constant 0 : i32
      %dma_start3A_149 = tpu.memref_slice %arg2[%dma_start3A_147, %dma_start3A_148] : memref<20000x64xf32, #tpu.memory_space<hbm>> -> memref<20000x64xf32, #tpu.memory_space<hbm>>
      tpu.enqueue_indirect_dma source(%dma_start3A_149 : memref<20000x64xf32, #tpu.memory_space<hbm>>) target(%dma_start3A_145 : memref<40x64xf32, #tpu.memory_space<vmem>>) offsets(%dma_start3A_146 : memref<40xi32, #tpu.memory_space<vmem>>) semaphore(%arg12 : memref<!tpu.dma_semaphore, #tpu.memory_space<semaphore_mem>>)
      %add3A_150 = arith.constant 7 : i32
      %add3A_151 = arith.addi %mul3A_59, %add3A_150 : i32
      %mul3A_152 = arith.constant 40 : i32
      %mul3A_153 = arith.muli %add3A_151, %mul3A_152 : i32
      %dma_start3A_154 = arith.constant 7 : i32
      %dma_start3A_155 = arith.constant 0 : i32
      %dma_start3A_156 = arith.constant 0 : i32
      %dma_start3A_157 = tpu.memref_slice %arg8[%dma_start3A_154, %dma_start3A_155, %dma_start3A_156] : memref<10x40x64xf32, #tpu.memory_space<vmem>> -> memref<1x40x64xf32, #tpu.memory_space<vmem>>
      %dma_start3A_158 = tpu.memref_squeeze %dma_start3A_157 : memref<1x40x64xf32, #tpu.memory_space<vmem>> -> memref<40x64xf32, #tpu.memory_space<vmem>>
      %dma_start3A_159 = tpu.memref_slice %arg6[%mul3A_153] : memref<20000xi32, #tpu.memory_space<vmem>> -> memref<40xi32, #tpu.memory_space<vmem>>
      %dma_start3A_160 = arith.constant 0 : i32
      %dma_start3A_161 = arith.constant 0 : i32
      %dma_start3A_162 = tpu.memref_slice %arg2[%dma_start3A_160, %dma_start3A_161] : memref<20000x64xf32, #tpu.memory_space<hbm>> -> memref<20000x64xf32, #tpu.memory_space<hbm>>
      tpu.enqueue_indirect_dma source(%dma_start3A_162 : memref<20000x64xf32, #tpu.memory_space<hbm>>) target(%dma_start3A_158 : memref<40x64xf32, #tpu.memory_space<vmem>>) offsets(%dma_start3A_159 : memref<40xi32, #tpu.memory_space<vmem>>) semaphore(%arg12 : memref<!tpu.dma_semaphore, #tpu.memory_space<semaphore_mem>>)
      %add3A_163 = arith.constant 8 : i32
      %add3A_164 = arith.addi %mul3A_59, %add3A_163 : i32
      %mul3A_165 = arith.constant 40 : i32
      %mul3A_166 = arith.muli %add3A_164, %mul3A_165 : i32
      %dma_start3A_167 = arith.constant 8 : i32
      %dma_start3A_168 = arith.constant 0 : i32
      %dma_start3A_169 = arith.constant 0 : i32
      %dma_start3A_170 = tpu.memref_slice %arg8[%dma_start3A_167, %dma_start3A_168, %dma_start3A_169] : memref<10x40x64xf32, #tpu.memory_space<vmem>> -> memref<1x40x64xf32, #tpu.memory_space<vmem>>
      %dma_start3A_171 = tpu.memref_squeeze %dma_start3A_170 : memref<1x40x64xf32, #tpu.memory_space<vmem>> -> memref<40x64xf32, #tpu.memory_space<vmem>>
      %dma_start3A_172 = tpu.memref_slice %arg6[%mul3A_166] : memref<20000xi32, #tpu.memory_space<vmem>> -> memref<40xi32, #tpu.memory_space<vmem>>
      %dma_start3A_173 = arith.constant 0 : i32
      %dma_start3A_174 = arith.constant 0 : i32
      %dma_start3A_175 = tpu.memref_slice %arg2[%dma_start3A_173, %dma_start3A_174] : memref<20000x64xf32, #tpu.memory_space<hbm>> -> memref<20000x64xf32, #tpu.memory_space<hbm>>
      tpu.enqueue_indirect_dma source(%dma_start3A_175 : memref<20000x64xf32, #tpu.memory_space<hbm>>) target(%dma_start3A_171 : memref<40x64xf32, #tpu.memory_space<vmem>>) offsets(%dma_start3A_172 : memref<40xi32, #tpu.memory_space<vmem>>) semaphore(%arg12 : memref<!tpu.dma_semaphore, #tpu.memory_space<semaphore_mem>>)
      %add3A_176 = arith.constant 9 : i32
      %add3A_177 = arith.addi %mul3A_59, %add3A_176 : i32
      %mul3A_178 = arith.constant 40 : i32
      %mul3A_179 = arith.muli %add3A_177, %mul3A_178 : i32
      %dma_start3A_180 = arith.constant 9 : i32
      %dma_start3A_181 = arith.constant 0 : i32
      %dma_start3A_182 = arith.constant 0 : i32
      %dma_start3A_183 = tpu.memref_slice %arg8[%dma_start3A_180, %dma_start3A_181, %dma_start3A_182] : memref<10x40x64xf32, #tpu.memory_space<vmem>> -> memref<1x40x64xf32, #tpu.memory_space<vmem>>
      %dma_start3A_184 = tpu.memref_squeeze %dma_start3A_183 : memref<1x40x64xf32, #tpu.memory_space<vmem>> -> memref<40x64xf32, #tpu.memory_space<vmem>>
      %dma_start3A_185 = tpu.memref_slice %arg6[%mul3A_179] : memref<20000xi32, #tpu.memory_space<vmem>> -> memref<40xi32, #tpu.memory_space<vmem>>
      %dma_start3A_186 = arith.constant 0 : i32
      %dma_start3A_187 = arith.constant 0 : i32
      %dma_start3A_188 = tpu.memref_slice %arg2[%dma_start3A_186, %dma_start3A_187] : memref<20000x64xf32, #tpu.memory_space<hbm>> -> memref<20000x64xf32, #tpu.memory_space<hbm>>
      tpu.enqueue_indirect_dma source(%dma_start3A_188 : memref<20000x64xf32, #tpu.memory_space<hbm>>) target(%dma_start3A_184 : memref<40x64xf32, #tpu.memory_space<vmem>>) offsets(%dma_start3A_185 : memref<40xi32, #tpu.memory_space<vmem>>) semaphore(%arg12 : memref<!tpu.dma_semaphore, #tpu.memory_space<semaphore_mem>>)
      %dma_wait3A = arith.constant 0 : i32
      %dma_wait3A_189 = arith.constant 0 : i32
      %dma_wait3A_190 = arith.constant 0 : i32
      %dma_wait3A_191 = tpu.memref_slice %arg8[%dma_wait3A, %dma_wait3A_189, %dma_wait3A_190] : memref<10x40x64xf32, #tpu.memory_space<vmem>> -> memref<1x40x64xf32, #tpu.memory_space<vmem>>
      %dma_wait3A_192 = tpu.memref_squeeze %dma_wait3A_191 : memref<1x40x64xf32, #tpu.memory_space<vmem>> -> memref<40x64xf32, #tpu.memory_space<vmem>>
      %dma_wait3A_193 = tpu.memref_slice %arg6[%mul3A_63] : memref<20000xi32, #tpu.memory_space<vmem>> -> memref<40xi32, #tpu.memory_space<vmem>>
      %dma_wait3A_194 = arith.constant 0 : i32
      %dma_wait3A_195 = arith.constant 0 : i32
      %dma_wait3A_196 = tpu.memref_slice %arg2[%dma_wait3A_194, %dma_wait3A_195] : memref<20000x64xf32, #tpu.memory_space<hbm>> -> memref<20000x64xf32, #tpu.memory_space<hbm>>
      tpu.wait_indirect_dma semaphore(%arg12 : memref<!tpu.dma_semaphore, #tpu.memory_space<semaphore_mem>>) src(%dma_wait3A_196 : memref<20000x64xf32, #tpu.memory_space<hbm>>) dst(%dma_wait3A_192 : memref<40x64xf32, #tpu.memory_space<vmem>>)
      %add3A_197 = arith.constant 0 : i32
      %add3A_198 = arith.addi %mul3A_59, %add3A_197 : i32
      %mul3A_199 = arith.constant 40 : i32
      %mul3A_200 = arith.muli %add3A_198, %mul3A_199 : i32
      %dma_start3A_201 = arith.constant 0 : i32
      %dma_start3A_202 = arith.constant 0 : i32
      %dma_start3A_203 = arith.constant 0 : i32
      %dma_start3A_204 = tpu.memref_slice %arg8[%dma_start3A_201, %dma_start3A_202, %dma_start3A_203] : memref<10x40x64xf32, #tpu.memory_space<vmem>> -> memref<1x40x64xf32, #tpu.memory_space<vmem>>
      %dma_start3A_205 = tpu.memref_squeeze %dma_start3A_204 : memref<1x40x64xf32, #tpu.memory_space<vmem>> -> memref<40x64xf32, #tpu.memory_space<vmem>>
      %dma_start3A_206 = tpu.memref_slice %arg7[%mul3A_200] : memref<20000xi32, #tpu.memory_space<vmem>> -> memref<40xi32, #tpu.memory_space<vmem>>
      %dma_start3A_207 = arith.constant 0 : i32
      %dma_start3A_208 = arith.constant 0 : i32
      %dma_start3A_209 = tpu.memref_slice %arg11[%dma_start3A_207, %dma_start3A_208] : memref<10240x64xf32, #tpu.memory_space<vmem_shared>> -> memref<10240x64xf32, #tpu.memory_space<vmem_shared>>
      tpu.enqueue_indirect_dma source(%dma_start3A_205 : memref<40x64xf32, #tpu.memory_space<vmem>>) target(%dma_start3A_209 : memref<10240x64xf32, #tpu.memory_space<vmem_shared>>) offsets(%dma_start3A_206 : memref<40xi32, #tpu.memory_space<vmem>>) semaphore(%arg13 : memref<!tpu.dma_semaphore, #tpu.memory_space<semaphore_mem>>) {add = true}
      %dma_wait3A_210 = arith.constant 1 : i32
      %dma_wait3A_211 = arith.constant 0 : i32
      %dma_wait3A_212 = arith.constant 0 : i32
      %dma_wait3A_213 = tpu.memref_slice %arg8[%dma_wait3A_210, %dma_wait3A_211, %dma_wait3A_212] : memref<10x40x64xf32, #tpu.memory_space<vmem>> -> memref<1x40x64xf32, #tpu.memory_space<vmem>>
      %dma_wait3A_214 = tpu.memref_squeeze %dma_wait3A_213 : memref<1x40x64xf32, #tpu.memory_space<vmem>> -> memref<40x64xf32, #tpu.memory_space<vmem>>
      %dma_wait3A_215 = tpu.memref_slice %arg6[%mul3A_75] : memref<20000xi32, #tpu.memory_space<vmem>> -> memref<40xi32, #tpu.memory_space<vmem>>
      %dma_wait3A_216 = arith.constant 0 : i32
      %dma_wait3A_217 = arith.constant 0 : i32
      %dma_wait3A_218 = tpu.memref_slice %arg2[%dma_wait3A_216, %dma_wait3A_217] : memref<20000x64xf32, #tpu.memory_space<hbm>> -> memref<20000x64xf32, #tpu.memory_space<hbm>>
      tpu.wait_indirect_dma semaphore(%arg12 : memref<!tpu.dma_semaphore, #tpu.memory_space<semaphore_mem>>) src(%dma_wait3A_218 : memref<20000x64xf32, #tpu.memory_space<hbm>>) dst(%dma_wait3A_214 : memref<40x64xf32, #tpu.memory_space<vmem>>)
      %add3A_219 = arith.constant 1 : i32
      %add3A_220 = arith.addi %mul3A_59, %add3A_219 : i32
      %mul3A_221 = arith.constant 40 : i32
      %mul3A_222 = arith.muli %add3A_220, %mul3A_221 : i32
      %dma_start3A_223 = arith.constant 1 : i32
      %dma_start3A_224 = arith.constant 0 : i32
      %dma_start3A_225 = arith.constant 0 : i32
      %dma_start3A_226 = tpu.memref_slice %arg8[%dma_start3A_223, %dma_start3A_224, %dma_start3A_225] : memref<10x40x64xf32, #tpu.memory_space<vmem>> -> memref<1x40x64xf32, #tpu.memory_space<vmem>>
      %dma_start3A_227 = tpu.memref_squeeze %dma_start3A_226 : memref<1x40x64xf32, #tpu.memory_space<vmem>> -> memref<40x64xf32, #tpu.memory_space<vmem>>
      %dma_start3A_228 = tpu.memref_slice %arg7[%mul3A_222] : memref<20000xi32, #tpu.memory_space<vmem>> -> memref<40xi32, #tpu.memory_space<vmem>>
      %dma_start3A_229 = arith.constant 0 : i32
      %dma_start3A_230 = arith.constant 0 : i32
      %dma_start3A_231 = tpu.memref_slice %arg11[%dma_start3A_229, %dma_start3A_230] : memref<10240x64xf32, #tpu.memory_space<vmem_shared>> -> memref<10240x64xf32, #tpu.memory_space<vmem_shared>>
      tpu.enqueue_indirect_dma source(%dma_start3A_227 : memref<40x64xf32, #tpu.memory_space<vmem>>) target(%dma_start3A_231 : memref<10240x64xf32, #tpu.memory_space<vmem_shared>>) offsets(%dma_start3A_228 : memref<40xi32, #tpu.memory_space<vmem>>) semaphore(%arg13 : memref<!tpu.dma_semaphore, #tpu.memory_space<semaphore_mem>>) {add = true}
      %dma_wait3A_232 = arith.constant 2 : i32
      %dma_wait3A_233 = arith.constant 0 : i32
      %dma_wait3A_234 = arith.constant 0 : i32
      %dma_wait3A_235 = tpu.memref_slice %arg8[%dma_wait3A_232, %dma_wait3A_233, %dma_wait3A_234] : memref<10x40x64xf32, #tpu.memory_space<vmem>> -> memref<1x40x64xf32, #tpu.memory_space<vmem>>
      %dma_wait3A_236 = tpu.memref_squeeze %dma_wait3A_235 : memref<1x40x64xf32, #tpu.memory_space<vmem>> -> memref<40x64xf32, #tpu.memory_space<vmem>>
      %dma_wait3A_237 = tpu.memref_slice %arg6[%mul3A_88] : memref<20000xi32, #tpu.memory_space<vmem>> -> memref<40xi32, #tpu.memory_space<vmem>>
      %dma_wait3A_238 = arith.constant 0 : i32
      %dma_wait3A_239 = arith.constant 0 : i32
      %dma_wait3A_240 = tpu.memref_slice %arg2[%dma_wait3A_238, %dma_wait3A_239] : memref<20000x64xf32, #tpu.memory_space<hbm>> -> memref<20000x64xf32, #tpu.memory_space<hbm>>
      tpu.wait_indirect_dma semaphore(%arg12 : memref<!tpu.dma_semaphore, #tpu.memory_space<semaphore_mem>>) src(%dma_wait3A_240 : memref<20000x64xf32, #tpu.memory_space<hbm>>) dst(%dma_wait3A_236 : memref<40x64xf32, #tpu.memory_space<vmem>>)
      %add3A_241 = arith.constant 2 : i32
      %add3A_242 = arith.addi %mul3A_59, %add3A_241 : i32
      %mul3A_243 = arith.constant 40 : i32
      %mul3A_244 = arith.muli %add3A_242, %mul3A_243 : i32
      %dma_start3A_245 = arith.constant 2 : i32
      %dma_start3A_246 = arith.constant 0 : i32
      %dma_start3A_247 = arith.constant 0 : i32
      %dma_start3A_248 = tpu.memref_slice %arg8[%dma_start3A_245, %dma_start3A_246, %dma_start3A_247] : memref<10x40x64xf32, #tpu.memory_space<vmem>> -> memref<1x40x64xf32, #tpu.memory_space<vmem>>
      %dma_start3A_249 = tpu.memref_squeeze %dma_start3A_248 : memref<1x40x64xf32, #tpu.memory_space<vmem>> -> memref<40x64xf32, #tpu.memory_space<vmem>>
      %dma_start3A_250 = tpu.memref_slice %arg7[%mul3A_244] : memref<20000xi32, #tpu.memory_space<vmem>> -> memref<40xi32, #tpu.memory_space<vmem>>
      %dma_start3A_251 = arith.constant 0 : i32
      %dma_start3A_252 = arith.constant 0 : i32
      %dma_start3A_253 = tpu.memref_slice %arg11[%dma_start3A_251, %dma_start3A_252] : memref<10240x64xf32, #tpu.memory_space<vmem_shared>> -> memref<10240x64xf32, #tpu.memory_space<vmem_shared>>
      tpu.enqueue_indirect_dma source(%dma_start3A_249 : memref<40x64xf32, #tpu.memory_space<vmem>>) target(%dma_start3A_253 : memref<10240x64xf32, #tpu.memory_space<vmem_shared>>) offsets(%dma_start3A_250 : memref<40xi32, #tpu.memory_space<vmem>>) semaphore(%arg13 : memref<!tpu.dma_semaphore, #tpu.memory_space<semaphore_mem>>) {add = true}
      %dma_wait3A_254 = arith.constant 3 : i32
      %dma_wait3A_255 = arith.constant 0 : i32
      %dma_wait3A_256 = arith.constant 0 : i32
      %dma_wait3A_257 = tpu.memref_slice %arg8[%dma_wait3A_254, %dma_wait3A_255, %dma_wait3A_256] : memref<10x40x64xf32, #tpu.memory_space<vmem>> -> memref<1x40x64xf32, #tpu.memory_space<vmem>>
      %dma_wait3A_258 = tpu.memref_squeeze %dma_wait3A_257 : memref<1x40x64xf32, #tpu.memory_space<vmem>> -> memref<40x64xf32, #tpu.memory_space<vmem>>
      %dma_wait3A_259 = tpu.memref_slice %arg6[%mul3A_101] : memref<20000xi32, #tpu.memory_space<vmem>> -> memref<40xi32, #tpu.memory_space<vmem>>
      %dma_wait3A_260 = arith.constant 0 : i32
      %dma_wait3A_261 = arith.constant 0 : i32
      %dma_wait3A_262 = tpu.memref_slice %arg2[%dma_wait3A_260, %dma_wait3A_261] : memref<20000x64xf32, #tpu.memory_space<hbm>> -> memref<20000x64xf32, #tpu.memory_space<hbm>>
      tpu.wait_indirect_dma semaphore(%arg12 : memref<!tpu.dma_semaphore, #tpu.memory_space<semaphore_mem>>) src(%dma_wait3A_262 : memref<20000x64xf32, #tpu.memory_space<hbm>>) dst(%dma_wait3A_258 : memref<40x64xf32, #tpu.memory_space<vmem>>)
      %add3A_263 = arith.constant 3 : i32
      %add3A_264 = arith.addi %mul3A_59, %add3A_263 : i32
      %mul3A_265 = arith.constant 40 : i32
      %mul3A_266 = arith.muli %add3A_264, %mul3A_265 : i32
      %dma_start3A_267 = arith.constant 3 : i32
      %dma_start3A_268 = arith.constant 0 : i32
      %dma_start3A_269 = arith.constant 0 : i32
      %dma_start3A_270 = tpu.memref_slice %arg8[%dma_start3A_267, %dma_start3A_268, %dma_start3A_269] : memref<10x40x64xf32, #tpu.memory_space<vmem>> -> memref<1x40x64xf32, #tpu.memory_space<vmem>>
      %dma_start3A_271 = tpu.memref_squeeze %dma_start3A_270 : memref<1x40x64xf32, #tpu.memory_space<vmem>> -> memref<40x64xf32, #tpu.memory_space<vmem>>
      %dma_start3A_272 = tpu.memref_slice %arg7[%mul3A_266] : memref<20000xi32, #tpu.memory_space<vmem>> -> memref<40xi32, #tpu.memory_space<vmem>>
      %dma_start3A_273 = arith.constant 0 : i32
      %dma_start3A_274 = arith.constant 0 : i32
      %dma_start3A_275 = tpu.memref_slice %arg11[%dma_start3A_273, %dma_start3A_274] : memref<10240x64xf32, #tpu.memory_space<vmem_shared>> -> memref<10240x64xf32, #tpu.memory_space<vmem_shared>>
      tpu.enqueue_indirect_dma source(%dma_start3A_271 : memref<40x64xf32, #tpu.memory_space<vmem>>) target(%dma_start3A_275 : memref<10240x64xf32, #tpu.memory_space<vmem_shared>>) offsets(%dma_start3A_272 : memref<40xi32, #tpu.memory_space<vmem>>) semaphore(%arg13 : memref<!tpu.dma_semaphore, #tpu.memory_space<semaphore_mem>>) {add = true}
      %dma_wait3A_276 = arith.constant 4 : i32
      %dma_wait3A_277 = arith.constant 0 : i32
      %dma_wait3A_278 = arith.constant 0 : i32
      %dma_wait3A_279 = tpu.memref_slice %arg8[%dma_wait3A_276, %dma_wait3A_277, %dma_wait3A_278] : memref<10x40x64xf32, #tpu.memory_space<vmem>> -> memref<1x40x64xf32, #tpu.memory_space<vmem>>
      %dma_wait3A_280 = tpu.memref_squeeze %dma_wait3A_279 : memref<1x40x64xf32, #tpu.memory_space<vmem>> -> memref<40x64xf32, #tpu.memory_space<vmem>>
      %dma_wait3A_281 = tpu.memref_slice %arg6[%mul3A_114] : memref<20000xi32, #tpu.memory_space<vmem>> -> memref<40xi32, #tpu.memory_space<vmem>>
      %dma_wait3A_282 = arith.constant 0 : i32
      %dma_wait3A_283 = arith.constant 0 : i32
      %dma_wait3A_284 = tpu.memref_slice %arg2[%dma_wait3A_282, %dma_wait3A_283] : memref<20000x64xf32, #tpu.memory_space<hbm>> -> memref<20000x64xf32, #tpu.memory_space<hbm>>
      tpu.wait_indirect_dma semaphore(%arg12 : memref<!tpu.dma_semaphore, #tpu.memory_space<semaphore_mem>>) src(%dma_wait3A_284 : memref<20000x64xf32, #tpu.memory_space<hbm>>) dst(%dma_wait3A_280 : memref<40x64xf32, #tpu.memory_space<vmem>>)
      %add3A_285 = arith.constant 4 : i32
      %add3A_286 = arith.addi %mul3A_59, %add3A_285 : i32
      %mul3A_287 = arith.constant 40 : i32
      %mul3A_288 = arith.muli %add3A_286, %mul3A_287 : i32
      %dma_start3A_289 = arith.constant 4 : i32
      %dma_start3A_290 = arith.constant 0 : i32
      %dma_start3A_291 = arith.constant 0 : i32
      %dma_start3A_292 = tpu.memref_slice %arg8[%dma_start3A_289, %dma_start3A_290, %dma_start3A_291] : memref<10x40x64xf32, #tpu.memory_space<vmem>> -> memref<1x40x64xf32, #tpu.memory_space<vmem>>
      %dma_start3A_293 = tpu.memref_squeeze %dma_start3A_292 : memref<1x40x64xf32, #tpu.memory_space<vmem>> -> memref<40x64xf32, #tpu.memory_space<vmem>>
      %dma_start3A_294 = tpu.memref_slice %arg7[%mul3A_288] : memref<20000xi32, #tpu.memory_space<vmem>> -> memref<40xi32, #tpu.memory_space<vmem>>
      %dma_start3A_295 = arith.constant 0 : i32
      %dma_start3A_296 = arith.constant 0 : i32
      %dma_start3A_297 = tpu.memref_slice %arg11[%dma_start3A_295, %dma_start3A_296] : memref<10240x64xf32, #tpu.memory_space<vmem_shared>> -> memref<10240x64xf32, #tpu.memory_space<vmem_shared>>
      tpu.enqueue_indirect_dma source(%dma_start3A_293 : memref<40x64xf32, #tpu.memory_space<vmem>>) target(%dma_start3A_297 : memref<10240x64xf32, #tpu.memory_space<vmem_shared>>) offsets(%dma_start3A_294 : memref<40xi32, #tpu.memory_space<vmem>>) semaphore(%arg13 : memref<!tpu.dma_semaphore, #tpu.memory_space<semaphore_mem>>) {add = true}
      %dma_wait3A_298 = arith.constant 5 : i32
      %dma_wait3A_299 = arith.constant 0 : i32
      %dma_wait3A_300 = arith.constant 0 : i32
      %dma_wait3A_301 = tpu.memref_slice %arg8[%dma_wait3A_298, %dma_wait3A_299, %dma_wait3A_300] : memref<10x40x64xf32, #tpu.memory_space<vmem>> -> memref<1x40x64xf32, #tpu.memory_space<vmem>>
      %dma_wait3A_302 = tpu.memref_squeeze %dma_wait3A_301 : memref<1x40x64xf32, #tpu.memory_space<vmem>> -> memref<40x64xf32, #tpu.memory_space<vmem>>
      %dma_wait3A_303 = tpu.memref_slice %arg6[%mul3A_127] : memref<20000xi32, #tpu.memory_space<vmem>> -> memref<40xi32, #tpu.memory_space<vmem>>
      %dma_wait3A_304 = arith.constant 0 : i32
      %dma_wait3A_305 = arith.constant 0 : i32
      %dma_wait3A_306 = tpu.memref_slice %arg2[%dma_wait3A_304, %dma_wait3A_305] : memref<20000x64xf32, #tpu.memory_space<hbm>> -> memref<20000x64xf32, #tpu.memory_space<hbm>>
      tpu.wait_indirect_dma semaphore(%arg12 : memref<!tpu.dma_semaphore, #tpu.memory_space<semaphore_mem>>) src(%dma_wait3A_306 : memref<20000x64xf32, #tpu.memory_space<hbm>>) dst(%dma_wait3A_302 : memref<40x64xf32, #tpu.memory_space<vmem>>)
      %add3A_307 = arith.constant 5 : i32
      %add3A_308 = arith.addi %mul3A_59, %add3A_307 : i32
      %mul3A_309 = arith.constant 40 : i32
      %mul3A_310 = arith.muli %add3A_308, %mul3A_309 : i32
      %dma_start3A_311 = arith.constant 5 : i32
      %dma_start3A_312 = arith.constant 0 : i32
      %dma_start3A_313 = arith.constant 0 : i32
      %dma_start3A_314 = tpu.memref_slice %arg8[%dma_start3A_311, %dma_start3A_312, %dma_start3A_313] : memref<10x40x64xf32, #tpu.memory_space<vmem>> -> memref<1x40x64xf32, #tpu.memory_space<vmem>>
      %dma_start3A_315 = tpu.memref_squeeze %dma_start3A_314 : memref<1x40x64xf32, #tpu.memory_space<vmem>> -> memref<40x64xf32, #tpu.memory_space<vmem>>
      %dma_start3A_316 = tpu.memref_slice %arg7[%mul3A_310] : memref<20000xi32, #tpu.memory_space<vmem>> -> memref<40xi32, #tpu.memory_space<vmem>>
      %dma_start3A_317 = arith.constant 0 : i32
      %dma_start3A_318 = arith.constant 0 : i32
      %dma_start3A_319 = tpu.memref_slice %arg11[%dma_start3A_317, %dma_start3A_318] : memref<10240x64xf32, #tpu.memory_space<vmem_shared>> -> memref<10240x64xf32, #tpu.memory_space<vmem_shared>>
      tpu.enqueue_indirect_dma source(%dma_start3A_315 : memref<40x64xf32, #tpu.memory_space<vmem>>) target(%dma_start3A_319 : memref<10240x64xf32, #tpu.memory_space<vmem_shared>>) offsets(%dma_start3A_316 : memref<40xi32, #tpu.memory_space<vmem>>) semaphore(%arg13 : memref<!tpu.dma_semaphore, #tpu.memory_space<semaphore_mem>>) {add = true}
      %dma_wait3A_320 = arith.constant 6 : i32
      %dma_wait3A_321 = arith.constant 0 : i32
      %dma_wait3A_322 = arith.constant 0 : i32
      %dma_wait3A_323 = tpu.memref_slice %arg8[%dma_wait3A_320, %dma_wait3A_321, %dma_wait3A_322] : memref<10x40x64xf32, #tpu.memory_space<vmem>> -> memref<1x40x64xf32, #tpu.memory_space<vmem>>
      %dma_wait3A_324 = tpu.memref_squeeze %dma_wait3A_323 : memref<1x40x64xf32, #tpu.memory_space<vmem>> -> memref<40x64xf32, #tpu.memory_space<vmem>>
      %dma_wait3A_325 = tpu.memref_slice %arg6[%mul3A_140] : memref<20000xi32, #tpu.memory_space<vmem>> -> memref<40xi32, #tpu.memory_space<vmem>>
      %dma_wait3A_326 = arith.constant 0 : i32
      %dma_wait3A_327 = arith.constant 0 : i32
      %dma_wait3A_328 = tpu.memref_slice %arg2[%dma_wait3A_326, %dma_wait3A_327] : memref<20000x64xf32, #tpu.memory_space<hbm>> -> memref<20000x64xf32, #tpu.memory_space<hbm>>
      tpu.wait_indirect_dma semaphore(%arg12 : memref<!tpu.dma_semaphore, #tpu.memory_space<semaphore_mem>>) src(%dma_wait3A_328 : memref<20000x64xf32, #tpu.memory_space<hbm>>) dst(%dma_wait3A_324 : memref<40x64xf32, #tpu.memory_space<vmem>>)
      %add3A_329 = arith.constant 6 : i32
      %add3A_330 = arith.addi %mul3A_59, %add3A_329 : i32
      %mul3A_331 = arith.constant 40 : i32
      %mul3A_332 = arith.muli %add3A_330, %mul3A_331 : i32
      %dma_start3A_333 = arith.constant 6 : i32
      %dma_start3A_334 = arith.constant 0 : i32
      %dma_start3A_335 = arith.constant 0 : i32
      %dma_start3A_336 = tpu.memref_slice %arg8[%dma_start3A_333, %dma_start3A_334, %dma_start3A_335] : memref<10x40x64xf32, #tpu.memory_space<vmem>> -> memref<1x40x64xf32, #tpu.memory_space<vmem>>
      %dma_start3A_337 = tpu.memref_squeeze %dma_start3A_336 : memref<1x40x64xf32, #tpu.memory_space<vmem>> -> memref<40x64xf32, #tpu.memory_space<vmem>>
      %dma_start3A_338 = tpu.memref_slice %arg7[%mul3A_332] : memref<20000xi32, #tpu.memory_space<vmem>> -> memref<40xi32, #tpu.memory_space<vmem>>
      %dma_start3A_339 = arith.constant 0 : i32
      %dma_start3A_340 = arith.constant 0 : i32
      %dma_start3A_341 = tpu.memref_slice %arg11[%dma_start3A_339, %dma_start3A_340] : memref<10240x64xf32, #tpu.memory_space<vmem_shared>> -> memref<10240x64xf32, #tpu.memory_space<vmem_shared>>
      tpu.enqueue_indirect_dma source(%dma_start3A_337 : memref<40x64xf32, #tpu.memory_space<vmem>>) target(%dma_start3A_341 : memref<10240x64xf32, #tpu.memory_space<vmem_shared>>) offsets(%dma_start3A_338 : memref<40xi32, #tpu.memory_space<vmem>>) semaphore(%arg13 : memref<!tpu.dma_semaphore, #tpu.memory_space<semaphore_mem>>) {add = true}
      %dma_wait3A_342 = arith.constant 7 : i32
      %dma_wait3A_343 = arith.constant 0 : i32
      %dma_wait3A_344 = arith.constant 0 : i32
      %dma_wait3A_345 = tpu.memref_slice %arg8[%dma_wait3A_342, %dma_wait3A_343, %dma_wait3A_344] : memref<10x40x64xf32, #tpu.memory_space<vmem>> -> memref<1x40x64xf32, #tpu.memory_space<vmem>>
      %dma_wait3A_346 = tpu.memref_squeeze %dma_wait3A_345 : memref<1x40x64xf32, #tpu.memory_space<vmem>> -> memref<40x64xf32, #tpu.memory_space<vmem>>
      %dma_wait3A_347 = tpu.memref_slice %arg6[%mul3A_153] : memref<20000xi32, #tpu.memory_space<vmem>> -> memref<40xi32, #tpu.memory_space<vmem>>
      %dma_wait3A_348 = arith.constant 0 : i32
      %dma_wait3A_349 = arith.constant 0 : i32
      %dma_wait3A_350 = tpu.memref_slice %arg2[%dma_wait3A_348, %dma_wait3A_349] : memref<20000x64xf32, #tpu.memory_space<hbm>> -> memref<20000x64xf32, #tpu.memory_space<hbm>>
      tpu.wait_indirect_dma semaphore(%arg12 : memref<!tpu.dma_semaphore, #tpu.memory_space<semaphore_mem>>) src(%dma_wait3A_350 : memref<20000x64xf32, #tpu.memory_space<hbm>>) dst(%dma_wait3A_346 : memref<40x64xf32, #tpu.memory_space<vmem>>)
      %add3A_351 = arith.constant 7 : i32
      %add3A_352 = arith.addi %mul3A_59, %add3A_351 : i32
      %mul3A_353 = arith.constant 40 : i32
      %mul3A_354 = arith.muli %add3A_352, %mul3A_353 : i32
      %dma_start3A_355 = arith.constant 7 : i32
      %dma_start3A_356 = arith.constant 0 : i32
      %dma_start3A_357 = arith.constant 0 : i32
      %dma_start3A_358 = tpu.memref_slice %arg8[%dma_start3A_355, %dma_start3A_356, %dma_start3A_357] : memref<10x40x64xf32, #tpu.memory_space<vmem>> -> memref<1x40x64xf32, #tpu.memory_space<vmem>>
      %dma_start3A_359 = tpu.memref_squeeze %dma_start3A_358 : memref<1x40x64xf32, #tpu.memory_space<vmem>> -> memref<40x64xf32, #tpu.memory_space<vmem>>
      %dma_start3A_360 = tpu.memref_slice %arg7[%mul3A_354] : memref<20000xi32, #tpu.memory_space<vmem>> -> memref<40xi32, #tpu.memory_space<vmem>>
      %dma_start3A_361 = arith.constant 0 : i32
      %dma_start3A_362 = arith.constant 0 : i32
      %dma_start3A_363 = tpu.memref_slice %arg11[%dma_start3A_361, %dma_start3A_362] : memref<10240x64xf32, #tpu.memory_space<vmem_shared>> -> memref<10240x64xf32, #tpu.memory_space<vmem_shared>>
      tpu.enqueue_indirect_dma source(%dma_start3A_359 : memref<40x64xf32, #tpu.memory_space<vmem>>) target(%dma_start3A_363 : memref<10240x64xf32, #tpu.memory_space<vmem_shared>>) offsets(%dma_start3A_360 : memref<40xi32, #tpu.memory_space<vmem>>) semaphore(%arg13 : memref<!tpu.dma_semaphore, #tpu.memory_space<semaphore_mem>>) {add = true}
      %dma_wait3A_364 = arith.constant 8 : i32
      %dma_wait3A_365 = arith.constant 0 : i32
      %dma_wait3A_366 = arith.constant 0 : i32
      %dma_wait3A_367 = tpu.memref_slice %arg8[%dma_wait3A_364, %dma_wait3A_365, %dma_wait3A_366] : memref<10x40x64xf32, #tpu.memory_space<vmem>> -> memref<1x40x64xf32, #tpu.memory_space<vmem>>
      %dma_wait3A_368 = tpu.memref_squeeze %dma_wait3A_367 : memref<1x40x64xf32, #tpu.memory_space<vmem>> -> memref<40x64xf32, #tpu.memory_space<vmem>>
      %dma_wait3A_369 = tpu.memref_slice %arg6[%mul3A_166] : memref<20000xi32, #tpu.memory_space<vmem>> -> memref<40xi32, #tpu.memory_space<vmem>>
      %dma_wait3A_370 = arith.constant 0 : i32
      %dma_wait3A_371 = arith.constant 0 : i32
      %dma_wait3A_372 = tpu.memref_slice %arg2[%dma_wait3A_370, %dma_wait3A_371] : memref<20000x64xf32, #tpu.memory_space<hbm>> -> memref<20000x64xf32, #tpu.memory_space<hbm>>
      tpu.wait_indirect_dma semaphore(%arg12 : memref<!tpu.dma_semaphore, #tpu.memory_space<semaphore_mem>>) src(%dma_wait3A_372 : memref<20000x64xf32, #tpu.memory_space<hbm>>) dst(%dma_wait3A_368 : memref<40x64xf32, #tpu.memory_space<vmem>>)
      %add3A_373 = arith.constant 8 : i32
      %add3A_374 = arith.addi %mul3A_59, %add3A_373 : i32
      %mul3A_375 = arith.constant 40 : i32
      %mul3A_376 = arith.muli %add3A_374, %mul3A_375 : i32
      %dma_start3A_377 = arith.constant 8 : i32
      %dma_start3A_378 = arith.constant 0 : i32
      %dma_start3A_379 = arith.constant 0 : i32
      %dma_start3A_380 = tpu.memref_slice %arg8[%dma_start3A_377, %dma_start3A_378, %dma_start3A_379] : memref<10x40x64xf32, #tpu.memory_space<vmem>> -> memref<1x40x64xf32, #tpu.memory_space<vmem>>
      %dma_start3A_381 = tpu.memref_squeeze %dma_start3A_380 : memref<1x40x64xf32, #tpu.memory_space<vmem>> -> memref<40x64xf32, #tpu.memory_space<vmem>>
      %dma_start3A_382 = tpu.memref_slice %arg7[%mul3A_376] : memref<20000xi32, #tpu.memory_space<vmem>> -> memref<40xi32, #tpu.memory_space<vmem>>
      %dma_start3A_383 = arith.constant 0 : i32
      %dma_start3A_384 = arith.constant 0 : i32
      %dma_start3A_385 = tpu.memref_slice %arg11[%dma_start3A_383, %dma_start3A_384] : memref<10240x64xf32, #tpu.memory_space<vmem_shared>> -> memref<10240x64xf32, #tpu.memory_space<vmem_shared>>
      tpu.enqueue_indirect_dma source(%dma_start3A_381 : memref<40x64xf32, #tpu.memory_space<vmem>>) target(%dma_start3A_385 : memref<10240x64xf32, #tpu.memory_space<vmem_shared>>) offsets(%dma_start3A_382 : memref<40xi32, #tpu.memory_space<vmem>>) semaphore(%arg13 : memref<!tpu.dma_semaphore, #tpu.memory_space<semaphore_mem>>) {add = true}
      %dma_wait3A_386 = arith.constant 9 : i32
      %dma_wait3A_387 = arith.constant 0 : i32
      %dma_wait3A_388 = arith.constant 0 : i32
      %dma_wait3A_389 = tpu.memref_slice %arg8[%dma_wait3A_386, %dma_wait3A_387, %dma_wait3A_388] : memref<10x40x64xf32, #tpu.memory_space<vmem>> -> memref<1x40x64xf32, #tpu.memory_space<vmem>>
      %dma_wait3A_390 = tpu.memref_squeeze %dma_wait3A_389 : memref<1x40x64xf32, #tpu.memory_space<vmem>> -> memref<40x64xf32, #tpu.memory_space<vmem>>
      %dma_wait3A_391 = tpu.memref_slice %arg6[%mul3A_179] : memref<20000xi32, #tpu.memory_space<vmem>> -> memref<40xi32, #tpu.memory_space<vmem>>
      %dma_wait3A_392 = arith.constant 0 : i32
      %dma_wait3A_393 = arith.constant 0 : i32
      %dma_wait3A_394 = tpu.memref_slice %arg2[%dma_wait3A_392, %dma_wait3A_393] : memref<20000x64xf32, #tpu.memory_space<hbm>> -> memref<20000x64xf32, #tpu.memory_space<hbm>>
      tpu.wait_indirect_dma semaphore(%arg12 : memref<!tpu.dma_semaphore, #tpu.memory_space<semaphore_mem>>) src(%dma_wait3A_394 : memref<20000x64xf32, #tpu.memory_space<hbm>>) dst(%dma_wait3A_390 : memref<40x64xf32, #tpu.memory_space<vmem>>)
      %add3A_395 = arith.constant 9 : i32
      %add3A_396 = arith.addi %mul3A_59, %add3A_395 : i32
      %mul3A_397 = arith.constant 40 : i32
      %mul3A_398 = arith.muli %add3A_396, %mul3A_397 : i32
      %dma_start3A_399 = arith.constant 9 : i32
      %dma_start3A_400 = arith.constant 0 : i32
      %dma_start3A_401 = arith.constant 0 : i32
      %dma_start3A_402 = tpu.memref_slice %arg8[%dma_start3A_399, %dma_start3A_400, %dma_start3A_401] : memref<10x40x64xf32, #tpu.memory_space<vmem>> -> memref<1x40x64xf32, #tpu.memory_space<vmem>>
      %dma_start3A_403 = tpu.memref_squeeze %dma_start3A_402 : memref<1x40x64xf32, #tpu.memory_space<vmem>> -> memref<40x64xf32, #tpu.memory_space<vmem>>
      %dma_start3A_404 = tpu.memref_slice %arg7[%mul3A_398] : memref<20000xi32, #tpu.memory_space<vmem>> -> memref<40xi32, #tpu.memory_space<vmem>>
      %dma_start3A_405 = arith.constant 0 : i32
      %dma_start3A_406 = arith.constant 0 : i32
      %dma_start3A_407 = tpu.memref_slice %arg11[%dma_start3A_405, %dma_start3A_406] : memref<10240x64xf32, #tpu.memory_space<vmem_shared>> -> memref<10240x64xf32, #tpu.memory_space<vmem_shared>>
      tpu.enqueue_indirect_dma source(%dma_start3A_403 : memref<40x64xf32, #tpu.memory_space<vmem>>) target(%dma_start3A_407 : memref<10240x64xf32, #tpu.memory_space<vmem_shared>>) offsets(%dma_start3A_404 : memref<40xi32, #tpu.memory_space<vmem>>) semaphore(%arg13 : memref<!tpu.dma_semaphore, #tpu.memory_space<semaphore_mem>>) {add = true}
      %dma_wait3A_408 = arith.constant 0 : i32
      %dma_wait3A_409 = arith.constant 0 : i32
      %dma_wait3A_410 = arith.constant 0 : i32
      %dma_wait3A_411 = tpu.memref_slice %arg8[%dma_wait3A_408, %dma_wait3A_409, %dma_wait3A_410] : memref<10x40x64xf32, #tpu.memory_space<vmem>> -> memref<1x40x64xf32, #tpu.memory_space<vmem>>
      %dma_wait3A_412 = tpu.memref_squeeze %dma_wait3A_411 : memref<1x40x64xf32, #tpu.memory_space<vmem>> -> memref<40x64xf32, #tpu.memory_space<vmem>>
      %dma_wait3A_413 = tpu.memref_slice %arg7[%mul3A_200] : memref<20000xi32, #tpu.memory_space<vmem>> -> memref<40xi32, #tpu.memory_space<vmem>>
      %dma_wait3A_414 = arith.constant 0 : i32
      %dma_wait3A_415 = arith.constant 0 : i32
      %dma_wait3A_416 = tpu.memref_slice %arg11[%dma_wait3A_414, %dma_wait3A_415] : memref<10240x64xf32, #tpu.memory_space<vmem_shared>> -> memref<10240x64xf32, #tpu.memory_space<vmem_shared>>
      tpu.wait_indirect_dma semaphore(%arg13 : memref<!tpu.dma_semaphore, #tpu.memory_space<semaphore_mem>>) src(%dma_wait3A_412 : memref<40x64xf32, #tpu.memory_space<vmem>>) dst(%dma_wait3A_416 : memref<10240x64xf32, #tpu.memory_space<vmem_shared>>)
      %dma_wait3A_417 = arith.constant 1 : i32
      %dma_wait3A_418 = arith.constant 0 : i32
      %dma_wait3A_419 = arith.constant 0 : i32
      %dma_wait3A_420 = tpu.memref_slice %arg8[%dma_wait3A_417, %dma_wait3A_418, %dma_wait3A_419] : memref<10x40x64xf32, #tpu.memory_space<vmem>> -> memref<1x40x64xf32, #tpu.memory_space<vmem>>
      %dma_wait3A_421 = tpu.memref_squeeze %dma_wait3A_420 : memref<1x40x64xf32, #tpu.memory_space<vmem>> -> memref<40x64xf32, #tpu.memory_space<vmem>>
      %dma_wait3A_422 = tpu.memref_slice %arg7[%mul3A_222] : memref<20000xi32, #tpu.memory_space<vmem>> -> memref<40xi32, #tpu.memory_space<vmem>>
      %dma_wait3A_423 = arith.constant 0 : i32
      %dma_wait3A_424 = arith.constant 0 : i32
      %dma_wait3A_425 = tpu.memref_slice %arg11[%dma_wait3A_423, %dma_wait3A_424] : memref<10240x64xf32, #tpu.memory_space<vmem_shared>> -> memref<10240x64xf32, #tpu.memory_space<vmem_shared>>
      tpu.wait_indirect_dma semaphore(%arg13 : memref<!tpu.dma_semaphore, #tpu.memory_space<semaphore_mem>>) src(%dma_wait3A_421 : memref<40x64xf32, #tpu.memory_space<vmem>>) dst(%dma_wait3A_425 : memref<10240x64xf32, #tpu.memory_space<vmem_shared>>)
      %dma_wait3A_426 = arith.constant 2 : i32
      %dma_wait3A_427 = arith.constant 0 : i32
      %dma_wait3A_428 = arith.constant 0 : i32
      %dma_wait3A_429 = tpu.memref_slice %arg8[%dma_wait3A_426, %dma_wait3A_427, %dma_wait3A_428] : memref<10x40x64xf32, #tpu.memory_space<vmem>> -> memref<1x40x64xf32, #tpu.memory_space<vmem>>
      %dma_wait3A_430 = tpu.memref_squeeze %dma_wait3A_429 : memref<1x40x64xf32, #tpu.memory_space<vmem>> -> memref<40x64xf32, #tpu.memory_space<vmem>>
      %dma_wait3A_431 = tpu.memref_slice %arg7[%mul3A_244] : memref<20000xi32, #tpu.memory_space<vmem>> -> memref<40xi32, #tpu.memory_space<vmem>>
      %dma_wait3A_432 = arith.constant 0 : i32
      %dma_wait3A_433 = arith.constant 0 : i32
      %dma_wait3A_434 = tpu.memref_slice %arg11[%dma_wait3A_432, %dma_wait3A_433] : memref<10240x64xf32, #tpu.memory_space<vmem_shared>> -> memref<10240x64xf32, #tpu.memory_space<vmem_shared>>
      tpu.wait_indirect_dma semaphore(%arg13 : memref<!tpu.dma_semaphore, #tpu.memory_space<semaphore_mem>>) src(%dma_wait3A_430 : memref<40x64xf32, #tpu.memory_space<vmem>>) dst(%dma_wait3A_434 : memref<10240x64xf32, #tpu.memory_space<vmem_shared>>)
      %dma_wait3A_435 = arith.constant 3 : i32
      %dma_wait3A_436 = arith.constant 0 : i32
      %dma_wait3A_437 = arith.constant 0 : i32
      %dma_wait3A_438 = tpu.memref_slice %arg8[%dma_wait3A_435, %dma_wait3A_436, %dma_wait3A_437] : memref<10x40x64xf32, #tpu.memory_space<vmem>> -> memref<1x40x64xf32, #tpu.memory_space<vmem>>
      %dma_wait3A_439 = tpu.memref_squeeze %dma_wait3A_438 : memref<1x40x64xf32, #tpu.memory_space<vmem>> -> memref<40x64xf32, #tpu.memory_space<vmem>>
      %dma_wait3A_440 = tpu.memref_slice %arg7[%mul3A_266] : memref<20000xi32, #tpu.memory_space<vmem>> -> memref<40xi32, #tpu.memory_space<vmem>>
      %dma_wait3A_441 = arith.constant 0 : i32
      %dma_wait3A_442 = arith.constant 0 : i32
      %dma_wait3A_443 = tpu.memref_slice %arg11[%dma_wait3A_441, %dma_wait3A_442] : memref<10240x64xf32, #tpu.memory_space<vmem_shared>> -> memref<10240x64xf32, #tpu.memory_space<vmem_shared>>
      tpu.wait_indirect_dma semaphore(%arg13 : memref<!tpu.dma_semaphore, #tpu.memory_space<semaphore_mem>>) src(%dma_wait3A_439 : memref<40x64xf32, #tpu.memory_space<vmem>>) dst(%dma_wait3A_443 : memref<10240x64xf32, #tpu.memory_space<vmem_shared>>)
      %dma_wait3A_444 = arith.constant 4 : i32
      %dma_wait3A_445 = arith.constant 0 : i32
      %dma_wait3A_446 = arith.constant 0 : i32
      %dma_wait3A_447 = tpu.memref_slice %arg8[%dma_wait3A_444, %dma_wait3A_445, %dma_wait3A_446] : memref<10x40x64xf32, #tpu.memory_space<vmem>> -> memref<1x40x64xf32, #tpu.memory_space<vmem>>
      %dma_wait3A_448 = tpu.memref_squeeze %dma_wait3A_447 : memref<1x40x64xf32, #tpu.memory_space<vmem>> -> memref<40x64xf32, #tpu.memory_space<vmem>>
      %dma_wait3A_449 = tpu.memref_slice %arg7[%mul3A_288] : memref<20000xi32, #tpu.memory_space<vmem>> -> memref<40xi32, #tpu.memory_space<vmem>>
      %dma_wait3A_450 = arith.constant 0 : i32
      %dma_wait3A_451 = arith.constant 0 : i32
      %dma_wait3A_452 = tpu.memref_slice %arg11[%dma_wait3A_450, %dma_wait3A_451] : memref<10240x64xf32, #tpu.memory_space<vmem_shared>> -> memref<10240x64xf32, #tpu.memory_space<vmem_shared>>
      tpu.wait_indirect_dma semaphore(%arg13 : memref<!tpu.dma_semaphore, #tpu.memory_space<semaphore_mem>>) src(%dma_wait3A_448 : memref<40x64xf32, #tpu.memory_space<vmem>>) dst(%dma_wait3A_452 : memref<10240x64xf32, #tpu.memory_space<vmem_shared>>)
      %dma_wait3A_453 = arith.constant 5 : i32
      %dma_wait3A_454 = arith.constant 0 : i32
      %dma_wait3A_455 = arith.constant 0 : i32
      %dma_wait3A_456 = tpu.memref_slice %arg8[%dma_wait3A_453, %dma_wait3A_454, %dma_wait3A_455] : memref<10x40x64xf32, #tpu.memory_space<vmem>> -> memref<1x40x64xf32, #tpu.memory_space<vmem>>
      %dma_wait3A_457 = tpu.memref_squeeze %dma_wait3A_456 : memref<1x40x64xf32, #tpu.memory_space<vmem>> -> memref<40x64xf32, #tpu.memory_space<vmem>>
      %dma_wait3A_458 = tpu.memref_slice %arg7[%mul3A_310] : memref<20000xi32, #tpu.memory_space<vmem>> -> memref<40xi32, #tpu.memory_space<vmem>>
      %dma_wait3A_459 = arith.constant 0 : i32
      %dma_wait3A_460 = arith.constant 0 : i32
      %dma_wait3A_461 = tpu.memref_slice %arg11[%dma_wait3A_459, %dma_wait3A_460] : memref<10240x64xf32, #tpu.memory_space<vmem_shared>> -> memref<10240x64xf32, #tpu.memory_space<vmem_shared>>
      tpu.wait_indirect_dma semaphore(%arg13 : memref<!tpu.dma_semaphore, #tpu.memory_space<semaphore_mem>>) src(%dma_wait3A_457 : memref<40x64xf32, #tpu.memory_space<vmem>>) dst(%dma_wait3A_461 : memref<10240x64xf32, #tpu.memory_space<vmem_shared>>)
      %dma_wait3A_462 = arith.constant 6 : i32
      %dma_wait3A_463 = arith.constant 0 : i32
      %dma_wait3A_464 = arith.constant 0 : i32
      %dma_wait3A_465 = tpu.memref_slice %arg8[%dma_wait3A_462, %dma_wait3A_463, %dma_wait3A_464] : memref<10x40x64xf32, #tpu.memory_space<vmem>> -> memref<1x40x64xf32, #tpu.memory_space<vmem>>
      %dma_wait3A_466 = tpu.memref_squeeze %dma_wait3A_465 : memref<1x40x64xf32, #tpu.memory_space<vmem>> -> memref<40x64xf32, #tpu.memory_space<vmem>>
      %dma_wait3A_467 = tpu.memref_slice %arg7[%mul3A_332] : memref<20000xi32, #tpu.memory_space<vmem>> -> memref<40xi32, #tpu.memory_space<vmem>>
      %dma_wait3A_468 = arith.constant 0 : i32
      %dma_wait3A_469 = arith.constant 0 : i32
      %dma_wait3A_470 = tpu.memref_slice %arg11[%dma_wait3A_468, %dma_wait3A_469] : memref<10240x64xf32, #tpu.memory_space<vmem_shared>> -> memref<10240x64xf32, #tpu.memory_space<vmem_shared>>
      tpu.wait_indirect_dma semaphore(%arg13 : memref<!tpu.dma_semaphore, #tpu.memory_space<semaphore_mem>>) src(%dma_wait3A_466 : memref<40x64xf32, #tpu.memory_space<vmem>>) dst(%dma_wait3A_470 : memref<10240x64xf32, #tpu.memory_space<vmem_shared>>)
      %dma_wait3A_471 = arith.constant 7 : i32
      %dma_wait3A_472 = arith.constant 0 : i32
      %dma_wait3A_473 = arith.constant 0 : i32
      %dma_wait3A_474 = tpu.memref_slice %arg8[%dma_wait3A_471, %dma_wait3A_472, %dma_wait3A_473] : memref<10x40x64xf32, #tpu.memory_space<vmem>> -> memref<1x40x64xf32, #tpu.memory_space<vmem>>
      %dma_wait3A_475 = tpu.memref_squeeze %dma_wait3A_474 : memref<1x40x64xf32, #tpu.memory_space<vmem>> -> memref<40x64xf32, #tpu.memory_space<vmem>>
      %dma_wait3A_476 = tpu.memref_slice %arg7[%mul3A_354] : memref<20000xi32, #tpu.memory_space<vmem>> -> memref<40xi32, #tpu.memory_space<vmem>>
      %dma_wait3A_477 = arith.constant 0 : i32
      %dma_wait3A_478 = arith.constant 0 : i32
      %dma_wait3A_479 = tpu.memref_slice %arg11[%dma_wait3A_477, %dma_wait3A_478] : memref<10240x64xf32, #tpu.memory_space<vmem_shared>> -> memref<10240x64xf32, #tpu.memory_space<vmem_shared>>
      tpu.wait_indirect_dma semaphore(%arg13 : memref<!tpu.dma_semaphore, #tpu.memory_space<semaphore_mem>>) src(%dma_wait3A_475 : memref<40x64xf32, #tpu.memory_space<vmem>>) dst(%dma_wait3A_479 : memref<10240x64xf32, #tpu.memory_space<vmem_shared>>)
      %dma_wait3A_480 = arith.constant 8 : i32
      %dma_wait3A_481 = arith.constant 0 : i32
      %dma_wait3A_482 = arith.constant 0 : i32
      %dma_wait3A_483 = tpu.memref_slice %arg8[%dma_wait3A_480, %dma_wait3A_481, %dma_wait3A_482] : memref<10x40x64xf32, #tpu.memory_space<vmem>> -> memref<1x40x64xf32, #tpu.memory_space<vmem>>
      %dma_wait3A_484 = tpu.memref_squeeze %dma_wait3A_483 : memref<1x40x64xf32, #tpu.memory_space<vmem>> -> memref<40x64xf32, #tpu.memory_space<vmem>>
      %dma_wait3A_485 = tpu.memref_slice %arg7[%mul3A_376] : memref<20000xi32, #tpu.memory_space<vmem>> -> memref<40xi32, #tpu.memory_space<vmem>>
      %dma_wait3A_486 = arith.constant 0 : i32
      %dma_wait3A_487 = arith.constant 0 : i32
      %dma_wait3A_488 = tpu.memref_slice %arg11[%dma_wait3A_486, %dma_wait3A_487] : memref<10240x64xf32, #tpu.memory_space<vmem_shared>> -> memref<10240x64xf32, #tpu.memory_space<vmem_shared>>
      tpu.wait_indirect_dma semaphore(%arg13 : memref<!tpu.dma_semaphore, #tpu.memory_space<semaphore_mem>>) src(%dma_wait3A_484 : memref<40x64xf32, #tpu.memory_space<vmem>>) dst(%dma_wait3A_488 : memref<10240x64xf32, #tpu.memory_space<vmem_shared>>)
      %dma_wait3A_489 = arith.constant 9 : i32
      %dma_wait3A_490 = arith.constant 0 : i32
      %dma_wait3A_491 = arith.constant 0 : i32
      %dma_wait3A_492 = tpu.memref_slice %arg8[%dma_wait3A_489, %dma_wait3A_490, %dma_wait3A_491] : memref<10x40x64xf32, #tpu.memory_space<vmem>> -> memref<1x40x64xf32, #tpu.memory_space<vmem>>
      %dma_wait3A_493 = tpu.memref_squeeze %dma_wait3A_492 : memref<1x40x64xf32, #tpu.memory_space<vmem>> -> memref<40x64xf32, #tpu.memory_space<vmem>>
      %dma_wait3A_494 = tpu.memref_slice %arg7[%mul3A_398] : memref<20000xi32, #tpu.memory_space<vmem>> -> memref<40xi32, #tpu.memory_space<vmem>>
      %dma_wait3A_495 = arith.constant 0 : i32
      %dma_wait3A_496 = arith.constant 0 : i32
      %dma_wait3A_497 = tpu.memref_slice %arg11[%dma_wait3A_495, %dma_wait3A_496] : memref<10240x64xf32, #tpu.memory_space<vmem_shared>> -> memref<10240x64xf32, #tpu.memory_space<vmem_shared>>
      tpu.wait_indirect_dma semaphore(%arg13 : memref<!tpu.dma_semaphore, #tpu.memory_space<semaphore_mem>>) src(%dma_wait3A_493 : memref<40x64xf32, #tpu.memory_space<vmem>>) dst(%dma_wait3A_497 : memref<10240x64xf32, #tpu.memory_space<vmem_shared>>)
    }
    %scan3A_55 = arith.constant 50 : i32
    %barrier3A_56 = arith.constant 0 : index
    tpu.barrier barrier_id(%barrier3A_56)
    "tpu.region"() ({
      %run_scoped3A_57 = tpu.sem_alloc : memref<!tpu.dma_semaphore, #tpu.memory_space<semaphore_mem>>
      %dma_start3A = arith.constant 0 : i32
      %dma_start3A_58 = tpu.memref_slice %arg4[%arg0, %mul3A_0, %dma_start3A] : memref<2x10240x64xf32, #tpu.memory_space<hbm>> -> memref<1x640x64xf32, #tpu.memory_space<hbm>>
      %dma_start3A_59 = tpu.memref_squeeze %dma_start3A_58 : memref<1x640x64xf32, #tpu.memory_space<hbm>> -> memref<640x64xf32, #tpu.memory_space<hbm>>
      %dma_start3A_60 = arith.constant 0 : i32
      %dma_start3A_61 = tpu.memref_slice %arg11[%mul3A_0, %dma_start3A_60] : memref<10240x64xf32, #tpu.memory_space<vmem_shared>> -> memref<640x64xf32, #tpu.memory_space<vmem_shared>>
      tpu.enqueue_dma source(%dma_start3A_61 : memref<640x64xf32, #tpu.memory_space<vmem_shared>>) target(%dma_start3A_59 : memref<640x64xf32, #tpu.memory_space<hbm>>) target_semaphore(%run_scoped3A_57 : memref<!tpu.dma_semaphore, #tpu.memory_space<semaphore_mem>>)
      %dma_wait3A = arith.constant 0 : i32
      %dma_wait3A_62 = tpu.memref_slice %arg4[%arg0, %mul3A_0, %dma_wait3A] : memref<2x10240x64xf32, #tpu.memory_space<hbm>> -> memref<1x640x64xf32, #tpu.memory_space<hbm>>
      %dma_wait3A_63 = tpu.memref_squeeze %dma_wait3A_62 : memref<1x640x64xf32, #tpu.memory_space<hbm>> -> memref<640x64xf32, #tpu.memory_space<hbm>>
      %dma_wait3A_64 = arith.constant 0 : i32
      %dma_wait3A_65 = tpu.memref_slice %arg11[%mul3A_0, %dma_wait3A_64] : memref<10240x64xf32, #tpu.memory_space<vmem_shared>> -> memref<640x64xf32, #tpu.memory_space<vmem_shared>>
      tpu.wait_dma2 semaphore(%run_scoped3A_57 : memref<!tpu.dma_semaphore, #tpu.memory_space<semaphore_mem>>) src(%dma_wait3A_65 : memref<640x64xf32, #tpu.memory_space<vmem_shared>>) dst(%dma_wait3A_63 : memref<640x64xf32, #tpu.memory_space<hbm>>)
      tpu.yield
    }) : () -> ()
    return
  }
}

#map = affine_map<(d0, d1) -> (0, 0)>
#map1 = affine_map<(d0, d1) -> (0, 0, 0)>
module attributes {stable_mosaic.version = 14 : i64} {
  func.func @body(%arg0: i32, %arg1: i32, %arg2: memref<20000x64xf32, #tpu.memory_space<hbm>>, %arg3: memref<2x320000xi32, #tpu.memory_space<hbm>>, %arg4: memref<2x10240x64xf32, #tpu.memory_space<hbm>>, %arg5: memref<20000xi32, #tpu.memory_space<vmem>>, %arg6: memref<20000xi32, #tpu.memory_space<vmem>>, %arg7: memref<10x40x64xf32, #tpu.memory_space<vmem>>, %arg8: memref<40x64xf32, #tpu.memory_space<vmem>>, %arg9: memref<10240x64xf32, #tpu.memory_space<vmem_shared>>, %arg10: memref<!tpu.dma_semaphore, #tpu.memory_space<semaphore_mem>>, %arg11: memref<!tpu.dma_semaphore, #tpu.memory_space<semaphore_mem>>) attributes {dimension_semantics = [#tpu.dimension_semantics<core_parallel>, #tpu.dimension_semantics<subcore_parallel>], iteration_bounds = array<i64: 2, 16>, scalar_prefetch = 0 : i64, scratch_operands = 7 : i64, tpu.core_type = #tpu.core_type<sc_vector_subcore>, window_params = [{transform_indices = #map}, {transform_indices = #map}, {transform_indices = #map1}]} {
    %mul3A = arith.constant 640 : i32
    %mul3A_0 = arith.muli %arg1, %mul3A : i32
    %scan3A = arith.constant 0 : i32
    %scan3A_1 = arith.constant 0 : i32
    %scan3A_2 = arith.constant 160 : i32
    %scan3A_3 = arith.addi %scan3A_1, %scan3A_2 : i32
    %scan3A_4 = arith.constant 1 : i32
    scf.for %scan3A_55 = %scan3A_1 to %scan3A_3 step %scan3A_4  : i32 {
      %broadcast_in_dim3A = arith.constant 0.000000e+00 : f32
      %broadcast_in_dim3A_56 = vector.broadcast %broadcast_in_dim3A : f32 to vector<16xf32>
      %jit3A = arith.constant 4 : i32
      %div3A = arith.divsi %scan3A_55, %jit3A : i32
      %sign3A = arith.constant 0 : i32
      %sign3A_57 = arith.cmpi sgt, %scan3A_55, %sign3A : i32
      %sign3A_58 = arith.extui %sign3A_57 : i1 to i32
      %sign3A_59 = arith.constant 0 : i32
      %sign3A_60 = arith.cmpi slt, %scan3A_55, %sign3A_59 : i32
      %sign3A_61 = arith.extui %sign3A_60 : i1 to i32
      %sign3A_62 = arith.subi %sign3A_58, %sign3A_61 : i32
      %sign3A_63 = arith.constant 0 : i32
      %sign3A_64 = arith.cmpi sgt, %jit3A, %sign3A_63 : i32
      %sign3A_65 = arith.extui %sign3A_64 : i1 to i32
      %sign3A_66 = arith.constant 0 : i32
      %sign3A_67 = arith.cmpi slt, %jit3A, %sign3A_66 : i32
      %sign3A_68 = arith.extui %sign3A_67 : i1 to i32
      %sign3A_69 = arith.subi %sign3A_65, %sign3A_68 : i32
      %ne3A = arith.cmpi ne, %sign3A_62, %sign3A_69 : i32
      %rem3A = arith.remsi %scan3A_55, %jit3A : i32
      %ne3A_70 = arith.constant 0 : i32
      %ne3A_71 = arith.cmpi ne, %rem3A, %ne3A_70 : i32
      %and3A = arith.andi %ne3A, %ne3A_71 : i1
      %sub3A = arith.constant 1 : i32
      %sub3A_72 = arith.subi %div3A, %sub3A : i32
      %select_n3A = arith.select %and3A, %sub3A_72, %div3A : i32
      %jit3A_73 = arith.constant 4 : i32
      %eq3A = arith.constant 0 : i32
      %eq3A_74 = arith.cmpi eq, %jit3A_73, %eq3A : i32
      %jit3A_75 = arith.constant 1 : i32
      %select_n3A_76 = arith.select %eq3A_74, %jit3A_75, %jit3A_73 : i32
      %rem3A_77 = arith.remsi %scan3A_55, %select_n3A_76 : i32
      %ne3A_78 = arith.constant 0 : i32
      %ne3A_79 = arith.cmpi ne, %rem3A_77, %ne3A_78 : i32
      %lt3A = arith.constant 0 : i32
      %lt3A_80 = arith.cmpi slt, %rem3A_77, %lt3A : i32
      %lt3A_81 = arith.constant 0 : i32
      %lt3A_82 = arith.cmpi slt, %select_n3A_76, %lt3A_81 : i32
      %ne3A_83 = arith.xori %lt3A_80, %lt3A_82 : i1
      %and3A_84 = arith.andi %ne3A_83, %ne3A_79 : i1
      %add3A_85 = arith.addi %rem3A_77, %select_n3A_76 : i32
      %select_n3A_86 = arith.select %and3A_84, %add3A_85, %rem3A_77 : i32
      %mul3A_87 = arith.constant 16 : i32
      %mul3A_88 = arith.muli %select_n3A_86, %mul3A_87 : i32
      %swap3A = arith.index_cast %select_n3A : i32 to index
      %swap3A_89 = arith.index_cast %mul3A_88 : i32 to index
      %swap3A_90 = tpu.vector_load %arg8[%swap3A, %swap3A_89] {strides = array<i32>} : memref<40x64xf32, #tpu.memory_space<vmem>>, vector<16xf32>,
      tpu.vector_store %arg8[%swap3A, %swap3A_89], %broadcast_in_dim3A_56 {strides = array<i32>} : memref<40x64xf32, #tpu.memory_space<vmem>>, vector<16xf32>,
    }
    %scan3A_5 = arith.constant 160 : i32
    %add3A = arith.constant 0 : i32
    %add3A_6 = arith.addi %mul3A_0, %add3A : i32
    "tpu.region"() ({
      %run_scoped3A_55 = tpu.sem_alloc : memref<!tpu.dma_semaphore, #tpu.memory_space<semaphore_mem>>
      %dma_start3A = arith.constant 0 : i32
      %dma_start3A_56 = tpu.memref_slice %arg9[%add3A_6, %dma_start3A] : memref<10240x64xf32, #tpu.memory_space<vmem_shared>> -> memref<40x64xf32, #tpu.memory_space<vmem_shared>>
      %dma_start3A_57 = arith.constant 0 : i32
      %dma_start3A_58 = tpu.memref_slice %arg9[%add3A_6, %dma_start3A_57] : memref<10240x64xf32, #tpu.memory_space<vmem_shared>> -> memref<40x64xf32, #tpu.memory_space<vmem_shared>>
      tpu.enqueue_dma source(%arg8 : memref<40x64xf32, #tpu.memory_space<vmem>>) target(%dma_start3A_58 : memref<40x64xf32, #tpu.memory_space<vmem_shared>>) target_semaphore(%run_scoped3A_55 : memref<!tpu.dma_semaphore, #tpu.memory_space<semaphore_mem>>)
      %dma_wait3A = arith.constant 0 : i32
      %dma_wait3A_59 = tpu.memref_slice %arg9[%add3A_6, %dma_wait3A] : memref<10240x64xf32, #tpu.memory_space<vmem_shared>> -> memref<40x64xf32, #tpu.memory_space<vmem_shared>>
      %dma_wait3A_60 = arith.constant 0 : i32
      %dma_wait3A_61 = tpu.memref_slice %arg9[%add3A_6, %dma_wait3A_60] : memref<10240x64xf32, #tpu.memory_space<vmem_shared>> -> memref<40x64xf32, #tpu.memory_space<vmem_shared>>
      tpu.wait_dma2 semaphore(%run_scoped3A_55 : memref<!tpu.dma_semaphore, #tpu.memory_space<semaphore_mem>>) src(%arg8 : memref<40x64xf32, #tpu.memory_space<vmem>>) dst(%dma_wait3A_61 : memref<40x64xf32, #tpu.memory_space<vmem_shared>>)
      tpu.yield
    }) : () -> ()
    %add3A_7 = arith.constant 40 : i32
    %add3A_8 = arith.addi %mul3A_0, %add3A_7 : i32
    "tpu.region"() ({
      %run_scoped3A_55 = tpu.sem_alloc : memref<!tpu.dma_semaphore, #tpu.memory_space<semaphore_mem>>
      %dma_start3A = arith.constant 0 : i32
      %dma_start3A_56 = tpu.memref_slice %arg9[%add3A_8, %dma_start3A] : memref<10240x64xf32, #tpu.memory_space<vmem_shared>> -> memref<40x64xf32, #tpu.memory_space<vmem_shared>>
      %dma_start3A_57 = arith.constant 0 : i32
      %dma_start3A_58 = tpu.memref_slice %arg9[%add3A_8, %dma_start3A_57] : memref<10240x64xf32, #tpu.memory_space<vmem_shared>> -> memref<40x64xf32, #tpu.memory_space<vmem_shared>>
      tpu.enqueue_dma source(%arg8 : memref<40x64xf32, #tpu.memory_space<vmem>>) target(%dma_start3A_58 : memref<40x64xf32, #tpu.memory_space<vmem_shared>>) target_semaphore(%run_scoped3A_55 : memref<!tpu.dma_semaphore, #tpu.memory_space<semaphore_mem>>)
      %dma_wait3A = arith.constant 0 : i32
      %dma_wait3A_59 = tpu.memref_slice %arg9[%add3A_8, %dma_wait3A] : memref<10240x64xf32, #tpu.memory_space<vmem_shared>> -> memref<40x64xf32, #tpu.memory_space<vmem_shared>>
      %dma_wait3A_60 = arith.constant 0 : i32
      %dma_wait3A_61 = tpu.memref_slice %arg9[%add3A_8, %dma_wait3A_60] : memref<10240x64xf32, #tpu.memory_space<vmem_shared>> -> memref<40x64xf32, #tpu.memory_space<vmem_shared>>
      tpu.wait_dma2 semaphore(%run_scoped3A_55 : memref<!tpu.dma_semaphore, #tpu.memory_space<semaphore_mem>>) src(%arg8 : memref<40x64xf32, #tpu.memory_space<vmem>>) dst(%dma_wait3A_61 : memref<40x64xf32, #tpu.memory_space<vmem_shared>>)
      tpu.yield
    }) : () -> ()
    %add3A_9 = arith.constant 80 : i32
    %add3A_10 = arith.addi %mul3A_0, %add3A_9 : i32
    "tpu.region"() ({
      %run_scoped3A_55 = tpu.sem_alloc : memref<!tpu.dma_semaphore, #tpu.memory_space<semaphore_mem>>
      %dma_start3A = arith.constant 0 : i32
      %dma_start3A_56 = tpu.memref_slice %arg9[%add3A_10, %dma_start3A] : memref<10240x64xf32, #tpu.memory_space<vmem_shared>> -> memref<40x64xf32, #tpu.memory_space<vmem_shared>>
      %dma_start3A_57 = arith.constant 0 : i32
      %dma_start3A_58 = tpu.memref_slice %arg9[%add3A_10, %dma_start3A_57] : memref<10240x64xf32, #tpu.memory_space<vmem_shared>> -> memref<40x64xf32, #tpu.memory_space<vmem_shared>>
      tpu.enqueue_dma source(%arg8 : memref<40x64xf32, #tpu.memory_space<vmem>>) target(%dma_start3A_58 : memref<40x64xf32, #tpu.memory_space<vmem_shared>>) target_semaphore(%run_scoped3A_55 : memref<!tpu.dma_semaphore, #tpu.memory_space<semaphore_mem>>)
      %dma_wait3A = arith.constant 0 : i32
      %dma_wait3A_59 = tpu.memref_slice %arg9[%add3A_10, %dma_wait3A] : memref<10240x64xf32, #tpu.memory_space<vmem_shared>> -> memref<40x64xf32, #tpu.memory_space<vmem_shared>>
      %dma_wait3A_60 = arith.constant 0 : i32
      %dma_wait3A_61 = tpu.memref_slice %arg9[%add3A_10, %dma_wait3A_60] : memref<10240x64xf32, #tpu.memory_space<vmem_shared>> -> memref<40x64xf32, #tpu.memory_space<vmem_shared>>
      tpu.wait_dma2 semaphore(%run_scoped3A_55 : memref<!tpu.dma_semaphore, #tpu.memory_space<semaphore_mem>>) src(%arg8 : memref<40x64xf32, #tpu.memory_space<vmem>>) dst(%dma_wait3A_61 : memref<40x64xf32, #tpu.memory_space<vmem_shared>>)
      tpu.yield
    }) : () -> ()
    %add3A_11 = arith.constant 120 : i32
    %add3A_12 = arith.addi %mul3A_0, %add3A_11 : i32
    "tpu.region"() ({
      %run_scoped3A_55 = tpu.sem_alloc : memref<!tpu.dma_semaphore, #tpu.memory_space<semaphore_mem>>
      %dma_start3A = arith.constant 0 : i32
      %dma_start3A_56 = tpu.memref_slice %arg9[%add3A_12, %dma_start3A] : memref<10240x64xf32, #tpu.memory_space<vmem_shared>> -> memref<40x64xf32, #tpu.memory_space<vmem_shared>>
      %dma_start3A_57 = arith.constant 0 : i32
      %dma_start3A_58 = tpu.memref_slice %arg9[%add3A_12, %dma_start3A_57] : memref<10240x64xf32, #tpu.memory_space<vmem_shared>> -> memref<40x64xf32, #tpu.memory_space<vmem_shared>>
      tpu.enqueue_dma source(%arg8 : memref<40x64xf32, #tpu.memory_space<vmem>>) target(%dma_start3A_58 : memref<40x64xf32, #tpu.memory_space<vmem_shared>>) target_semaphore(%run_scoped3A_55 : memref<!tpu.dma_semaphore, #tpu.memory_space<semaphore_mem>>)
      %dma_wait3A = arith.constant 0 : i32
      %dma_wait3A_59 = tpu.memref_slice %arg9[%add3A_12, %dma_wait3A] : memref<10240x64xf32, #tpu.memory_space<vmem_shared>> -> memref<40x64xf32, #tpu.memory_space<vmem_shared>>
      %dma_wait3A_60 = arith.constant 0 : i32
      %dma_wait3A_61 = tpu.memref_slice %arg9[%add3A_12, %dma_wait3A_60] : memref<10240x64xf32, #tpu.memory_space<vmem_shared>> -> memref<40x64xf32, #tpu.memory_space<vmem_shared>>
      tpu.wait_dma2 semaphore(%run_scoped3A_55 : memref<!tpu.dma_semaphore, #tpu.memory_space<semaphore_mem>>) src(%arg8 : memref<40x64xf32, #tpu.memory_space<vmem>>) dst(%dma_wait3A_61 : memref<40x64xf32, #tpu.memory_space<vmem_shared>>)
      tpu.yield
    }) : () -> ()
    %add3A_13 = arith.constant 160 : i32
    %add3A_14 = arith.addi %mul3A_0, %add3A_13 : i32
    "tpu.region"() ({
      %run_scoped3A_55 = tpu.sem_alloc : memref<!tpu.dma_semaphore, #tpu.memory_space<semaphore_mem>>
      %dma_start3A = arith.constant 0 : i32
      %dma_start3A_56 = tpu.memref_slice %arg9[%add3A_14, %dma_start3A] : memref<10240x64xf32, #tpu.memory_space<vmem_shared>> -> memref<40x64xf32, #tpu.memory_space<vmem_shared>>
      %dma_start3A_57 = arith.constant 0 : i32
      %dma_start3A_58 = tpu.memref_slice %arg9[%add3A_14, %dma_start3A_57] : memref<10240x64xf32, #tpu.memory_space<vmem_shared>> -> memref<40x64xf32, #tpu.memory_space<vmem_shared>>
      tpu.enqueue_dma source(%arg8 : memref<40x64xf32, #tpu.memory_space<vmem>>) target(%dma_start3A_58 : memref<40x64xf32, #tpu.memory_space<vmem_shared>>) target_semaphore(%run_scoped3A_55 : memref<!tpu.dma_semaphore, #tpu.memory_space<semaphore_mem>>)
      %dma_wait3A = arith.constant 0 : i32
      %dma_wait3A_59 = tpu.memref_slice %arg9[%add3A_14, %dma_wait3A] : memref<10240x64xf32, #tpu.memory_space<vmem_shared>> -> memref<40x64xf32, #tpu.memory_space<vmem_shared>>
      %dma_wait3A_60 = arith.constant 0 : i32
      %dma_wait3A_61 = tpu.memref_slice %arg9[%add3A_14, %dma_wait3A_60] : memref<10240x64xf32, #tpu.memory_space<vmem_shared>> -> memref<40x64xf32, #tpu.memory_space<vmem_shared>>
      tpu.wait_dma2 semaphore(%run_scoped3A_55 : memref<!tpu.dma_semaphore, #tpu.memory_space<semaphore_mem>>) src(%arg8 : memref<40x64xf32, #tpu.memory_space<vmem>>) dst(%dma_wait3A_61 : memref<40x64xf32, #tpu.memory_space<vmem_shared>>)
      tpu.yield
    }) : () -> ()
    %add3A_15 = arith.constant 200 : i32
    %add3A_16 = arith.addi %mul3A_0, %add3A_15 : i32
    "tpu.region"() ({
      %run_scoped3A_55 = tpu.sem_alloc : memref<!tpu.dma_semaphore, #tpu.memory_space<semaphore_mem>>
      %dma_start3A = arith.constant 0 : i32
      %dma_start3A_56 = tpu.memref_slice %arg9[%add3A_16, %dma_start3A] : memref<10240x64xf32, #tpu.memory_space<vmem_shared>> -> memref<40x64xf32, #tpu.memory_space<vmem_shared>>
      %dma_start3A_57 = arith.constant 0 : i32
      %dma_start3A_58 = tpu.memref_slice %arg9[%add3A_16, %dma_start3A_57] : memref<10240x64xf32, #tpu.memory_space<vmem_shared>> -> memref<40x64xf32, #tpu.memory_space<vmem_shared>>
      tpu.enqueue_dma source(%arg8 : memref<40x64xf32, #tpu.memory_space<vmem>>) target(%dma_start3A_58 : memref<40x64xf32, #tpu.memory_space<vmem_shared>>) target_semaphore(%run_scoped3A_55 : memref<!tpu.dma_semaphore, #tpu.memory_space<semaphore_mem>>)
      %dma_wait3A = arith.constant 0 : i32
      %dma_wait3A_59 = tpu.memref_slice %arg9[%add3A_16, %dma_wait3A] : memref<10240x64xf32, #tpu.memory_space<vmem_shared>> -> memref<40x64xf32, #tpu.memory_space<vmem_shared>>
      %dma_wait3A_60 = arith.constant 0 : i32
      %dma_wait3A_61 = tpu.memref_slice %arg9[%add3A_16, %dma_wait3A_60] : memref<10240x64xf32, #tpu.memory_space<vmem_shared>> -> memref<40x64xf32, #tpu.memory_space<vmem_shared>>
      tpu.wait_dma2 semaphore(%run_scoped3A_55 : memref<!tpu.dma_semaphore, #tpu.memory_space<semaphore_mem>>) src(%arg8 : memref<40x64xf32, #tpu.memory_space<vmem>>) dst(%dma_wait3A_61 : memref<40x64xf32, #tpu.memory_space<vmem_shared>>)
      tpu.yield
    }) : () -> ()
    %add3A_17 = arith.constant 240 : i32
    %add3A_18 = arith.addi %mul3A_0, %add3A_17 : i32
    "tpu.region"() ({
      %run_scoped3A_55 = tpu.sem_alloc : memref<!tpu.dma_semaphore, #tpu.memory_space<semaphore_mem>>
      %dma_start3A = arith.constant 0 : i32
      %dma_start3A_56 = tpu.memref_slice %arg9[%add3A_18, %dma_start3A] : memref<10240x64xf32, #tpu.memory_space<vmem_shared>> -> memref<40x64xf32, #tpu.memory_space<vmem_shared>>
      %dma_start3A_57 = arith.constant 0 : i32
      %dma_start3A_58 = tpu.memref_slice %arg9[%add3A_18, %dma_start3A_57] : memref<10240x64xf32, #tpu.memory_space<vmem_shared>> -> memref<40x64xf32, #tpu.memory_space<vmem_shared>>
      tpu.enqueue_dma source(%arg8 : memref<40x64xf32, #tpu.memory_space<vmem>>) target(%dma_start3A_58 : memref<40x64xf32, #tpu.memory_space<vmem_shared>>) target_semaphore(%run_scoped3A_55 : memref<!tpu.dma_semaphore, #tpu.memory_space<semaphore_mem>>)
      %dma_wait3A = arith.constant 0 : i32
      %dma_wait3A_59 = tpu.memref_slice %arg9[%add3A_18, %dma_wait3A] : memref<10240x64xf32, #tpu.memory_space<vmem_shared>> -> memref<40x64xf32, #tpu.memory_space<vmem_shared>>
      %dma_wait3A_60 = arith.constant 0 : i32
      %dma_wait3A_61 = tpu.memref_slice %arg9[%add3A_18, %dma_wait3A_60] : memref<10240x64xf32, #tpu.memory_space<vmem_shared>> -> memref<40x64xf32, #tpu.memory_space<vmem_shared>>
      tpu.wait_dma2 semaphore(%run_scoped3A_55 : memref<!tpu.dma_semaphore, #tpu.memory_space<semaphore_mem>>) src(%arg8 : memref<40x64xf32, #tpu.memory_space<vmem>>) dst(%dma_wait3A_61 : memref<40x64xf32, #tpu.memory_space<vmem_shared>>)
      tpu.yield
    }) : () -> ()
    %add3A_19 = arith.constant 280 : i32
    %add3A_20 = arith.addi %mul3A_0, %add3A_19 : i32
    "tpu.region"() ({
      %run_scoped3A_55 = tpu.sem_alloc : memref<!tpu.dma_semaphore, #tpu.memory_space<semaphore_mem>>
      %dma_start3A = arith.constant 0 : i32
      %dma_start3A_56 = tpu.memref_slice %arg9[%add3A_20, %dma_start3A] : memref<10240x64xf32, #tpu.memory_space<vmem_shared>> -> memref<40x64xf32, #tpu.memory_space<vmem_shared>>
      %dma_start3A_57 = arith.constant 0 : i32
      %dma_start3A_58 = tpu.memref_slice %arg9[%add3A_20, %dma_start3A_57] : memref<10240x64xf32, #tpu.memory_space<vmem_shared>> -> memref<40x64xf32, #tpu.memory_space<vmem_shared>>
      tpu.enqueue_dma source(%arg8 : memref<40x64xf32, #tpu.memory_space<vmem>>) target(%dma_start3A_58 : memref<40x64xf32, #tpu.memory_space<vmem_shared>>) target_semaphore(%run_scoped3A_55 : memref<!tpu.dma_semaphore, #tpu.memory_space<semaphore_mem>>)
      %dma_wait3A = arith.constant 0 : i32
      %dma_wait3A_59 = tpu.memref_slice %arg9[%add3A_20, %dma_wait3A] : memref<10240x64xf32, #tpu.memory_space<vmem_shared>> -> memref<40x64xf32, #tpu.memory_space<vmem_shared>>
      %dma_wait3A_60 = arith.constant 0 : i32
      %dma_wait3A_61 = tpu.memref_slice %arg9[%add3A_20, %dma_wait3A_60] : memref<10240x64xf32, #tpu.memory_space<vmem_shared>> -> memref<40x64xf32, #tpu.memory_space<vmem_shared>>
      tpu.wait_dma2 semaphore(%run_scoped3A_55 : memref<!tpu.dma_semaphore, #tpu.memory_space<semaphore_mem>>) src(%arg8 : memref<40x64xf32, #tpu.memory_space<vmem>>) dst(%dma_wait3A_61 : memref<40x64xf32, #tpu.memory_space<vmem_shared>>)
      tpu.yield
    }) : () -> ()
    %add3A_21 = arith.constant 320 : i32
    %add3A_22 = arith.addi %mul3A_0, %add3A_21 : i32
    "tpu.region"() ({
      %run_scoped3A_55 = tpu.sem_alloc : memref<!tpu.dma_semaphore, #tpu.memory_space<semaphore_mem>>
      %dma_start3A = arith.constant 0 : i32
      %dma_start3A_56 = tpu.memref_slice %arg9[%add3A_22, %dma_start3A] : memref<10240x64xf32, #tpu.memory_space<vmem_shared>> -> memref<40x64xf32, #tpu.memory_space<vmem_shared>>
      %dma_start3A_57 = arith.constant 0 : i32
      %dma_start3A_58 = tpu.memref_slice %arg9[%add3A_22, %dma_start3A_57] : memref<10240x64xf32, #tpu.memory_space<vmem_shared>> -> memref<40x64xf32, #tpu.memory_space<vmem_shared>>
      tpu.enqueue_dma source(%arg8 : memref<40x64xf32, #tpu.memory_space<vmem>>) target(%dma_start3A_58 : memref<40x64xf32, #tpu.memory_space<vmem_shared>>) target_semaphore(%run_scoped3A_55 : memref<!tpu.dma_semaphore, #tpu.memory_space<semaphore_mem>>)
      %dma_wait3A = arith.constant 0 : i32
      %dma_wait3A_59 = tpu.memref_slice %arg9[%add3A_22, %dma_wait3A] : memref<10240x64xf32, #tpu.memory_space<vmem_shared>> -> memref<40x64xf32, #tpu.memory_space<vmem_shared>>
      %dma_wait3A_60 = arith.constant 0 : i32
      %dma_wait3A_61 = tpu.memref_slice %arg9[%add3A_22, %dma_wait3A_60] : memref<10240x64xf32, #tpu.memory_space<vmem_shared>> -> memref<40x64xf32, #tpu.memory_space<vmem_shared>>
      tpu.wait_dma2 semaphore(%run_scoped3A_55 : memref<!tpu.dma_semaphore, #tpu.memory_space<semaphore_mem>>) src(%arg8 : memref<40x64xf32, #tpu.memory_space<vmem>>) dst(%dma_wait3A_61 : memref<40x64xf32, #tpu.memory_space<vmem_shared>>)
      tpu.yield
    }) : () -> ()
    %add3A_23 = arith.constant 360 : i32
    %add3A_24 = arith.addi %mul3A_0, %add3A_23 : i32
    "tpu.region"() ({
      %run_scoped3A_55 = tpu.sem_alloc : memref<!tpu.dma_semaphore, #tpu.memory_space<semaphore_mem>>
      %dma_start3A = arith.constant 0 : i32
      %dma_start3A_56 = tpu.memref_slice %arg9[%add3A_24, %dma_start3A] : memref<10240x64xf32, #tpu.memory_space<vmem_shared>> -> memref<40x64xf32, #tpu.memory_space<vmem_shared>>
      %dma_start3A_57 = arith.constant 0 : i32
      %dma_start3A_58 = tpu.memref_slice %arg9[%add3A_24, %dma_start3A_57] : memref<10240x64xf32, #tpu.memory_space<vmem_shared>> -> memref<40x64xf32, #tpu.memory_space<vmem_shared>>
      tpu.enqueue_dma source(%arg8 : memref<40x64xf32, #tpu.memory_space<vmem>>) target(%dma_start3A_58 : memref<40x64xf32, #tpu.memory_space<vmem_shared>>) target_semaphore(%run_scoped3A_55 : memref<!tpu.dma_semaphore, #tpu.memory_space<semaphore_mem>>)
      %dma_wait3A = arith.constant 0 : i32
      %dma_wait3A_59 = tpu.memref_slice %arg9[%add3A_24, %dma_wait3A] : memref<10240x64xf32, #tpu.memory_space<vmem_shared>> -> memref<40x64xf32, #tpu.memory_space<vmem_shared>>
      %dma_wait3A_60 = arith.constant 0 : i32
      %dma_wait3A_61 = tpu.memref_slice %arg9[%add3A_24, %dma_wait3A_60] : memref<10240x64xf32, #tpu.memory_space<vmem_shared>> -> memref<40x64xf32, #tpu.memory_space<vmem_shared>>
      tpu.wait_dma2 semaphore(%run_scoped3A_55 : memref<!tpu.dma_semaphore, #tpu.memory_space<semaphore_mem>>) src(%arg8 : memref<40x64xf32, #tpu.memory_space<vmem>>) dst(%dma_wait3A_61 : memref<40x64xf32, #tpu.memory_space<vmem_shared>>)
      tpu.yield
    }) : () -> ()
    %add3A_25 = arith.constant 400 : i32
    %add3A_26 = arith.addi %mul3A_0, %add3A_25 : i32
    "tpu.region"() ({
      %run_scoped3A_55 = tpu.sem_alloc : memref<!tpu.dma_semaphore, #tpu.memory_space<semaphore_mem>>
      %dma_start3A = arith.constant 0 : i32
      %dma_start3A_56 = tpu.memref_slice %arg9[%add3A_26, %dma_start3A] : memref<10240x64xf32, #tpu.memory_space<vmem_shared>> -> memref<40x64xf32, #tpu.memory_space<vmem_shared>>
      %dma_start3A_57 = arith.constant 0 : i32
      %dma_start3A_58 = tpu.memref_slice %arg9[%add3A_26, %dma_start3A_57] : memref<10240x64xf32, #tpu.memory_space<vmem_shared>> -> memref<40x64xf32, #tpu.memory_space<vmem_shared>>
      tpu.enqueue_dma source(%arg8 : memref<40x64xf32, #tpu.memory_space<vmem>>) target(%dma_start3A_58 : memref<40x64xf32, #tpu.memory_space<vmem_shared>>) target_semaphore(%run_scoped3A_55 : memref<!tpu.dma_semaphore, #tpu.memory_space<semaphore_mem>>)
      %dma_wait3A = arith.constant 0 : i32
      %dma_wait3A_59 = tpu.memref_slice %arg9[%add3A_26, %dma_wait3A] : memref<10240x64xf32, #tpu.memory_space<vmem_shared>> -> memref<40x64xf32, #tpu.memory_space<vmem_shared>>
      %dma_wait3A_60 = arith.constant 0 : i32
      %dma_wait3A_61 = tpu.memref_slice %arg9[%add3A_26, %dma_wait3A_60] : memref<10240x64xf32, #tpu.memory_space<vmem_shared>> -> memref<40x64xf32, #tpu.memory_space<vmem_shared>>
      tpu.wait_dma2 semaphore(%run_scoped3A_55 : memref<!tpu.dma_semaphore, #tpu.memory_space<semaphore_mem>>) src(%arg8 : memref<40x64xf32, #tpu.memory_space<vmem>>) dst(%dma_wait3A_61 : memref<40x64xf32, #tpu.memory_space<vmem_shared>>)
      tpu.yield
    }) : () -> ()
    %add3A_27 = arith.constant 440 : i32
    %add3A_28 = arith.addi %mul3A_0, %add3A_27 : i32
    "tpu.region"() ({
      %run_scoped3A_55 = tpu.sem_alloc : memref<!tpu.dma_semaphore, #tpu.memory_space<semaphore_mem>>
      %dma_start3A = arith.constant 0 : i32
      %dma_start3A_56 = tpu.memref_slice %arg9[%add3A_28, %dma_start3A] : memref<10240x64xf32, #tpu.memory_space<vmem_shared>> -> memref<40x64xf32, #tpu.memory_space<vmem_shared>>
      %dma_start3A_57 = arith.constant 0 : i32
      %dma_start3A_58 = tpu.memref_slice %arg9[%add3A_28, %dma_start3A_57] : memref<10240x64xf32, #tpu.memory_space<vmem_shared>> -> memref<40x64xf32, #tpu.memory_space<vmem_shared>>
      tpu.enqueue_dma source(%arg8 : memref<40x64xf32, #tpu.memory_space<vmem>>) target(%dma_start3A_58 : memref<40x64xf32, #tpu.memory_space<vmem_shared>>) target_semaphore(%run_scoped3A_55 : memref<!tpu.dma_semaphore, #tpu.memory_space<semaphore_mem>>)
      %dma_wait3A = arith.constant 0 : i32
      %dma_wait3A_59 = tpu.memref_slice %arg9[%add3A_28, %dma_wait3A] : memref<10240x64xf32, #tpu.memory_space<vmem_shared>> -> memref<40x64xf32, #tpu.memory_space<vmem_shared>>
      %dma_wait3A_60 = arith.constant 0 : i32
      %dma_wait3A_61 = tpu.memref_slice %arg9[%add3A_28, %dma_wait3A_60] : memref<10240x64xf32, #tpu.memory_space<vmem_shared>> -> memref<40x64xf32, #tpu.memory_space<vmem_shared>>
      tpu.wait_dma2 semaphore(%run_scoped3A_55 : memref<!tpu.dma_semaphore, #tpu.memory_space<semaphore_mem>>) src(%arg8 : memref<40x64xf32, #tpu.memory_space<vmem>>) dst(%dma_wait3A_61 : memref<40x64xf32, #tpu.memory_space<vmem_shared>>)
      tpu.yield
    }) : () -> ()
    %add3A_29 = arith.constant 480 : i32
    %add3A_30 = arith.addi %mul3A_0, %add3A_29 : i32
    "tpu.region"() ({
      %run_scoped3A_55 = tpu.sem_alloc : memref<!tpu.dma_semaphore, #tpu.memory_space<semaphore_mem>>
      %dma_start3A = arith.constant 0 : i32
      %dma_start3A_56 = tpu.memref_slice %arg9[%add3A_30, %dma_start3A] : memref<10240x64xf32, #tpu.memory_space<vmem_shared>> -> memref<40x64xf32, #tpu.memory_space<vmem_shared>>
      %dma_start3A_57 = arith.constant 0 : i32
      %dma_start3A_58 = tpu.memref_slice %arg9[%add3A_30, %dma_start3A_57] : memref<10240x64xf32, #tpu.memory_space<vmem_shared>> -> memref<40x64xf32, #tpu.memory_space<vmem_shared>>
      tpu.enqueue_dma source(%arg8 : memref<40x64xf32, #tpu.memory_space<vmem>>) target(%dma_start3A_58 : memref<40x64xf32, #tpu.memory_space<vmem_shared>>) target_semaphore(%run_scoped3A_55 : memref<!tpu.dma_semaphore, #tpu.memory_space<semaphore_mem>>)
      %dma_wait3A = arith.constant 0 : i32
      %dma_wait3A_59 = tpu.memref_slice %arg9[%add3A_30, %dma_wait3A] : memref<10240x64xf32, #tpu.memory_space<vmem_shared>> -> memref<40x64xf32, #tpu.memory_space<vmem_shared>>
      %dma_wait3A_60 = arith.constant 0 : i32
      %dma_wait3A_61 = tpu.memref_slice %arg9[%add3A_30, %dma_wait3A_60] : memref<10240x64xf32, #tpu.memory_space<vmem_shared>> -> memref<40x64xf32, #tpu.memory_space<vmem_shared>>
      tpu.wait_dma2 semaphore(%run_scoped3A_55 : memref<!tpu.dma_semaphore, #tpu.memory_space<semaphore_mem>>) src(%arg8 : memref<40x64xf32, #tpu.memory_space<vmem>>) dst(%dma_wait3A_61 : memref<40x64xf32, #tpu.memory_space<vmem_shared>>)
      tpu.yield
    }) : () -> ()
    %add3A_31 = arith.constant 520 : i32
    %add3A_32 = arith.addi %mul3A_0, %add3A_31 : i32
    "tpu.region"() ({
      %run_scoped3A_55 = tpu.sem_alloc : memref<!tpu.dma_semaphore, #tpu.memory_space<semaphore_mem>>
      %dma_start3A = arith.constant 0 : i32
      %dma_start3A_56 = tpu.memref_slice %arg9[%add3A_32, %dma_start3A] : memref<10240x64xf32, #tpu.memory_space<vmem_shared>> -> memref<40x64xf32, #tpu.memory_space<vmem_shared>>
      %dma_start3A_57 = arith.constant 0 : i32
      %dma_start3A_58 = tpu.memref_slice %arg9[%add3A_32, %dma_start3A_57] : memref<10240x64xf32, #tpu.memory_space<vmem_shared>> -> memref<40x64xf32, #tpu.memory_space<vmem_shared>>
      tpu.enqueue_dma source(%arg8 : memref<40x64xf32, #tpu.memory_space<vmem>>) target(%dma_start3A_58 : memref<40x64xf32, #tpu.memory_space<vmem_shared>>) target_semaphore(%run_scoped3A_55 : memref<!tpu.dma_semaphore, #tpu.memory_space<semaphore_mem>>)
      %dma_wait3A = arith.constant 0 : i32
      %dma_wait3A_59 = tpu.memref_slice %arg9[%add3A_32, %dma_wait3A] : memref<10240x64xf32, #tpu.memory_space<vmem_shared>> -> memref<40x64xf32, #tpu.memory_space<vmem_shared>>
      %dma_wait3A_60 = arith.constant 0 : i32
      %dma_wait3A_61 = tpu.memref_slice %arg9[%add3A_32, %dma_wait3A_60] : memref<10240x64xf32, #tpu.memory_space<vmem_shared>> -> memref<40x64xf32, #tpu.memory_space<vmem_shared>>
      tpu.wait_dma2 semaphore(%run_scoped3A_55 : memref<!tpu.dma_semaphore, #tpu.memory_space<semaphore_mem>>) src(%arg8 : memref<40x64xf32, #tpu.memory_space<vmem>>) dst(%dma_wait3A_61 : memref<40x64xf32, #tpu.memory_space<vmem_shared>>)
      tpu.yield
    }) : () -> ()
    %add3A_33 = arith.constant 560 : i32
    %add3A_34 = arith.addi %mul3A_0, %add3A_33 : i32
    "tpu.region"() ({
      %run_scoped3A_55 = tpu.sem_alloc : memref<!tpu.dma_semaphore, #tpu.memory_space<semaphore_mem>>
      %dma_start3A = arith.constant 0 : i32
      %dma_start3A_56 = tpu.memref_slice %arg9[%add3A_34, %dma_start3A] : memref<10240x64xf32, #tpu.memory_space<vmem_shared>> -> memref<40x64xf32, #tpu.memory_space<vmem_shared>>
      %dma_start3A_57 = arith.constant 0 : i32
      %dma_start3A_58 = tpu.memref_slice %arg9[%add3A_34, %dma_start3A_57] : memref<10240x64xf32, #tpu.memory_space<vmem_shared>> -> memref<40x64xf32, #tpu.memory_space<vmem_shared>>
      tpu.enqueue_dma source(%arg8 : memref<40x64xf32, #tpu.memory_space<vmem>>) target(%dma_start3A_58 : memref<40x64xf32, #tpu.memory_space<vmem_shared>>) target_semaphore(%run_scoped3A_55 : memref<!tpu.dma_semaphore, #tpu.memory_space<semaphore_mem>>)
      %dma_wait3A = arith.constant 0 : i32
      %dma_wait3A_59 = tpu.memref_slice %arg9[%add3A_34, %dma_wait3A] : memref<10240x64xf32, #tpu.memory_space<vmem_shared>> -> memref<40x64xf32, #tpu.memory_space<vmem_shared>>
      %dma_wait3A_60 = arith.constant 0 : i32
      %dma_wait3A_61 = tpu.memref_slice %arg9[%add3A_34, %dma_wait3A_60] : memref<10240x64xf32, #tpu.memory_space<vmem_shared>> -> memref<40x64xf32, #tpu.memory_space<vmem_shared>>
      tpu.wait_dma2 semaphore(%run_scoped3A_55 : memref<!tpu.dma_semaphore, #tpu.memory_space<semaphore_mem>>) src(%arg8 : memref<40x64xf32, #tpu.memory_space<vmem>>) dst(%dma_wait3A_61 : memref<40x64xf32, #tpu.memory_space<vmem_shared>>)
      tpu.yield
    }) : () -> ()
    %add3A_35 = arith.constant 600 : i32
    %add3A_36 = arith.addi %mul3A_0, %add3A_35 : i32
    "tpu.region"() ({
      %run_scoped3A_55 = tpu.sem_alloc : memref<!tpu.dma_semaphore, #tpu.memory_space<semaphore_mem>>
      %dma_start3A = arith.constant 0 : i32
      %dma_start3A_56 = tpu.memref_slice %arg9[%add3A_36, %dma_start3A] : memref<10240x64xf32, #tpu.memory_space<vmem_shared>> -> memref<40x64xf32, #tpu.memory_space<vmem_shared>>
      %dma_start3A_57 = arith.constant 0 : i32
      %dma_start3A_58 = tpu.memref_slice %arg9[%add3A_36, %dma_start3A_57] : memref<10240x64xf32, #tpu.memory_space<vmem_shared>> -> memref<40x64xf32, #tpu.memory_space<vmem_shared>>
      tpu.enqueue_dma source(%arg8 : memref<40x64xf32, #tpu.memory_space<vmem>>) target(%dma_start3A_58 : memref<40x64xf32, #tpu.memory_space<vmem_shared>>) target_semaphore(%run_scoped3A_55 : memref<!tpu.dma_semaphore, #tpu.memory_space<semaphore_mem>>)
      %dma_wait3A = arith.constant 0 : i32
      %dma_wait3A_59 = tpu.memref_slice %arg9[%add3A_36, %dma_wait3A] : memref<10240x64xf32, #tpu.memory_space<vmem_shared>> -> memref<40x64xf32, #tpu.memory_space<vmem_shared>>
      %dma_wait3A_60 = arith.constant 0 : i32
      %dma_wait3A_61 = tpu.memref_slice %arg9[%add3A_36, %dma_wait3A_60] : memref<10240x64xf32, #tpu.memory_space<vmem_shared>> -> memref<40x64xf32, #tpu.memory_space<vmem_shared>>
      tpu.wait_dma2 semaphore(%run_scoped3A_55 : memref<!tpu.dma_semaphore, #tpu.memory_space<semaphore_mem>>) src(%arg8 : memref<40x64xf32, #tpu.memory_space<vmem>>) dst(%dma_wait3A_61 : memref<40x64xf32, #tpu.memory_space<vmem_shared>>)
      tpu.yield
    }) : () -> ()
    %mul3A_37 = arith.constant 20000 : i32
    %mul3A_38 = arith.muli %arg1, %mul3A_37 : i32
    %run_scoped3A = arith.constant 0 : i32
    "tpu.region"() ({
      %run_scoped3A_55 = tpu.sem_alloc : memref<!tpu.dma_semaphore, #tpu.memory_space<semaphore_mem>>
      %dma_start3A = tpu.memref_slice %arg3[%run_scoped3A, %mul3A_38] : memref<2x320000xi32, #tpu.memory_space<hbm>> -> memref<1x20000xi32, #tpu.memory_space<hbm>>
      %dma_start3A_56 = tpu.memref_squeeze %dma_start3A : memref<1x20000xi32, #tpu.memory_space<hbm>> -> memref<20000xi32, #tpu.memory_space<hbm>>
      %dma_start3A_57 = tpu.memref_slice %arg3[%run_scoped3A, %mul3A_38] : memref<2x320000xi32, #tpu.memory_space<hbm>> -> memref<1x20000xi32, #tpu.memory_space<hbm>>
      %dma_start3A_58 = tpu.memref_squeeze %dma_start3A_57 : memref<1x20000xi32, #tpu.memory_space<hbm>> -> memref<20000xi32, #tpu.memory_space<hbm>>
      tpu.enqueue_dma source(%dma_start3A_58 : memref<20000xi32, #tpu.memory_space<hbm>>) target(%arg5 : memref<20000xi32, #tpu.memory_space<vmem>>) target_semaphore(%run_scoped3A_55 : memref<!tpu.dma_semaphore, #tpu.memory_space<semaphore_mem>>)
      %dma_wait3A = tpu.memref_slice %arg3[%run_scoped3A, %mul3A_38] : memref<2x320000xi32, #tpu.memory_space<hbm>> -> memref<1x20000xi32, #tpu.memory_space<hbm>>
      %dma_wait3A_59 = tpu.memref_squeeze %dma_wait3A : memref<1x20000xi32, #tpu.memory_space<hbm>> -> memref<20000xi32, #tpu.memory_space<hbm>>
      %dma_wait3A_60 = tpu.memref_slice %arg3[%run_scoped3A, %mul3A_38] : memref<2x320000xi32, #tpu.memory_space<hbm>> -> memref<1x20000xi32, #tpu.memory_space<hbm>>
      %dma_wait3A_61 = tpu.memref_squeeze %dma_wait3A_60 : memref<1x20000xi32, #tpu.memory_space<hbm>> -> memref<20000xi32, #tpu.memory_space<hbm>>
      tpu.wait_dma2 semaphore(%run_scoped3A_55 : memref<!tpu.dma_semaphore, #tpu.memory_space<semaphore_mem>>) src(%dma_wait3A_61 : memref<20000xi32, #tpu.memory_space<hbm>>) dst(%arg5 : memref<20000xi32, #tpu.memory_space<vmem>>)
      tpu.yield
    }) : () -> ()
    %mul3A_39 = arith.constant 20000 : i32
    %mul3A_40 = arith.muli %arg1, %mul3A_39 : i32
    %run_scoped3A_41 = arith.constant 1 : i32
    "tpu.region"() ({
      %run_scoped3A_55 = tpu.sem_alloc : memref<!tpu.dma_semaphore, #tpu.memory_space<semaphore_mem>>
      %dma_start3A = tpu.memref_slice %arg3[%run_scoped3A_41, %mul3A_40] : memref<2x320000xi32, #tpu.memory_space<hbm>> -> memref<1x20000xi32, #tpu.memory_space<hbm>>
      %dma_start3A_56 = tpu.memref_squeeze %dma_start3A : memref<1x20000xi32, #tpu.memory_space<hbm>> -> memref<20000xi32, #tpu.memory_space<hbm>>
      %dma_start3A_57 = tpu.memref_slice %arg3[%run_scoped3A_41, %mul3A_40] : memref<2x320000xi32, #tpu.memory_space<hbm>> -> memref<1x20000xi32, #tpu.memory_space<hbm>>
      %dma_start3A_58 = tpu.memref_squeeze %dma_start3A_57 : memref<1x20000xi32, #tpu.memory_space<hbm>> -> memref<20000xi32, #tpu.memory_space<hbm>>
      tpu.enqueue_dma source(%dma_start3A_58 : memref<20000xi32, #tpu.memory_space<hbm>>) target(%arg6 : memref<20000xi32, #tpu.memory_space<vmem>>) target_semaphore(%run_scoped3A_55 : memref<!tpu.dma_semaphore, #tpu.memory_space<semaphore_mem>>)
      %dma_wait3A = tpu.memref_slice %arg3[%run_scoped3A_41, %mul3A_40] : memref<2x320000xi32, #tpu.memory_space<hbm>> -> memref<1x20000xi32, #tpu.memory_space<hbm>>
      %dma_wait3A_59 = tpu.memref_squeeze %dma_wait3A : memref<1x20000xi32, #tpu.memory_space<hbm>> -> memref<20000xi32, #tpu.memory_space<hbm>>
      %dma_wait3A_60 = tpu.memref_slice %arg3[%run_scoped3A_41, %mul3A_40] : memref<2x320000xi32, #tpu.memory_space<hbm>> -> memref<1x20000xi32, #tpu.memory_space<hbm>>
      %dma_wait3A_61 = tpu.memref_squeeze %dma_wait3A_60 : memref<1x20000xi32, #tpu.memory_space<hbm>> -> memref<20000xi32, #tpu.memory_space<hbm>>
      tpu.wait_dma2 semaphore(%run_scoped3A_55 : memref<!tpu.dma_semaphore, #tpu.memory_space<semaphore_mem>>) src(%dma_wait3A_61 : memref<20000xi32, #tpu.memory_space<hbm>>) dst(%arg6 : memref<20000xi32, #tpu.memory_space<vmem>>)
      tpu.yield
    }) : () -> ()
    %scan3A_42 = arith.constant 0 : i32
    %scan3A_43 = arith.constant 0 : i32
    %scan3A_44 = arith.constant 1250 : i32
    %scan3A_45 = arith.addi %scan3A_43, %scan3A_44 : i32
    %scan3A_46 = arith.constant 1 : i32
    scf.for %scan3A_55 = %scan3A_43 to %scan3A_45 step %scan3A_46  : i32 {
      %mul3A_56 = arith.constant 16 : i32
      %mul3A_57 = arith.muli %scan3A_55, %mul3A_56 : i32
      %get3A = arith.index_cast %mul3A_57 : i32 to index
      %get3A_58 = tpu.vector_load %arg5[%get3A] {strides = array<i32>} : memref<20000xi32, #tpu.memory_space<vmem>>, vector<16xi32>,
      %add3A_59 = arith.addi %get3A_58, %get3A_58 : vector<16xi32>
      %add3A_60 = vector.broadcast %arg0 : i32 to vector<16xi32>
      %add3A_61 = arith.addi %add3A_59, %add3A_60 : vector<16xi32>
      %mul3A_62 = arith.constant 16 : i32
      %mul3A_63 = arith.muli %scan3A_55, %mul3A_62 : i32
      %swap3A = arith.index_cast %mul3A_63 : i32 to index
      %swap3A_64 = tpu.vector_load %arg5[%swap3A] {strides = array<i32>} : memref<20000xi32, #tpu.memory_space<vmem>>, vector<16xi32>,
      tpu.vector_store %arg5[%swap3A], %add3A_61 {strides = array<i32>} : memref<20000xi32, #tpu.memory_space<vmem>>, vector<16xi32>,
    }
    %scan3A_47 = arith.constant 1250 : i32
    %barrier3A = arith.constant 0 : index
    tpu.barrier barrier_id(%barrier3A)
    %scan3A_48 = arith.constant 0 : i32
    %scan3A_49 = arith.constant 0 : i32
    %scan3A_50 = arith.constant 50 : i32
    %scan3A_51 = arith.addi %scan3A_49, %scan3A_50 : i32
    %scan3A_52 = arith.constant 1 : i32
    scf.for %scan3A_55 = %scan3A_49 to %scan3A_51 step %scan3A_52  : i32 {
      %mul3A_56 = arith.constant 10 : i32
      %mul3A_57 = arith.muli %scan3A_55, %mul3A_56 : i32
      %add3A_58 = arith.constant 0 : i32
      %add3A_59 = arith.addi %mul3A_57, %add3A_58 : i32
      %mul3A_60 = arith.constant 40 : i32
      %mul3A_61 = arith.muli %add3A_59, %mul3A_60 : i32
      %dma_start3A = arith.constant 0 : i32
      %dma_start3A_62 = arith.constant 0 : i32
      %dma_start3A_63 = arith.constant 0 : i32
      %dma_start3A_64 = tpu.memref_slice %arg7[%dma_start3A, %dma_start3A_62, %dma_start3A_63] : memref<10x40x64xf32, #tpu.memory_space<vmem>> -> memref<1x40x64xf32, #tpu.memory_space<vmem>>
      %dma_start3A_65 = tpu.memref_squeeze %dma_start3A_64 : memref<1x40x64xf32, #tpu.memory_space<vmem>> -> memref<40x64xf32, #tpu.memory_space<vmem>>
      %dma_start3A_66 = tpu.memref_slice %arg5[%mul3A_61] : memref<20000xi32, #tpu.memory_space<vmem>> -> memref<40xi32, #tpu.memory_space<vmem>>
      %dma_start3A_67 = arith.constant 0 : i32
      %dma_start3A_68 = arith.constant 0 : i32
      %dma_start3A_69 = tpu.memref_slice %arg2[%dma_start3A_67, %dma_start3A_68] : memref<20000x64xf32, #tpu.memory_space<hbm>> -> memref<20000x64xf32, #tpu.memory_space<hbm>>
      tpu.enqueue_indirect_dma source(%dma_start3A_69 : memref<20000x64xf32, #tpu.memory_space<hbm>>) target(%dma_start3A_65 : memref<40x64xf32, #tpu.memory_space<vmem>>) offsets(%dma_start3A_66 : memref<40xi32, #tpu.memory_space<vmem>>) semaphore(%arg10 : memref<!tpu.dma_semaphore, #tpu.memory_space<semaphore_mem>>)
      %add3A_70 = arith.constant 1 : i32
      %add3A_71 = arith.addi %mul3A_57, %add3A_70 : i32
      %mul3A_72 = arith.constant 40 : i32
      %mul3A_73 = arith.muli %add3A_71, %mul3A_72 : i32
      %dma_start3A_74 = arith.constant 1 : i32
      %dma_start3A_75 = arith.constant 0 : i32
      %dma_start3A_76 = arith.constant 0 : i32
      %dma_start3A_77 = tpu.memref_slice %arg7[%dma_start3A_74, %dma_start3A_75, %dma_start3A_76] : memref<10x40x64xf32, #tpu.memory_space<vmem>> -> memref<1x40x64xf32, #tpu.memory_space<vmem>>
      %dma_start3A_78 = tpu.memref_squeeze %dma_start3A_77 : memref<1x40x64xf32, #tpu.memory_space<vmem>> -> memref<40x64xf32, #tpu.memory_space<vmem>>
      %dma_start3A_79 = tpu.memref_slice %arg5[%mul3A_73] : memref<20000xi32, #tpu.memory_space<vmem>> -> memref<40xi32, #tpu.memory_space<vmem>>
      %dma_start3A_80 = arith.constant 0 : i32
      %dma_start3A_81 = arith.constant 0 : i32
      %dma_start3A_82 = tpu.memref_slice %arg2[%dma_start3A_80, %dma_start3A_81] : memref<20000x64xf32, #tpu.memory_space<hbm>> -> memref<20000x64xf32, #tpu.memory_space<hbm>>
      tpu.enqueue_indirect_dma source(%dma_start3A_82 : memref<20000x64xf32, #tpu.memory_space<hbm>>) target(%dma_start3A_78 : memref<40x64xf32, #tpu.memory_space<vmem>>) offsets(%dma_start3A_79 : memref<40xi32, #tpu.memory_space<vmem>>) semaphore(%arg10 : memref<!tpu.dma_semaphore, #tpu.memory_space<semaphore_mem>>)
      %add3A_83 = arith.constant 2 : i32
      %add3A_84 = arith.addi %mul3A_57, %add3A_83 : i32
      %mul3A_85 = arith.constant 40 : i32
      %mul3A_86 = arith.muli %add3A_84, %mul3A_85 : i32
      %dma_start3A_87 = arith.constant 2 : i32
      %dma_start3A_88 = arith.constant 0 : i32
      %dma_start3A_89 = arith.constant 0 : i32
      %dma_start3A_90 = tpu.memref_slice %arg7[%dma_start3A_87, %dma_start3A_88, %dma_start3A_89] : memref<10x40x64xf32, #tpu.memory_space<vmem>> -> memref<1x40x64xf32, #tpu.memory_space<vmem>>
      %dma_start3A_91 = tpu.memref_squeeze %dma_start3A_90 : memref<1x40x64xf32, #tpu.memory_space<vmem>> -> memref<40x64xf32, #tpu.memory_space<vmem>>
      %dma_start3A_92 = tpu.memref_slice %arg5[%mul3A_86] : memref<20000xi32, #tpu.memory_space<vmem>> -> memref<40xi32, #tpu.memory_space<vmem>>
      %dma_start3A_93 = arith.constant 0 : i32
      %dma_start3A_94 = arith.constant 0 : i32
      %dma_start3A_95 = tpu.memref_slice %arg2[%dma_start3A_93, %dma_start3A_94] : memref<20000x64xf32, #tpu.memory_space<hbm>> -> memref<20000x64xf32, #tpu.memory_space<hbm>>
      tpu.enqueue_indirect_dma source(%dma_start3A_95 : memref<20000x64xf32, #tpu.memory_space<hbm>>) target(%dma_start3A_91 : memref<40x64xf32, #tpu.memory_space<vmem>>) offsets(%dma_start3A_92 : memref<40xi32, #tpu.memory_space<vmem>>) semaphore(%arg10 : memref<!tpu.dma_semaphore, #tpu.memory_space<semaphore_mem>>)
      %add3A_96 = arith.constant 3 : i32
      %add3A_97 = arith.addi %mul3A_57, %add3A_96 : i32
      %mul3A_98 = arith.constant 40 : i32
      %mul3A_99 = arith.muli %add3A_97, %mul3A_98 : i32
      %dma_start3A_100 = arith.constant 3 : i32
      %dma_start3A_101 = arith.constant 0 : i32
      %dma_start3A_102 = arith.constant 0 : i32
      %dma_start3A_103 = tpu.memref_slice %arg7[%dma_start3A_100, %dma_start3A_101, %dma_start3A_102] : memref<10x40x64xf32, #tpu.memory_space<vmem>> -> memref<1x40x64xf32, #tpu.memory_space<vmem>>
      %dma_start3A_104 = tpu.memref_squeeze %dma_start3A_103 : memref<1x40x64xf32, #tpu.memory_space<vmem>> -> memref<40x64xf32, #tpu.memory_space<vmem>>
      %dma_start3A_105 = tpu.memref_slice %arg5[%mul3A_99] : memref<20000xi32, #tpu.memory_space<vmem>> -> memref<40xi32, #tpu.memory_space<vmem>>
      %dma_start3A_106 = arith.constant 0 : i32
      %dma_start3A_107 = arith.constant 0 : i32
      %dma_start3A_108 = tpu.memref_slice %arg2[%dma_start3A_106, %dma_start3A_107] : memref<20000x64xf32, #tpu.memory_space<hbm>> -> memref<20000x64xf32, #tpu.memory_space<hbm>>
      tpu.enqueue_indirect_dma source(%dma_start3A_108 : memref<20000x64xf32, #tpu.memory_space<hbm>>) target(%dma_start3A_104 : memref<40x64xf32, #tpu.memory_space<vmem>>) offsets(%dma_start3A_105 : memref<40xi32, #tpu.memory_space<vmem>>) semaphore(%arg10 : memref<!tpu.dma_semaphore, #tpu.memory_space<semaphore_mem>>)
      %add3A_109 = arith.constant 4 : i32
      %add3A_110 = arith.addi %mul3A_57, %add3A_109 : i32
      %mul3A_111 = arith.constant 40 : i32
      %mul3A_112 = arith.muli %add3A_110, %mul3A_111 : i32
      %dma_start3A_113 = arith.constant 4 : i32
      %dma_start3A_114 = arith.constant 0 : i32
      %dma_start3A_115 = arith.constant 0 : i32
      %dma_start3A_116 = tpu.memref_slice %arg7[%dma_start3A_113, %dma_start3A_114, %dma_start3A_115] : memref<10x40x64xf32, #tpu.memory_space<vmem>> -> memref<1x40x64xf32, #tpu.memory_space<vmem>>
      %dma_start3A_117 = tpu.memref_squeeze %dma_start3A_116 : memref<1x40x64xf32, #tpu.memory_space<vmem>> -> memref<40x64xf32, #tpu.memory_space<vmem>>
      %dma_start3A_118 = tpu.memref_slice %arg5[%mul3A_112] : memref<20000xi32, #tpu.memory_space<vmem>> -> memref<40xi32, #tpu.memory_space<vmem>>
      %dma_start3A_119 = arith.constant 0 : i32
      %dma_start3A_120 = arith.constant 0 : i32
      %dma_start3A_121 = tpu.memref_slice %arg2[%dma_start3A_119, %dma_start3A_120] : memref<20000x64xf32, #tpu.memory_space<hbm>> -> memref<20000x64xf32, #tpu.memory_space<hbm>>
      tpu.enqueue_indirect_dma source(%dma_start3A_121 : memref<20000x64xf32, #tpu.memory_space<hbm>>) target(%dma_start3A_117 : memref<40x64xf32, #tpu.memory_space<vmem>>) offsets(%dma_start3A_118 : memref<40xi32, #tpu.memory_space<vmem>>) semaphore(%arg10 : memref<!tpu.dma_semaphore, #tpu.memory_space<semaphore_mem>>)
      %add3A_122 = arith.constant 5 : i32
      %add3A_123 = arith.addi %mul3A_57, %add3A_122 : i32
      %mul3A_124 = arith.constant 40 : i32
      %mul3A_125 = arith.muli %add3A_123, %mul3A_124 : i32
      %dma_start3A_126 = arith.constant 5 : i32
      %dma_start3A_127 = arith.constant 0 : i32
      %dma_start3A_128 = arith.constant 0 : i32
      %dma_start3A_129 = tpu.memref_slice %arg7[%dma_start3A_126, %dma_start3A_127, %dma_start3A_128] : memref<10x40x64xf32, #tpu.memory_space<vmem>> -> memref<1x40x64xf32, #tpu.memory_space<vmem>>
      %dma_start3A_130 = tpu.memref_squeeze %dma_start3A_129 : memref<1x40x64xf32, #tpu.memory_space<vmem>> -> memref<40x64xf32, #tpu.memory_space<vmem>>
      %dma_start3A_131 = tpu.memref_slice %arg5[%mul3A_125] : memref<20000xi32, #tpu.memory_space<vmem>> -> memref<40xi32, #tpu.memory_space<vmem>>
      %dma_start3A_132 = arith.constant 0 : i32
      %dma_start3A_133 = arith.constant 0 : i32
      %dma_start3A_134 = tpu.memref_slice %arg2[%dma_start3A_132, %dma_start3A_133] : memref<20000x64xf32, #tpu.memory_space<hbm>> -> memref<20000x64xf32, #tpu.memory_space<hbm>>
      tpu.enqueue_indirect_dma source(%dma_start3A_134 : memref<20000x64xf32, #tpu.memory_space<hbm>>) target(%dma_start3A_130 : memref<40x64xf32, #tpu.memory_space<vmem>>) offsets(%dma_start3A_131 : memref<40xi32, #tpu.memory_space<vmem>>) semaphore(%arg10 : memref<!tpu.dma_semaphore, #tpu.memory_space<semaphore_mem>>)
      %add3A_135 = arith.constant 6 : i32
      %add3A_136 = arith.addi %mul3A_57, %add3A_135 : i32
      %mul3A_137 = arith.constant 40 : i32
      %mul3A_138 = arith.muli %add3A_136, %mul3A_137 : i32
      %dma_start3A_139 = arith.constant 6 : i32
      %dma_start3A_140 = arith.constant 0 : i32
      %dma_start3A_141 = arith.constant 0 : i32
      %dma_start3A_142 = tpu.memref_slice %arg7[%dma_start3A_139, %dma_start3A_140, %dma_start3A_141] : memref<10x40x64xf32, #tpu.memory_space<vmem>> -> memref<1x40x64xf32, #tpu.memory_space<vmem>>
      %dma_start3A_143 = tpu.memref_squeeze %dma_start3A_142 : memref<1x40x64xf32, #tpu.memory_space<vmem>> -> memref<40x64xf32, #tpu.memory_space<vmem>>
      %dma_start3A_144 = tpu.memref_slice %arg5[%mul3A_138] : memref<20000xi32, #tpu.memory_space<vmem>> -> memref<40xi32, #tpu.memory_space<vmem>>
      %dma_start3A_145 = arith.constant 0 : i32
      %dma_start3A_146 = arith.constant 0 : i32
      %dma_start3A_147 = tpu.memref_slice %arg2[%dma_start3A_145, %dma_start3A_146] : memref<20000x64xf32, #tpu.memory_space<hbm>> -> memref<20000x64xf32, #tpu.memory_space<hbm>>
      tpu.enqueue_indirect_dma source(%dma_start3A_147 : memref<20000x64xf32, #tpu.memory_space<hbm>>) target(%dma_start3A_143 : memref<40x64xf32, #tpu.memory_space<vmem>>) offsets(%dma_start3A_144 : memref<40xi32, #tpu.memory_space<vmem>>) semaphore(%arg10 : memref<!tpu.dma_semaphore, #tpu.memory_space<semaphore_mem>>)
      %add3A_148 = arith.constant 7 : i32
      %add3A_149 = arith.addi %mul3A_57, %add3A_148 : i32
      %mul3A_150 = arith.constant 40 : i32
      %mul3A_151 = arith.muli %add3A_149, %mul3A_150 : i32
      %dma_start3A_152 = arith.constant 7 : i32
      %dma_start3A_153 = arith.constant 0 : i32
      %dma_start3A_154 = arith.constant 0 : i32
      %dma_start3A_155 = tpu.memref_slice %arg7[%dma_start3A_152, %dma_start3A_153, %dma_start3A_154] : memref<10x40x64xf32, #tpu.memory_space<vmem>> -> memref<1x40x64xf32, #tpu.memory_space<vmem>>
      %dma_start3A_156 = tpu.memref_squeeze %dma_start3A_155 : memref<1x40x64xf32, #tpu.memory_space<vmem>> -> memref<40x64xf32, #tpu.memory_space<vmem>>
      %dma_start3A_157 = tpu.memref_slice %arg5[%mul3A_151] : memref<20000xi32, #tpu.memory_space<vmem>> -> memref<40xi32, #tpu.memory_space<vmem>>
      %dma_start3A_158 = arith.constant 0 : i32
      %dma_start3A_159 = arith.constant 0 : i32
      %dma_start3A_160 = tpu.memref_slice %arg2[%dma_start3A_158, %dma_start3A_159] : memref<20000x64xf32, #tpu.memory_space<hbm>> -> memref<20000x64xf32, #tpu.memory_space<hbm>>
      tpu.enqueue_indirect_dma source(%dma_start3A_160 : memref<20000x64xf32, #tpu.memory_space<hbm>>) target(%dma_start3A_156 : memref<40x64xf32, #tpu.memory_space<vmem>>) offsets(%dma_start3A_157 : memref<40xi32, #tpu.memory_space<vmem>>) semaphore(%arg10 : memref<!tpu.dma_semaphore, #tpu.memory_space<semaphore_mem>>)
      %add3A_161 = arith.constant 8 : i32
      %add3A_162 = arith.addi %mul3A_57, %add3A_161 : i32
      %mul3A_163 = arith.constant 40 : i32
      %mul3A_164 = arith.muli %add3A_162, %mul3A_163 : i32
      %dma_start3A_165 = arith.constant 8 : i32
      %dma_start3A_166 = arith.constant 0 : i32
      %dma_start3A_167 = arith.constant 0 : i32
      %dma_start3A_168 = tpu.memref_slice %arg7[%dma_start3A_165, %dma_start3A_166, %dma_start3A_167] : memref<10x40x64xf32, #tpu.memory_space<vmem>> -> memref<1x40x64xf32, #tpu.memory_space<vmem>>
      %dma_start3A_169 = tpu.memref_squeeze %dma_start3A_168 : memref<1x40x64xf32, #tpu.memory_space<vmem>> -> memref<40x64xf32, #tpu.memory_space<vmem>>
      %dma_start3A_170 = tpu.memref_slice %arg5[%mul3A_164] : memref<20000xi32, #tpu.memory_space<vmem>> -> memref<40xi32, #tpu.memory_space<vmem>>
      %dma_start3A_171 = arith.constant 0 : i32
      %dma_start3A_172 = arith.constant 0 : i32
      %dma_start3A_173 = tpu.memref_slice %arg2[%dma_start3A_171, %dma_start3A_172] : memref<20000x64xf32, #tpu.memory_space<hbm>> -> memref<20000x64xf32, #tpu.memory_space<hbm>>
      tpu.enqueue_indirect_dma source(%dma_start3A_173 : memref<20000x64xf32, #tpu.memory_space<hbm>>) target(%dma_start3A_169 : memref<40x64xf32, #tpu.memory_space<vmem>>) offsets(%dma_start3A_170 : memref<40xi32, #tpu.memory_space<vmem>>) semaphore(%arg10 : memref<!tpu.dma_semaphore, #tpu.memory_space<semaphore_mem>>)
      %add3A_174 = arith.constant 9 : i32
      %add3A_175 = arith.addi %mul3A_57, %add3A_174 : i32
      %mul3A_176 = arith.constant 40 : i32
      %mul3A_177 = arith.muli %add3A_175, %mul3A_176 : i32
      %dma_start3A_178 = arith.constant 9 : i32
      %dma_start3A_179 = arith.constant 0 : i32
      %dma_start3A_180 = arith.constant 0 : i32
      %dma_start3A_181 = tpu.memref_slice %arg7[%dma_start3A_178, %dma_start3A_179, %dma_start3A_180] : memref<10x40x64xf32, #tpu.memory_space<vmem>> -> memref<1x40x64xf32, #tpu.memory_space<vmem>>
      %dma_start3A_182 = tpu.memref_squeeze %dma_start3A_181 : memref<1x40x64xf32, #tpu.memory_space<vmem>> -> memref<40x64xf32, #tpu.memory_space<vmem>>
      %dma_start3A_183 = tpu.memref_slice %arg5[%mul3A_177] : memref<20000xi32, #tpu.memory_space<vmem>> -> memref<40xi32, #tpu.memory_space<vmem>>
      %dma_start3A_184 = arith.constant 0 : i32
      %dma_start3A_185 = arith.constant 0 : i32
      %dma_start3A_186 = tpu.memref_slice %arg2[%dma_start3A_184, %dma_start3A_185] : memref<20000x64xf32, #tpu.memory_space<hbm>> -> memref<20000x64xf32, #tpu.memory_space<hbm>>
      tpu.enqueue_indirect_dma source(%dma_start3A_186 : memref<20000x64xf32, #tpu.memory_space<hbm>>) target(%dma_start3A_182 : memref<40x64xf32, #tpu.memory_space<vmem>>) offsets(%dma_start3A_183 : memref<40xi32, #tpu.memory_space<vmem>>) semaphore(%arg10 : memref<!tpu.dma_semaphore, #tpu.memory_space<semaphore_mem>>)
      %dma_wait3A = arith.constant 0 : i32
      %dma_wait3A_187 = arith.constant 0 : i32
      %dma_wait3A_188 = arith.constant 0 : i32
      %dma_wait3A_189 = tpu.memref_slice %arg7[%dma_wait3A, %dma_wait3A_187, %dma_wait3A_188] : memref<10x40x64xf32, #tpu.memory_space<vmem>> -> memref<1x40x64xf32, #tpu.memory_space<vmem>>
      %dma_wait3A_190 = tpu.memref_squeeze %dma_wait3A_189 : memref<1x40x64xf32, #tpu.memory_space<vmem>> -> memref<40x64xf32, #tpu.memory_space<vmem>>
      %dma_wait3A_191 = tpu.memref_slice %arg5[%mul3A_61] : memref<20000xi32, #tpu.memory_space<vmem>> -> memref<40xi32, #tpu.memory_space<vmem>>
      %dma_wait3A_192 = arith.constant 0 : i32
      %dma_wait3A_193 = arith.constant 0 : i32
      %dma_wait3A_194 = tpu.memref_slice %arg2[%dma_wait3A_192, %dma_wait3A_193] : memref<20000x64xf32, #tpu.memory_space<hbm>> -> memref<20000x64xf32, #tpu.memory_space<hbm>>
      tpu.wait_indirect_dma semaphore(%arg10 : memref<!tpu.dma_semaphore, #tpu.memory_space<semaphore_mem>>) src(%dma_wait3A_194 : memref<20000x64xf32, #tpu.memory_space<hbm>>) dst(%dma_wait3A_190 : memref<40x64xf32, #tpu.memory_space<vmem>>)
      %add3A_195 = arith.constant 0 : i32
      %add3A_196 = arith.addi %mul3A_57, %add3A_195 : i32
      %mul3A_197 = arith.constant 40 : i32
      %mul3A_198 = arith.muli %add3A_196, %mul3A_197 : i32
      %dma_start3A_199 = arith.constant 0 : i32
      %dma_start3A_200 = arith.constant 0 : i32
      %dma_start3A_201 = arith.constant 0 : i32
      %dma_start3A_202 = tpu.memref_slice %arg7[%dma_start3A_199, %dma_start3A_200, %dma_start3A_201] : memref<10x40x64xf32, #tpu.memory_space<vmem>> -> memref<1x40x64xf32, #tpu.memory_space<vmem>>
      %dma_start3A_203 = tpu.memref_squeeze %dma_start3A_202 : memref<1x40x64xf32, #tpu.memory_space<vmem>> -> memref<40x64xf32, #tpu.memory_space<vmem>>
      %dma_start3A_204 = tpu.memref_slice %arg6[%mul3A_198] : memref<20000xi32, #tpu.memory_space<vmem>> -> memref<40xi32, #tpu.memory_space<vmem>>
      %dma_start3A_205 = arith.constant 0 : i32
      %dma_start3A_206 = arith.constant 0 : i32
      %dma_start3A_207 = tpu.memref_slice %arg9[%dma_start3A_205, %dma_start3A_206] : memref<10240x64xf32, #tpu.memory_space<vmem_shared>> -> memref<10240x64xf32, #tpu.memory_space<vmem_shared>>
      tpu.enqueue_indirect_dma source(%dma_start3A_203 : memref<40x64xf32, #tpu.memory_space<vmem>>) target(%dma_start3A_207 : memref<10240x64xf32, #tpu.memory_space<vmem_shared>>) offsets(%dma_start3A_204 : memref<40xi32, #tpu.memory_space<vmem>>) semaphore(%arg11 : memref<!tpu.dma_semaphore, #tpu.memory_space<semaphore_mem>>) {add = true}
      %dma_wait3A_208 = arith.constant 1 : i32
      %dma_wait3A_209 = arith.constant 0 : i32
      %dma_wait3A_210 = arith.constant 0 : i32
      %dma_wait3A_211 = tpu.memref_slice %arg7[%dma_wait3A_208, %dma_wait3A_209, %dma_wait3A_210] : memref<10x40x64xf32, #tpu.memory_space<vmem>> -> memref<1x40x64xf32, #tpu.memory_space<vmem>>
      %dma_wait3A_212 = tpu.memref_squeeze %dma_wait3A_211 : memref<1x40x64xf32, #tpu.memory_space<vmem>> -> memref<40x64xf32, #tpu.memory_space<vmem>>
      %dma_wait3A_213 = tpu.memref_slice %arg5[%mul3A_73] : memref<20000xi32, #tpu.memory_space<vmem>> -> memref<40xi32, #tpu.memory_space<vmem>>
      %dma_wait3A_214 = arith.constant 0 : i32
      %dma_wait3A_215 = arith.constant 0 : i32
      %dma_wait3A_216 = tpu.memref_slice %arg2[%dma_wait3A_214, %dma_wait3A_215] : memref<20000x64xf32, #tpu.memory_space<hbm>> -> memref<20000x64xf32, #tpu.memory_space<hbm>>
      tpu.wait_indirect_dma semaphore(%arg10 : memref<!tpu.dma_semaphore, #tpu.memory_space<semaphore_mem>>) src(%dma_wait3A_216 : memref<20000x64xf32, #tpu.memory_space<hbm>>) dst(%dma_wait3A_212 : memref<40x64xf32, #tpu.memory_space<vmem>>)
      %add3A_217 = arith.constant 1 : i32
      %add3A_218 = arith.addi %mul3A_57, %add3A_217 : i32
      %mul3A_219 = arith.constant 40 : i32
      %mul3A_220 = arith.muli %add3A_218, %mul3A_219 : i32
      %dma_start3A_221 = arith.constant 1 : i32
      %dma_start3A_222 = arith.constant 0 : i32
      %dma_start3A_223 = arith.constant 0 : i32
      %dma_start3A_224 = tpu.memref_slice %arg7[%dma_start3A_221, %dma_start3A_222, %dma_start3A_223] : memref<10x40x64xf32, #tpu.memory_space<vmem>> -> memref<1x40x64xf32, #tpu.memory_space<vmem>>
      %dma_start3A_225 = tpu.memref_squeeze %dma_start3A_224 : memref<1x40x64xf32, #tpu.memory_space<vmem>> -> memref<40x64xf32, #tpu.memory_space<vmem>>
      %dma_start3A_226 = tpu.memref_slice %arg6[%mul3A_220] : memref<20000xi32, #tpu.memory_space<vmem>> -> memref<40xi32, #tpu.memory_space<vmem>>
      %dma_start3A_227 = arith.constant 0 : i32
      %dma_start3A_228 = arith.constant 0 : i32
      %dma_start3A_229 = tpu.memref_slice %arg9[%dma_start3A_227, %dma_start3A_228] : memref<10240x64xf32, #tpu.memory_space<vmem_shared>> -> memref<10240x64xf32, #tpu.memory_space<vmem_shared>>
      tpu.enqueue_indirect_dma source(%dma_start3A_225 : memref<40x64xf32, #tpu.memory_space<vmem>>) target(%dma_start3A_229 : memref<10240x64xf32, #tpu.memory_space<vmem_shared>>) offsets(%dma_start3A_226 : memref<40xi32, #tpu.memory_space<vmem>>) semaphore(%arg11 : memref<!tpu.dma_semaphore, #tpu.memory_space<semaphore_mem>>) {add = true}
      %dma_wait3A_230 = arith.constant 2 : i32
      %dma_wait3A_231 = arith.constant 0 : i32
      %dma_wait3A_232 = arith.constant 0 : i32
      %dma_wait3A_233 = tpu.memref_slice %arg7[%dma_wait3A_230, %dma_wait3A_231, %dma_wait3A_232] : memref<10x40x64xf32, #tpu.memory_space<vmem>> -> memref<1x40x64xf32, #tpu.memory_space<vmem>>
      %dma_wait3A_234 = tpu.memref_squeeze %dma_wait3A_233 : memref<1x40x64xf32, #tpu.memory_space<vmem>> -> memref<40x64xf32, #tpu.memory_space<vmem>>
      %dma_wait3A_235 = tpu.memref_slice %arg5[%mul3A_86] : memref<20000xi32, #tpu.memory_space<vmem>> -> memref<40xi32, #tpu.memory_space<vmem>>
      %dma_wait3A_236 = arith.constant 0 : i32
      %dma_wait3A_237 = arith.constant 0 : i32
      %dma_wait3A_238 = tpu.memref_slice %arg2[%dma_wait3A_236, %dma_wait3A_237] : memref<20000x64xf32, #tpu.memory_space<hbm>> -> memref<20000x64xf32, #tpu.memory_space<hbm>>
      tpu.wait_indirect_dma semaphore(%arg10 : memref<!tpu.dma_semaphore, #tpu.memory_space<semaphore_mem>>) src(%dma_wait3A_238 : memref<20000x64xf32, #tpu.memory_space<hbm>>) dst(%dma_wait3A_234 : memref<40x64xf32, #tpu.memory_space<vmem>>)
      %add3A_239 = arith.constant 2 : i32
      %add3A_240 = arith.addi %mul3A_57, %add3A_239 : i32
      %mul3A_241 = arith.constant 40 : i32
      %mul3A_242 = arith.muli %add3A_240, %mul3A_241 : i32
      %dma_start3A_243 = arith.constant 2 : i32
      %dma_start3A_244 = arith.constant 0 : i32
      %dma_start3A_245 = arith.constant 0 : i32
      %dma_start3A_246 = tpu.memref_slice %arg7[%dma_start3A_243, %dma_start3A_244, %dma_start3A_245] : memref<10x40x64xf32, #tpu.memory_space<vmem>> -> memref<1x40x64xf32, #tpu.memory_space<vmem>>
      %dma_start3A_247 = tpu.memref_squeeze %dma_start3A_246 : memref<1x40x64xf32, #tpu.memory_space<vmem>> -> memref<40x64xf32, #tpu.memory_space<vmem>>
      %dma_start3A_248 = tpu.memref_slice %arg6[%mul3A_242] : memref<20000xi32, #tpu.memory_space<vmem>> -> memref<40xi32, #tpu.memory_space<vmem>>
      %dma_start3A_249 = arith.constant 0 : i32
      %dma_start3A_250 = arith.constant 0 : i32
      %dma_start3A_251 = tpu.memref_slice %arg9[%dma_start3A_249, %dma_start3A_250] : memref<10240x64xf32, #tpu.memory_space<vmem_shared>> -> memref<10240x64xf32, #tpu.memory_space<vmem_shared>>
      tpu.enqueue_indirect_dma source(%dma_start3A_247 : memref<40x64xf32, #tpu.memory_space<vmem>>) target(%dma_start3A_251 : memref<10240x64xf32, #tpu.memory_space<vmem_shared>>) offsets(%dma_start3A_248 : memref<40xi32, #tpu.memory_space<vmem>>) semaphore(%arg11 : memref<!tpu.dma_semaphore, #tpu.memory_space<semaphore_mem>>) {add = true}
      %dma_wait3A_252 = arith.constant 3 : i32
      %dma_wait3A_253 = arith.constant 0 : i32
      %dma_wait3A_254 = arith.constant 0 : i32
      %dma_wait3A_255 = tpu.memref_slice %arg7[%dma_wait3A_252, %dma_wait3A_253, %dma_wait3A_254] : memref<10x40x64xf32, #tpu.memory_space<vmem>> -> memref<1x40x64xf32, #tpu.memory_space<vmem>>
      %dma_wait3A_256 = tpu.memref_squeeze %dma_wait3A_255 : memref<1x40x64xf32, #tpu.memory_space<vmem>> -> memref<40x64xf32, #tpu.memory_space<vmem>>
      %dma_wait3A_257 = tpu.memref_slice %arg5[%mul3A_99] : memref<20000xi32, #tpu.memory_space<vmem>> -> memref<40xi32, #tpu.memory_space<vmem>>
      %dma_wait3A_258 = arith.constant 0 : i32
      %dma_wait3A_259 = arith.constant 0 : i32
      %dma_wait3A_260 = tpu.memref_slice %arg2[%dma_wait3A_258, %dma_wait3A_259] : memref<20000x64xf32, #tpu.memory_space<hbm>> -> memref<20000x64xf32, #tpu.memory_space<hbm>>
      tpu.wait_indirect_dma semaphore(%arg10 : memref<!tpu.dma_semaphore, #tpu.memory_space<semaphore_mem>>) src(%dma_wait3A_260 : memref<20000x64xf32, #tpu.memory_space<hbm>>) dst(%dma_wait3A_256 : memref<40x64xf32, #tpu.memory_space<vmem>>)
      %add3A_261 = arith.constant 3 : i32
      %add3A_262 = arith.addi %mul3A_57, %add3A_261 : i32
      %mul3A_263 = arith.constant 40 : i32
      %mul3A_264 = arith.muli %add3A_262, %mul3A_263 : i32
      %dma_start3A_265 = arith.constant 3 : i32
      %dma_start3A_266 = arith.constant 0 : i32
      %dma_start3A_267 = arith.constant 0 : i32
      %dma_start3A_268 = tpu.memref_slice %arg7[%dma_start3A_265, %dma_start3A_266, %dma_start3A_267] : memref<10x40x64xf32, #tpu.memory_space<vmem>> -> memref<1x40x64xf32, #tpu.memory_space<vmem>>
      %dma_start3A_269 = tpu.memref_squeeze %dma_start3A_268 : memref<1x40x64xf32, #tpu.memory_space<vmem>> -> memref<40x64xf32, #tpu.memory_space<vmem>>
      %dma_start3A_270 = tpu.memref_slice %arg6[%mul3A_264] : memref<20000xi32, #tpu.memory_space<vmem>> -> memref<40xi32, #tpu.memory_space<vmem>>
      %dma_start3A_271 = arith.constant 0 : i32
      %dma_start3A_272 = arith.constant 0 : i32
      %dma_start3A_273 = tpu.memref_slice %arg9[%dma_start3A_271, %dma_start3A_272] : memref<10240x64xf32, #tpu.memory_space<vmem_shared>> -> memref<10240x64xf32, #tpu.memory_space<vmem_shared>>
      tpu.enqueue_indirect_dma source(%dma_start3A_269 : memref<40x64xf32, #tpu.memory_space<vmem>>) target(%dma_start3A_273 : memref<10240x64xf32, #tpu.memory_space<vmem_shared>>) offsets(%dma_start3A_270 : memref<40xi32, #tpu.memory_space<vmem>>) semaphore(%arg11 : memref<!tpu.dma_semaphore, #tpu.memory_space<semaphore_mem>>) {add = true}
      %dma_wait3A_274 = arith.constant 4 : i32
      %dma_wait3A_275 = arith.constant 0 : i32
      %dma_wait3A_276 = arith.constant 0 : i32
      %dma_wait3A_277 = tpu.memref_slice %arg7[%dma_wait3A_274, %dma_wait3A_275, %dma_wait3A_276] : memref<10x40x64xf32, #tpu.memory_space<vmem>> -> memref<1x40x64xf32, #tpu.memory_space<vmem>>
      %dma_wait3A_278 = tpu.memref_squeeze %dma_wait3A_277 : memref<1x40x64xf32, #tpu.memory_space<vmem>> -> memref<40x64xf32, #tpu.memory_space<vmem>>
      %dma_wait3A_279 = tpu.memref_slice %arg5[%mul3A_112] : memref<20000xi32, #tpu.memory_space<vmem>> -> memref<40xi32, #tpu.memory_space<vmem>>
      %dma_wait3A_280 = arith.constant 0 : i32
      %dma_wait3A_281 = arith.constant 0 : i32
      %dma_wait3A_282 = tpu.memref_slice %arg2[%dma_wait3A_280, %dma_wait3A_281] : memref<20000x64xf32, #tpu.memory_space<hbm>> -> memref<20000x64xf32, #tpu.memory_space<hbm>>
      tpu.wait_indirect_dma semaphore(%arg10 : memref<!tpu.dma_semaphore, #tpu.memory_space<semaphore_mem>>) src(%dma_wait3A_282 : memref<20000x64xf32, #tpu.memory_space<hbm>>) dst(%dma_wait3A_278 : memref<40x64xf32, #tpu.memory_space<vmem>>)
      %add3A_283 = arith.constant 4 : i32
      %add3A_284 = arith.addi %mul3A_57, %add3A_283 : i32
      %mul3A_285 = arith.constant 40 : i32
      %mul3A_286 = arith.muli %add3A_284, %mul3A_285 : i32
      %dma_start3A_287 = arith.constant 4 : i32
      %dma_start3A_288 = arith.constant 0 : i32
      %dma_start3A_289 = arith.constant 0 : i32
      %dma_start3A_290 = tpu.memref_slice %arg7[%dma_start3A_287, %dma_start3A_288, %dma_start3A_289] : memref<10x40x64xf32, #tpu.memory_space<vmem>> -> memref<1x40x64xf32, #tpu.memory_space<vmem>>
      %dma_start3A_291 = tpu.memref_squeeze %dma_start3A_290 : memref<1x40x64xf32, #tpu.memory_space<vmem>> -> memref<40x64xf32, #tpu.memory_space<vmem>>
      %dma_start3A_292 = tpu.memref_slice %arg6[%mul3A_286] : memref<20000xi32, #tpu.memory_space<vmem>> -> memref<40xi32, #tpu.memory_space<vmem>>
      %dma_start3A_293 = arith.constant 0 : i32
      %dma_start3A_294 = arith.constant 0 : i32
      %dma_start3A_295 = tpu.memref_slice %arg9[%dma_start3A_293, %dma_start3A_294] : memref<10240x64xf32, #tpu.memory_space<vmem_shared>> -> memref<10240x64xf32, #tpu.memory_space<vmem_shared>>
      tpu.enqueue_indirect_dma source(%dma_start3A_291 : memref<40x64xf32, #tpu.memory_space<vmem>>) target(%dma_start3A_295 : memref<10240x64xf32, #tpu.memory_space<vmem_shared>>) offsets(%dma_start3A_292 : memref<40xi32, #tpu.memory_space<vmem>>) semaphore(%arg11 : memref<!tpu.dma_semaphore, #tpu.memory_space<semaphore_mem>>) {add = true}
      %dma_wait3A_296 = arith.constant 5 : i32
      %dma_wait3A_297 = arith.constant 0 : i32
      %dma_wait3A_298 = arith.constant 0 : i32
      %dma_wait3A_299 = tpu.memref_slice %arg7[%dma_wait3A_296, %dma_wait3A_297, %dma_wait3A_298] : memref<10x40x64xf32, #tpu.memory_space<vmem>> -> memref<1x40x64xf32, #tpu.memory_space<vmem>>
      %dma_wait3A_300 = tpu.memref_squeeze %dma_wait3A_299 : memref<1x40x64xf32, #tpu.memory_space<vmem>> -> memref<40x64xf32, #tpu.memory_space<vmem>>
      %dma_wait3A_301 = tpu.memref_slice %arg5[%mul3A_125] : memref<20000xi32, #tpu.memory_space<vmem>> -> memref<40xi32, #tpu.memory_space<vmem>>
      %dma_wait3A_302 = arith.constant 0 : i32
      %dma_wait3A_303 = arith.constant 0 : i32
      %dma_wait3A_304 = tpu.memref_slice %arg2[%dma_wait3A_302, %dma_wait3A_303] : memref<20000x64xf32, #tpu.memory_space<hbm>> -> memref<20000x64xf32, #tpu.memory_space<hbm>>
      tpu.wait_indirect_dma semaphore(%arg10 : memref<!tpu.dma_semaphore, #tpu.memory_space<semaphore_mem>>) src(%dma_wait3A_304 : memref<20000x64xf32, #tpu.memory_space<hbm>>) dst(%dma_wait3A_300 : memref<40x64xf32, #tpu.memory_space<vmem>>)
      %add3A_305 = arith.constant 5 : i32
      %add3A_306 = arith.addi %mul3A_57, %add3A_305 : i32
      %mul3A_307 = arith.constant 40 : i32
      %mul3A_308 = arith.muli %add3A_306, %mul3A_307 : i32
      %dma_start3A_309 = arith.constant 5 : i32
      %dma_start3A_310 = arith.constant 0 : i32
      %dma_start3A_311 = arith.constant 0 : i32
      %dma_start3A_312 = tpu.memref_slice %arg7[%dma_start3A_309, %dma_start3A_310, %dma_start3A_311] : memref<10x40x64xf32, #tpu.memory_space<vmem>> -> memref<1x40x64xf32, #tpu.memory_space<vmem>>
      %dma_start3A_313 = tpu.memref_squeeze %dma_start3A_312 : memref<1x40x64xf32, #tpu.memory_space<vmem>> -> memref<40x64xf32, #tpu.memory_space<vmem>>
      %dma_start3A_314 = tpu.memref_slice %arg6[%mul3A_308] : memref<20000xi32, #tpu.memory_space<vmem>> -> memref<40xi32, #tpu.memory_space<vmem>>
      %dma_start3A_315 = arith.constant 0 : i32
      %dma_start3A_316 = arith.constant 0 : i32
      %dma_start3A_317 = tpu.memref_slice %arg9[%dma_start3A_315, %dma_start3A_316] : memref<10240x64xf32, #tpu.memory_space<vmem_shared>> -> memref<10240x64xf32, #tpu.memory_space<vmem_shared>>
      tpu.enqueue_indirect_dma source(%dma_start3A_313 : memref<40x64xf32, #tpu.memory_space<vmem>>) target(%dma_start3A_317 : memref<10240x64xf32, #tpu.memory_space<vmem_shared>>) offsets(%dma_start3A_314 : memref<40xi32, #tpu.memory_space<vmem>>) semaphore(%arg11 : memref<!tpu.dma_semaphore, #tpu.memory_space<semaphore_mem>>) {add = true}
      %dma_wait3A_318 = arith.constant 6 : i32
      %dma_wait3A_319 = arith.constant 0 : i32
      %dma_wait3A_320 = arith.constant 0 : i32
      %dma_wait3A_321 = tpu.memref_slice %arg7[%dma_wait3A_318, %dma_wait3A_319, %dma_wait3A_320] : memref<10x40x64xf32, #tpu.memory_space<vmem>> -> memref<1x40x64xf32, #tpu.memory_space<vmem>>
      %dma_wait3A_322 = tpu.memref_squeeze %dma_wait3A_321 : memref<1x40x64xf32, #tpu.memory_space<vmem>> -> memref<40x64xf32, #tpu.memory_space<vmem>>
      %dma_wait3A_323 = tpu.memref_slice %arg5[%mul3A_138] : memref<20000xi32, #tpu.memory_space<vmem>> -> memref<40xi32, #tpu.memory_space<vmem>>
      %dma_wait3A_324 = arith.constant 0 : i32
      %dma_wait3A_325 = arith.constant 0 : i32
      %dma_wait3A_326 = tpu.memref_slice %arg2[%dma_wait3A_324, %dma_wait3A_325] : memref<20000x64xf32, #tpu.memory_space<hbm>> -> memref<20000x64xf32, #tpu.memory_space<hbm>>
      tpu.wait_indirect_dma semaphore(%arg10 : memref<!tpu.dma_semaphore, #tpu.memory_space<semaphore_mem>>) src(%dma_wait3A_326 : memref<20000x64xf32, #tpu.memory_space<hbm>>) dst(%dma_wait3A_322 : memref<40x64xf32, #tpu.memory_space<vmem>>)
      %add3A_327 = arith.constant 6 : i32
      %add3A_328 = arith.addi %mul3A_57, %add3A_327 : i32
      %mul3A_329 = arith.constant 40 : i32
      %mul3A_330 = arith.muli %add3A_328, %mul3A_329 : i32
      %dma_start3A_331 = arith.constant 6 : i32
      %dma_start3A_332 = arith.constant 0 : i32
      %dma_start3A_333 = arith.constant 0 : i32
      %dma_start3A_334 = tpu.memref_slice %arg7[%dma_start3A_331, %dma_start3A_332, %dma_start3A_333] : memref<10x40x64xf32, #tpu.memory_space<vmem>> -> memref<1x40x64xf32, #tpu.memory_space<vmem>>
      %dma_start3A_335 = tpu.memref_squeeze %dma_start3A_334 : memref<1x40x64xf32, #tpu.memory_space<vmem>> -> memref<40x64xf32, #tpu.memory_space<vmem>>
      %dma_start3A_336 = tpu.memref_slice %arg6[%mul3A_330] : memref<20000xi32, #tpu.memory_space<vmem>> -> memref<40xi32, #tpu.memory_space<vmem>>
      %dma_start3A_337 = arith.constant 0 : i32
      %dma_start3A_338 = arith.constant 0 : i32
      %dma_start3A_339 = tpu.memref_slice %arg9[%dma_start3A_337, %dma_start3A_338] : memref<10240x64xf32, #tpu.memory_space<vmem_shared>> -> memref<10240x64xf32, #tpu.memory_space<vmem_shared>>
      tpu.enqueue_indirect_dma source(%dma_start3A_335 : memref<40x64xf32, #tpu.memory_space<vmem>>) target(%dma_start3A_339 : memref<10240x64xf32, #tpu.memory_space<vmem_shared>>) offsets(%dma_start3A_336 : memref<40xi32, #tpu.memory_space<vmem>>) semaphore(%arg11 : memref<!tpu.dma_semaphore, #tpu.memory_space<semaphore_mem>>) {add = true}
      %dma_wait3A_340 = arith.constant 7 : i32
      %dma_wait3A_341 = arith.constant 0 : i32
      %dma_wait3A_342 = arith.constant 0 : i32
      %dma_wait3A_343 = tpu.memref_slice %arg7[%dma_wait3A_340, %dma_wait3A_341, %dma_wait3A_342] : memref<10x40x64xf32, #tpu.memory_space<vmem>> -> memref<1x40x64xf32, #tpu.memory_space<vmem>>
      %dma_wait3A_344 = tpu.memref_squeeze %dma_wait3A_343 : memref<1x40x64xf32, #tpu.memory_space<vmem>> -> memref<40x64xf32, #tpu.memory_space<vmem>>
      %dma_wait3A_345 = tpu.memref_slice %arg5[%mul3A_151] : memref<20000xi32, #tpu.memory_space<vmem>> -> memref<40xi32, #tpu.memory_space<vmem>>
      %dma_wait3A_346 = arith.constant 0 : i32
      %dma_wait3A_347 = arith.constant 0 : i32
      %dma_wait3A_348 = tpu.memref_slice %arg2[%dma_wait3A_346, %dma_wait3A_347] : memref<20000x64xf32, #tpu.memory_space<hbm>> -> memref<20000x64xf32, #tpu.memory_space<hbm>>
      tpu.wait_indirect_dma semaphore(%arg10 : memref<!tpu.dma_semaphore, #tpu.memory_space<semaphore_mem>>) src(%dma_wait3A_348 : memref<20000x64xf32, #tpu.memory_space<hbm>>) dst(%dma_wait3A_344 : memref<40x64xf32, #tpu.memory_space<vmem>>)
      %add3A_349 = arith.constant 7 : i32
      %add3A_350 = arith.addi %mul3A_57, %add3A_349 : i32
      %mul3A_351 = arith.constant 40 : i32
      %mul3A_352 = arith.muli %add3A_350, %mul3A_351 : i32
      %dma_start3A_353 = arith.constant 7 : i32
      %dma_start3A_354 = arith.constant 0 : i32
      %dma_start3A_355 = arith.constant 0 : i32
      %dma_start3A_356 = tpu.memref_slice %arg7[%dma_start3A_353, %dma_start3A_354, %dma_start3A_355] : memref<10x40x64xf32, #tpu.memory_space<vmem>> -> memref<1x40x64xf32, #tpu.memory_space<vmem>>
      %dma_start3A_357 = tpu.memref_squeeze %dma_start3A_356 : memref<1x40x64xf32, #tpu.memory_space<vmem>> -> memref<40x64xf32, #tpu.memory_space<vmem>>
      %dma_start3A_358 = tpu.memref_slice %arg6[%mul3A_352] : memref<20000xi32, #tpu.memory_space<vmem>> -> memref<40xi32, #tpu.memory_space<vmem>>
      %dma_start3A_359 = arith.constant 0 : i32
      %dma_start3A_360 = arith.constant 0 : i32
      %dma_start3A_361 = tpu.memref_slice %arg9[%dma_start3A_359, %dma_start3A_360] : memref<10240x64xf32, #tpu.memory_space<vmem_shared>> -> memref<10240x64xf32, #tpu.memory_space<vmem_shared>>
      tpu.enqueue_indirect_dma source(%dma_start3A_357 : memref<40x64xf32, #tpu.memory_space<vmem>>) target(%dma_start3A_361 : memref<10240x64xf32, #tpu.memory_space<vmem_shared>>) offsets(%dma_start3A_358 : memref<40xi32, #tpu.memory_space<vmem>>) semaphore(%arg11 : memref<!tpu.dma_semaphore, #tpu.memory_space<semaphore_mem>>) {add = true}
      %dma_wait3A_362 = arith.constant 8 : i32
      %dma_wait3A_363 = arith.constant 0 : i32
      %dma_wait3A_364 = arith.constant 0 : i32
      %dma_wait3A_365 = tpu.memref_slice %arg7[%dma_wait3A_362, %dma_wait3A_363, %dma_wait3A_364] : memref<10x40x64xf32, #tpu.memory_space<vmem>> -> memref<1x40x64xf32, #tpu.memory_space<vmem>>
      %dma_wait3A_366 = tpu.memref_squeeze %dma_wait3A_365 : memref<1x40x64xf32, #tpu.memory_space<vmem>> -> memref<40x64xf32, #tpu.memory_space<vmem>>
      %dma_wait3A_367 = tpu.memref_slice %arg5[%mul3A_164] : memref<20000xi32, #tpu.memory_space<vmem>> -> memref<40xi32, #tpu.memory_space<vmem>>
      %dma_wait3A_368 = arith.constant 0 : i32
      %dma_wait3A_369 = arith.constant 0 : i32
      %dma_wait3A_370 = tpu.memref_slice %arg2[%dma_wait3A_368, %dma_wait3A_369] : memref<20000x64xf32, #tpu.memory_space<hbm>> -> memref<20000x64xf32, #tpu.memory_space<hbm>>
      tpu.wait_indirect_dma semaphore(%arg10 : memref<!tpu.dma_semaphore, #tpu.memory_space<semaphore_mem>>) src(%dma_wait3A_370 : memref<20000x64xf32, #tpu.memory_space<hbm>>) dst(%dma_wait3A_366 : memref<40x64xf32, #tpu.memory_space<vmem>>)
      %add3A_371 = arith.constant 8 : i32
      %add3A_372 = arith.addi %mul3A_57, %add3A_371 : i32
      %mul3A_373 = arith.constant 40 : i32
      %mul3A_374 = arith.muli %add3A_372, %mul3A_373 : i32
      %dma_start3A_375 = arith.constant 8 : i32
      %dma_start3A_376 = arith.constant 0 : i32
      %dma_start3A_377 = arith.constant 0 : i32
      %dma_start3A_378 = tpu.memref_slice %arg7[%dma_start3A_375, %dma_start3A_376, %dma_start3A_377] : memref<10x40x64xf32, #tpu.memory_space<vmem>> -> memref<1x40x64xf32, #tpu.memory_space<vmem>>
      %dma_start3A_379 = tpu.memref_squeeze %dma_start3A_378 : memref<1x40x64xf32, #tpu.memory_space<vmem>> -> memref<40x64xf32, #tpu.memory_space<vmem>>
      %dma_start3A_380 = tpu.memref_slice %arg6[%mul3A_374] : memref<20000xi32, #tpu.memory_space<vmem>> -> memref<40xi32, #tpu.memory_space<vmem>>
      %dma_start3A_381 = arith.constant 0 : i32
      %dma_start3A_382 = arith.constant 0 : i32
      %dma_start3A_383 = tpu.memref_slice %arg9[%dma_start3A_381, %dma_start3A_382] : memref<10240x64xf32, #tpu.memory_space<vmem_shared>> -> memref<10240x64xf32, #tpu.memory_space<vmem_shared>>
      tpu.enqueue_indirect_dma source(%dma_start3A_379 : memref<40x64xf32, #tpu.memory_space<vmem>>) target(%dma_start3A_383 : memref<10240x64xf32, #tpu.memory_space<vmem_shared>>) offsets(%dma_start3A_380 : memref<40xi32, #tpu.memory_space<vmem>>) semaphore(%arg11 : memref<!tpu.dma_semaphore, #tpu.memory_space<semaphore_mem>>) {add = true}
      %dma_wait3A_384 = arith.constant 9 : i32
      %dma_wait3A_385 = arith.constant 0 : i32
      %dma_wait3A_386 = arith.constant 0 : i32
      %dma_wait3A_387 = tpu.memref_slice %arg7[%dma_wait3A_384, %dma_wait3A_385, %dma_wait3A_386] : memref<10x40x64xf32, #tpu.memory_space<vmem>> -> memref<1x40x64xf32, #tpu.memory_space<vmem>>
      %dma_wait3A_388 = tpu.memref_squeeze %dma_wait3A_387 : memref<1x40x64xf32, #tpu.memory_space<vmem>> -> memref<40x64xf32, #tpu.memory_space<vmem>>
      %dma_wait3A_389 = tpu.memref_slice %arg5[%mul3A_177] : memref<20000xi32, #tpu.memory_space<vmem>> -> memref<40xi32, #tpu.memory_space<vmem>>
      %dma_wait3A_390 = arith.constant 0 : i32
      %dma_wait3A_391 = arith.constant 0 : i32
      %dma_wait3A_392 = tpu.memref_slice %arg2[%dma_wait3A_390, %dma_wait3A_391] : memref<20000x64xf32, #tpu.memory_space<hbm>> -> memref<20000x64xf32, #tpu.memory_space<hbm>>
      tpu.wait_indirect_dma semaphore(%arg10 : memref<!tpu.dma_semaphore, #tpu.memory_space<semaphore_mem>>) src(%dma_wait3A_392 : memref<20000x64xf32, #tpu.memory_space<hbm>>) dst(%dma_wait3A_388 : memref<40x64xf32, #tpu.memory_space<vmem>>)
      %add3A_393 = arith.constant 9 : i32
      %add3A_394 = arith.addi %mul3A_57, %add3A_393 : i32
      %mul3A_395 = arith.constant 40 : i32
      %mul3A_396 = arith.muli %add3A_394, %mul3A_395 : i32
      %dma_start3A_397 = arith.constant 9 : i32
      %dma_start3A_398 = arith.constant 0 : i32
      %dma_start3A_399 = arith.constant 0 : i32
      %dma_start3A_400 = tpu.memref_slice %arg7[%dma_start3A_397, %dma_start3A_398, %dma_start3A_399] : memref<10x40x64xf32, #tpu.memory_space<vmem>> -> memref<1x40x64xf32, #tpu.memory_space<vmem>>
      %dma_start3A_401 = tpu.memref_squeeze %dma_start3A_400 : memref<1x40x64xf32, #tpu.memory_space<vmem>> -> memref<40x64xf32, #tpu.memory_space<vmem>>
      %dma_start3A_402 = tpu.memref_slice %arg6[%mul3A_396] : memref<20000xi32, #tpu.memory_space<vmem>> -> memref<40xi32, #tpu.memory_space<vmem>>
      %dma_start3A_403 = arith.constant 0 : i32
      %dma_start3A_404 = arith.constant 0 : i32
      %dma_start3A_405 = tpu.memref_slice %arg9[%dma_start3A_403, %dma_start3A_404] : memref<10240x64xf32, #tpu.memory_space<vmem_shared>> -> memref<10240x64xf32, #tpu.memory_space<vmem_shared>>
      tpu.enqueue_indirect_dma source(%dma_start3A_401 : memref<40x64xf32, #tpu.memory_space<vmem>>) target(%dma_start3A_405 : memref<10240x64xf32, #tpu.memory_space<vmem_shared>>) offsets(%dma_start3A_402 : memref<40xi32, #tpu.memory_space<vmem>>) semaphore(%arg11 : memref<!tpu.dma_semaphore, #tpu.memory_space<semaphore_mem>>) {add = true}
      %dma_wait3A_406 = arith.constant 0 : i32
      %dma_wait3A_407 = arith.constant 0 : i32
      %dma_wait3A_408 = arith.constant 0 : i32
      %dma_wait3A_409 = tpu.memref_slice %arg7[%dma_wait3A_406, %dma_wait3A_407, %dma_wait3A_408] : memref<10x40x64xf32, #tpu.memory_space<vmem>> -> memref<1x40x64xf32, #tpu.memory_space<vmem>>
      %dma_wait3A_410 = tpu.memref_squeeze %dma_wait3A_409 : memref<1x40x64xf32, #tpu.memory_space<vmem>> -> memref<40x64xf32, #tpu.memory_space<vmem>>
      %dma_wait3A_411 = tpu.memref_slice %arg6[%mul3A_198] : memref<20000xi32, #tpu.memory_space<vmem>> -> memref<40xi32, #tpu.memory_space<vmem>>
      %dma_wait3A_412 = arith.constant 0 : i32
      %dma_wait3A_413 = arith.constant 0 : i32
      %dma_wait3A_414 = tpu.memref_slice %arg9[%dma_wait3A_412, %dma_wait3A_413] : memref<10240x64xf32, #tpu.memory_space<vmem_shared>> -> memref<10240x64xf32, #tpu.memory_space<vmem_shared>>
      tpu.wait_indirect_dma semaphore(%arg11 : memref<!tpu.dma_semaphore, #tpu.memory_space<semaphore_mem>>) src(%dma_wait3A_410 : memref<40x64xf32, #tpu.memory_space<vmem>>) dst(%dma_wait3A_414 : memref<10240x64xf32, #tpu.memory_space<vmem_shared>>)
      %dma_wait3A_415 = arith.constant 1 : i32
      %dma_wait3A_416 = arith.constant 0 : i32
      %dma_wait3A_417 = arith.constant 0 : i32
      %dma_wait3A_418 = tpu.memref_slice %arg7[%dma_wait3A_415, %dma_wait3A_416, %dma_wait3A_417] : memref<10x40x64xf32, #tpu.memory_space<vmem>> -> memref<1x40x64xf32, #tpu.memory_space<vmem>>
      %dma_wait3A_419 = tpu.memref_squeeze %dma_wait3A_418 : memref<1x40x64xf32, #tpu.memory_space<vmem>> -> memref<40x64xf32, #tpu.memory_space<vmem>>
      %dma_wait3A_420 = tpu.memref_slice %arg6[%mul3A_220] : memref<20000xi32, #tpu.memory_space<vmem>> -> memref<40xi32, #tpu.memory_space<vmem>>
      %dma_wait3A_421 = arith.constant 0 : i32
      %dma_wait3A_422 = arith.constant 0 : i32
      %dma_wait3A_423 = tpu.memref_slice %arg9[%dma_wait3A_421, %dma_wait3A_422] : memref<10240x64xf32, #tpu.memory_space<vmem_shared>> -> memref<10240x64xf32, #tpu.memory_space<vmem_shared>>
      tpu.wait_indirect_dma semaphore(%arg11 : memref<!tpu.dma_semaphore, #tpu.memory_space<semaphore_mem>>) src(%dma_wait3A_419 : memref<40x64xf32, #tpu.memory_space<vmem>>) dst(%dma_wait3A_423 : memref<10240x64xf32, #tpu.memory_space<vmem_shared>>)
      %dma_wait3A_424 = arith.constant 2 : i32
      %dma_wait3A_425 = arith.constant 0 : i32
      %dma_wait3A_426 = arith.constant 0 : i32
      %dma_wait3A_427 = tpu.memref_slice %arg7[%dma_wait3A_424, %dma_wait3A_425, %dma_wait3A_426] : memref<10x40x64xf32, #tpu.memory_space<vmem>> -> memref<1x40x64xf32, #tpu.memory_space<vmem>>
      %dma_wait3A_428 = tpu.memref_squeeze %dma_wait3A_427 : memref<1x40x64xf32, #tpu.memory_space<vmem>> -> memref<40x64xf32, #tpu.memory_space<vmem>>
      %dma_wait3A_429 = tpu.memref_slice %arg6[%mul3A_242] : memref<20000xi32, #tpu.memory_space<vmem>> -> memref<40xi32, #tpu.memory_space<vmem>>
      %dma_wait3A_430 = arith.constant 0 : i32
      %dma_wait3A_431 = arith.constant 0 : i32
      %dma_wait3A_432 = tpu.memref_slice %arg9[%dma_wait3A_430, %dma_wait3A_431] : memref<10240x64xf32, #tpu.memory_space<vmem_shared>> -> memref<10240x64xf32, #tpu.memory_space<vmem_shared>>
      tpu.wait_indirect_dma semaphore(%arg11 : memref<!tpu.dma_semaphore, #tpu.memory_space<semaphore_mem>>) src(%dma_wait3A_428 : memref<40x64xf32, #tpu.memory_space<vmem>>) dst(%dma_wait3A_432 : memref<10240x64xf32, #tpu.memory_space<vmem_shared>>)
      %dma_wait3A_433 = arith.constant 3 : i32
      %dma_wait3A_434 = arith.constant 0 : i32
      %dma_wait3A_435 = arith.constant 0 : i32
      %dma_wait3A_436 = tpu.memref_slice %arg7[%dma_wait3A_433, %dma_wait3A_434, %dma_wait3A_435] : memref<10x40x64xf32, #tpu.memory_space<vmem>> -> memref<1x40x64xf32, #tpu.memory_space<vmem>>
      %dma_wait3A_437 = tpu.memref_squeeze %dma_wait3A_436 : memref<1x40x64xf32, #tpu.memory_space<vmem>> -> memref<40x64xf32, #tpu.memory_space<vmem>>
      %dma_wait3A_438 = tpu.memref_slice %arg6[%mul3A_264] : memref<20000xi32, #tpu.memory_space<vmem>> -> memref<40xi32, #tpu.memory_space<vmem>>
      %dma_wait3A_439 = arith.constant 0 : i32
      %dma_wait3A_440 = arith.constant 0 : i32
      %dma_wait3A_441 = tpu.memref_slice %arg9[%dma_wait3A_439, %dma_wait3A_440] : memref<10240x64xf32, #tpu.memory_space<vmem_shared>> -> memref<10240x64xf32, #tpu.memory_space<vmem_shared>>
      tpu.wait_indirect_dma semaphore(%arg11 : memref<!tpu.dma_semaphore, #tpu.memory_space<semaphore_mem>>) src(%dma_wait3A_437 : memref<40x64xf32, #tpu.memory_space<vmem>>) dst(%dma_wait3A_441 : memref<10240x64xf32, #tpu.memory_space<vmem_shared>>)
      %dma_wait3A_442 = arith.constant 4 : i32
      %dma_wait3A_443 = arith.constant 0 : i32
      %dma_wait3A_444 = arith.constant 0 : i32
      %dma_wait3A_445 = tpu.memref_slice %arg7[%dma_wait3A_442, %dma_wait3A_443, %dma_wait3A_444] : memref<10x40x64xf32, #tpu.memory_space<vmem>> -> memref<1x40x64xf32, #tpu.memory_space<vmem>>
      %dma_wait3A_446 = tpu.memref_squeeze %dma_wait3A_445 : memref<1x40x64xf32, #tpu.memory_space<vmem>> -> memref<40x64xf32, #tpu.memory_space<vmem>>
      %dma_wait3A_447 = tpu.memref_slice %arg6[%mul3A_286] : memref<20000xi32, #tpu.memory_space<vmem>> -> memref<40xi32, #tpu.memory_space<vmem>>
      %dma_wait3A_448 = arith.constant 0 : i32
      %dma_wait3A_449 = arith.constant 0 : i32
      %dma_wait3A_450 = tpu.memref_slice %arg9[%dma_wait3A_448, %dma_wait3A_449] : memref<10240x64xf32, #tpu.memory_space<vmem_shared>> -> memref<10240x64xf32, #tpu.memory_space<vmem_shared>>
      tpu.wait_indirect_dma semaphore(%arg11 : memref<!tpu.dma_semaphore, #tpu.memory_space<semaphore_mem>>) src(%dma_wait3A_446 : memref<40x64xf32, #tpu.memory_space<vmem>>) dst(%dma_wait3A_450 : memref<10240x64xf32, #tpu.memory_space<vmem_shared>>)
      %dma_wait3A_451 = arith.constant 5 : i32
      %dma_wait3A_452 = arith.constant 0 : i32
      %dma_wait3A_453 = arith.constant 0 : i32
      %dma_wait3A_454 = tpu.memref_slice %arg7[%dma_wait3A_451, %dma_wait3A_452, %dma_wait3A_453] : memref<10x40x64xf32, #tpu.memory_space<vmem>> -> memref<1x40x64xf32, #tpu.memory_space<vmem>>
      %dma_wait3A_455 = tpu.memref_squeeze %dma_wait3A_454 : memref<1x40x64xf32, #tpu.memory_space<vmem>> -> memref<40x64xf32, #tpu.memory_space<vmem>>
      %dma_wait3A_456 = tpu.memref_slice %arg6[%mul3A_308] : memref<20000xi32, #tpu.memory_space<vmem>> -> memref<40xi32, #tpu.memory_space<vmem>>
      %dma_wait3A_457 = arith.constant 0 : i32
      %dma_wait3A_458 = arith.constant 0 : i32
      %dma_wait3A_459 = tpu.memref_slice %arg9[%dma_wait3A_457, %dma_wait3A_458] : memref<10240x64xf32, #tpu.memory_space<vmem_shared>> -> memref<10240x64xf32, #tpu.memory_space<vmem_shared>>
      tpu.wait_indirect_dma semaphore(%arg11 : memref<!tpu.dma_semaphore, #tpu.memory_space<semaphore_mem>>) src(%dma_wait3A_455 : memref<40x64xf32, #tpu.memory_space<vmem>>) dst(%dma_wait3A_459 : memref<10240x64xf32, #tpu.memory_space<vmem_shared>>)
      %dma_wait3A_460 = arith.constant 6 : i32
      %dma_wait3A_461 = arith.constant 0 : i32
      %dma_wait3A_462 = arith.constant 0 : i32
      %dma_wait3A_463 = tpu.memref_slice %arg7[%dma_wait3A_460, %dma_wait3A_461, %dma_wait3A_462] : memref<10x40x64xf32, #tpu.memory_space<vmem>> -> memref<1x40x64xf32, #tpu.memory_space<vmem>>
      %dma_wait3A_464 = tpu.memref_squeeze %dma_wait3A_463 : memref<1x40x64xf32, #tpu.memory_space<vmem>> -> memref<40x64xf32, #tpu.memory_space<vmem>>
      %dma_wait3A_465 = tpu.memref_slice %arg6[%mul3A_330] : memref<20000xi32, #tpu.memory_space<vmem>> -> memref<40xi32, #tpu.memory_space<vmem>>
      %dma_wait3A_466 = arith.constant 0 : i32
      %dma_wait3A_467 = arith.constant 0 : i32
      %dma_wait3A_468 = tpu.memref_slice %arg9[%dma_wait3A_466, %dma_wait3A_467] : memref<10240x64xf32, #tpu.memory_space<vmem_shared>> -> memref<10240x64xf32, #tpu.memory_space<vmem_shared>>
      tpu.wait_indirect_dma semaphore(%arg11 : memref<!tpu.dma_semaphore, #tpu.memory_space<semaphore_mem>>) src(%dma_wait3A_464 : memref<40x64xf32, #tpu.memory_space<vmem>>) dst(%dma_wait3A_468 : memref<10240x64xf32, #tpu.memory_space<vmem_shared>>)
      %dma_wait3A_469 = arith.constant 7 : i32
      %dma_wait3A_470 = arith.constant 0 : i32
      %dma_wait3A_471 = arith.constant 0 : i32
      %dma_wait3A_472 = tpu.memref_slice %arg7[%dma_wait3A_469, %dma_wait3A_470, %dma_wait3A_471] : memref<10x40x64xf32, #tpu.memory_space<vmem>> -> memref<1x40x64xf32, #tpu.memory_space<vmem>>
      %dma_wait3A_473 = tpu.memref_squeeze %dma_wait3A_472 : memref<1x40x64xf32, #tpu.memory_space<vmem>> -> memref<40x64xf32, #tpu.memory_space<vmem>>
      %dma_wait3A_474 = tpu.memref_slice %arg6[%mul3A_352] : memref<20000xi32, #tpu.memory_space<vmem>> -> memref<40xi32, #tpu.memory_space<vmem>>
      %dma_wait3A_475 = arith.constant 0 : i32
      %dma_wait3A_476 = arith.constant 0 : i32
      %dma_wait3A_477 = tpu.memref_slice %arg9[%dma_wait3A_475, %dma_wait3A_476] : memref<10240x64xf32, #tpu.memory_space<vmem_shared>> -> memref<10240x64xf32, #tpu.memory_space<vmem_shared>>
      tpu.wait_indirect_dma semaphore(%arg11 : memref<!tpu.dma_semaphore, #tpu.memory_space<semaphore_mem>>) src(%dma_wait3A_473 : memref<40x64xf32, #tpu.memory_space<vmem>>) dst(%dma_wait3A_477 : memref<10240x64xf32, #tpu.memory_space<vmem_shared>>)
      %dma_wait3A_478 = arith.constant 8 : i32
      %dma_wait3A_479 = arith.constant 0 : i32
      %dma_wait3A_480 = arith.constant 0 : i32
      %dma_wait3A_481 = tpu.memref_slice %arg7[%dma_wait3A_478, %dma_wait3A_479, %dma_wait3A_480] : memref<10x40x64xf32, #tpu.memory_space<vmem>> -> memref<1x40x64xf32, #tpu.memory_space<vmem>>
      %dma_wait3A_482 = tpu.memref_squeeze %dma_wait3A_481 : memref<1x40x64xf32, #tpu.memory_space<vmem>> -> memref<40x64xf32, #tpu.memory_space<vmem>>
      %dma_wait3A_483 = tpu.memref_slice %arg6[%mul3A_374] : memref<20000xi32, #tpu.memory_space<vmem>> -> memref<40xi32, #tpu.memory_space<vmem>>
      %dma_wait3A_484 = arith.constant 0 : i32
      %dma_wait3A_485 = arith.constant 0 : i32
      %dma_wait3A_486 = tpu.memref_slice %arg9[%dma_wait3A_484, %dma_wait3A_485] : memref<10240x64xf32, #tpu.memory_space<vmem_shared>> -> memref<10240x64xf32, #tpu.memory_space<vmem_shared>>
      tpu.wait_indirect_dma semaphore(%arg11 : memref<!tpu.dma_semaphore, #tpu.memory_space<semaphore_mem>>) src(%dma_wait3A_482 : memref<40x64xf32, #tpu.memory_space<vmem>>) dst(%dma_wait3A_486 : memref<10240x64xf32, #tpu.memory_space<vmem_shared>>)
      %dma_wait3A_487 = arith.constant 9 : i32
      %dma_wait3A_488 = arith.constant 0 : i32
      %dma_wait3A_489 = arith.constant 0 : i32
      %dma_wait3A_490 = tpu.memref_slice %arg7[%dma_wait3A_487, %dma_wait3A_488, %dma_wait3A_489] : memref<10x40x64xf32, #tpu.memory_space<vmem>> -> memref<1x40x64xf32, #tpu.memory_space<vmem>>
      %dma_wait3A_491 = tpu.memref_squeeze %dma_wait3A_490 : memref<1x40x64xf32, #tpu.memory_space<vmem>> -> memref<40x64xf32, #tpu.memory_space<vmem>>
      %dma_wait3A_492 = tpu.memref_slice %arg6[%mul3A_396] : memref<20000xi32, #tpu.memory_space<vmem>> -> memref<40xi32, #tpu.memory_space<vmem>>
      %dma_wait3A_493 = arith.constant 0 : i32
      %dma_wait3A_494 = arith.constant 0 : i32
      %dma_wait3A_495 = tpu.memref_slice %arg9[%dma_wait3A_493, %dma_wait3A_494] : memref<10240x64xf32, #tpu.memory_space<vmem_shared>> -> memref<10240x64xf32, #tpu.memory_space<vmem_shared>>
      tpu.wait_indirect_dma semaphore(%arg11 : memref<!tpu.dma_semaphore, #tpu.memory_space<semaphore_mem>>) src(%dma_wait3A_491 : memref<40x64xf32, #tpu.memory_space<vmem>>) dst(%dma_wait3A_495 : memref<10240x64xf32, #tpu.memory_space<vmem_shared>>)
    }
    %scan3A_53 = arith.constant 50 : i32
    %barrier3A_54 = arith.constant 0 : index
    tpu.barrier barrier_id(%barrier3A_54)
    "tpu.region"() ({
      %run_scoped3A_55 = tpu.sem_alloc : memref<!tpu.dma_semaphore, #tpu.memory_space<semaphore_mem>>
      %dma_start3A = arith.constant 0 : i32
      %dma_start3A_56 = tpu.memref_slice %arg4[%arg0, %mul3A_0, %dma_start3A] : memref<2x10240x64xf32, #tpu.memory_space<hbm>> -> memref<1x640x64xf32, #tpu.memory_space<hbm>>
      %dma_start3A_57 = tpu.memref_squeeze %dma_start3A_56 : memref<1x640x64xf32, #tpu.memory_space<hbm>> -> memref<640x64xf32, #tpu.memory_space<hbm>>
      %dma_start3A_58 = arith.constant 0 : i32
      %dma_start3A_59 = tpu.memref_slice %arg9[%mul3A_0, %dma_start3A_58] : memref<10240x64xf32, #tpu.memory_space<vmem_shared>> -> memref<640x64xf32, #tpu.memory_space<vmem_shared>>
      tpu.enqueue_dma source(%dma_start3A_59 : memref<640x64xf32, #tpu.memory_space<vmem_shared>>) target(%dma_start3A_57 : memref<640x64xf32, #tpu.memory_space<hbm>>) target_semaphore(%run_scoped3A_55 : memref<!tpu.dma_semaphore, #tpu.memory_space<semaphore_mem>>)
      %dma_wait3A = arith.constant 0 : i32
      %dma_wait3A_60 = tpu.memref_slice %arg4[%arg0, %mul3A_0, %dma_wait3A] : memref<2x10240x64xf32, #tpu.memory_space<hbm>> -> memref<1x640x64xf32, #tpu.memory_space<hbm>>
      %dma_wait3A_61 = tpu.memref_squeeze %dma_wait3A_60 : memref<1x640x64xf32, #tpu.memory_space<hbm>> -> memref<640x64xf32, #tpu.memory_space<hbm>>
      %dma_wait3A_62 = arith.constant 0 : i32
      %dma_wait3A_63 = tpu.memref_slice %arg9[%mul3A_0, %dma_wait3A_62] : memref<10240x64xf32, #tpu.memory_space<vmem_shared>> -> memref<640x64xf32, #tpu.memory_space<vmem_shared>>
      tpu.wait_dma2 semaphore(%run_scoped3A_55 : memref<!tpu.dma_semaphore, #tpu.memory_space<semaphore_mem>>) src(%dma_wait3A_63 : memref<640x64xf32, #tpu.memory_space<vmem_shared>>) dst(%dma_wait3A_61 : memref<640x64xf32, #tpu.memory_space<hbm>>)
      tpu.yield
    }) : () -> ()
    return
  }
}

module attributes {stable_mosaic.version = 14 : i64} {
  func.func @_bn_body(%arg0: memref<10000x128xf32, #tpu.memory_space<vmem>>, %arg1: memref<1x128xf32, #tpu.memory_space<vmem>>, %arg2: memref<1x128xf32, #tpu.memory_space<vmem>>, %arg3: memref<10000x128xf32, #tpu.memory_space<vmem>>) attributes {dimension_semantics = [], scalar_prefetch = 0 : i64, scratch_operands = 0 : i64, tpu.core_type = #tpu.core_type<tc>} {
    %get3A = arith.constant 0 : index
    %get3A_0 = arith.constant 0 : index
    %get3A_1 = vector.load %arg0[%get3A, %get3A_0] : memref<10000x128xf32, #tpu.memory_space<vmem>>, vector<10000x128xf32>
    %reduce_sum3A = arith.constant dense<0.000000e+00> : vector<128xf32>
    %reduce_sum3A_2 = vector.multi_reduction <add>, %get3A_1, %reduce_sum3A [0] : vector<10000x128xf32> to vector<128xf32>
    %broadcast_in_dim3A = vector.shape_cast %reduce_sum3A_2 : vector<128xf32> to vector<1x128xf32>
    %div3A = arith.constant 1.000000e+04 : f32
    %div3A_3 = vector.broadcast %div3A : f32 to vector<1x128xf32>
    %div3A_4 = arith.divf %broadcast_in_dim3A, %div3A_3 : vector<1x128xf32>
    %sub3A = vector.broadcast %div3A_4 : vector<1x128xf32> to vector<10000x128xf32>
    %sub3A_5 = arith.subf %get3A_1, %sub3A : vector<10000x128xf32>
    %mul3A = arith.mulf %sub3A_5, %sub3A_5 : vector<10000x128xf32>
    %reduce_sum3A_6 = arith.constant dense<0.000000e+00> : vector<128xf32>
    %reduce_sum3A_7 = vector.multi_reduction <add>, %mul3A, %reduce_sum3A_6 [0] : vector<10000x128xf32> to vector<128xf32>
    %broadcast_in_dim3A_8 = vector.shape_cast %reduce_sum3A_7 : vector<128xf32> to vector<1x128xf32>
    %div3A_9 = arith.constant 1.000000e+04 : f32
    %div3A_10 = vector.broadcast %div3A_9 : f32 to vector<1x128xf32>
    %div3A_11 = arith.divf %broadcast_in_dim3A_8, %div3A_10 : vector<1x128xf32>
    %add3A = arith.constant 9.99999974E-6 : f32
    %add3A_12 = vector.broadcast %add3A : f32 to vector<1x128xf32>
    %add3A_13 = arith.addf %div3A_11, %add3A_12 : vector<1x128xf32>
    %rsqrt3A = math.rsqrt %add3A_13 : vector<1x128xf32>
    %mul3A_14 = vector.broadcast %rsqrt3A : vector<1x128xf32> to vector<10000x128xf32>
    %mul3A_15 = arith.mulf %sub3A_5, %mul3A_14 : vector<10000x128xf32>
    %get3A_16 = arith.constant 0 : index
    %get3A_17 = arith.constant 0 : index
    %get3A_18 = vector.load %arg1[%get3A_16, %get3A_17] : memref<1x128xf32, #tpu.memory_space<vmem>>, vector<1x128xf32>
    %mul3A_19 = vector.broadcast %get3A_18 : vector<1x128xf32> to vector<10000x128xf32>
    %mul3A_20 = arith.mulf %mul3A_15, %mul3A_19 : vector<10000x128xf32>
    %get3A_21 = arith.constant 0 : index
    %get3A_22 = arith.constant 0 : index
    %get3A_23 = vector.load %arg2[%get3A_21, %get3A_22] : memref<1x128xf32, #tpu.memory_space<vmem>>, vector<1x128xf32>
    %add3A_24 = vector.broadcast %get3A_23 : vector<1x128xf32> to vector<10000x128xf32>
    %add3A_25 = arith.addf %mul3A_20, %add3A_24 : vector<10000x128xf32>
    %swap3A = arith.constant 0 : index
    %swap3A_26 = arith.constant 0 : index
    %swap3A_27 = vector.load %arg3[%swap3A, %swap3A_26] : memref<10000x128xf32, #tpu.memory_space<vmem>>, vector<10000x128xf32>
    tpu.vector_store %arg3[%swap3A, %swap3A_26], %add3A_25 {strides = array<i32>} : memref<10000x128xf32, #tpu.memory_space<vmem>>, vector<10000x128xf32>,
    return
  }
}

module attributes {stable_mosaic.version = 14 : i64} {
  func.func @_mix1_body(%arg0: memref<2x10240x64xf32, #tpu.memory_space<vmem>>, %arg1: memref<16x10240xf32, #tpu.memory_space<vmem>>, %arg2: memref<10000x128xf32, #tpu.memory_space<vmem>>, %arg3: memref<128x128xf32, #tpu.memory_space<vmem>>, %arg4: memref<1x128xf32, #tpu.memory_space<vmem>>, %arg5: memref<128x128xf32, #tpu.memory_space<vmem>>, %arg6: memref<1x128xf32, #tpu.memory_space<vmem>>, %arg7: memref<1x128xf32, #tpu.memory_space<vmem>>, %arg8: memref<1x128xf32, #tpu.memory_space<vmem>>, %arg9: memref<10000x128xf32, #tpu.memory_space<vmem>>) attributes {dimension_semantics = [], scalar_prefetch = 0 : i64, scratch_operands = 0 : i64, tpu.core_type = #tpu.core_type<tc>} {
    %get3A = arith.constant 0 : index
    %get3A_0 = arith.constant 0 : index
    %get3A_1 = arith.constant 0 : index
    %get3A_2 = vector.load %arg0[%get3A, %get3A_0, %get3A_1] : memref<2x10240x64xf32, #tpu.memory_space<vmem>>, vector<1x10000x64xf32>
    %get3A_3 = vector.shape_cast %get3A_2 : vector<1x10000x64xf32> to vector<10000x64xf32>
    %get3A_4 = arith.constant 1 : index
    %get3A_5 = arith.constant 0 : index
    %get3A_6 = arith.constant 0 : index
    %get3A_7 = vector.load %arg0[%get3A_4, %get3A_5, %get3A_6] : memref<2x10240x64xf32, #tpu.memory_space<vmem>>, vector<1x10000x64xf32>
    %get3A_8 = vector.shape_cast %get3A_7 : vector<1x10000x64xf32> to vector<10000x64xf32>
    %concatenate3A = tpu.concatenate %get3A_3, %get3A_8 in 1 : vector<10000x64xf32>, vector<10000x64xf32> -> vector<10000x128xf32>
    %get3A_9 = arith.constant 0 : index
    %get3A_10 = arith.constant 0 : index
    %get3A_11 = vector.load %arg1[%get3A_9, %get3A_10] : memref<16x10240xf32, #tpu.memory_space<vmem>>, vector<16x10240xf32>
    %broadcast_in_dim3A = arith.constant 1.000000e+00 : f32
    %broadcast_in_dim3A_12 = vector.broadcast %broadcast_in_dim3A : f32 to vector<16x1xf32>
    %dot_general3A = arith.constant dense<0.000000e+00> : vector<10240x1xf32>
    %dot_general3A_13 = tpu.matmul %get3A_11, %broadcast_in_dim3A_12, %dot_general3A {dimension_numbers = #tpu.dot_dimension_numbers<[0], [0], [1], [1], [0, 1, 1, 1], [], []>, transpose_lhs_hint = false} : vector<16x10240xf32>, vector<16x1xf32>, vector<10240x1xf32> -> vector<10240x1xf32>
    %slice3A = vector.extract_strided_slice %dot_general3A_13 {offsets = [0, 0], sizes = [10000, 1], strides = [1, 1]} : vector<10240x1xf32> to vector<10000x1xf32>
    %max3A = arith.constant 1.000000e+00 : f32
    %max3A_14 = vector.broadcast %max3A : f32 to vector<10000x1xf32>
    %max3A_15 = arith.maximumf %slice3A, %max3A_14 : vector<10000x1xf32>
    %div3A = vector.broadcast %max3A_15 : vector<10000x1xf32> to vector<10000x128xf32>
    %div3A_16 = arith.divf %concatenate3A, %div3A : vector<10000x128xf32>
    %get3A_17 = arith.constant 0 : index
    %get3A_18 = arith.constant 0 : index
    %get3A_19 = vector.load %arg3[%get3A_17, %get3A_18] : memref<128x128xf32, #tpu.memory_space<vmem>>, vector<128x128xf32>
    %dot_general3A_20 = arith.constant dense<0.000000e+00> : vector<10000x128xf32>
    %dot_general3A_21 = tpu.matmul %div3A_16, %get3A_19, %dot_general3A_20 {dimension_numbers = #tpu.dot_dimension_numbers<[1], [0], [0], [1], [0, 0, 1, 1], [], []>, transpose_lhs_hint = false} : vector<10000x128xf32>, vector<128x128xf32>, vector<10000x128xf32> -> vector<10000x128xf32>
    %get3A_22 = arith.constant 0 : index
    %get3A_23 = arith.constant 0 : index
    %get3A_24 = vector.load %arg4[%get3A_22, %get3A_23] : memref<1x128xf32, #tpu.memory_space<vmem>>, vector<1x128xf32>
    %add3A = vector.broadcast %get3A_24 : vector<1x128xf32> to vector<10000x128xf32>
    %add3A_25 = arith.addf %dot_general3A_21, %add3A : vector<10000x128xf32>
    %get3A_26 = arith.constant 0 : index
    %get3A_27 = arith.constant 0 : index
    %get3A_28 = vector.load %arg2[%get3A_26, %get3A_27] : memref<10000x128xf32, #tpu.memory_space<vmem>>, vector<10000x128xf32>
    %get3A_29 = arith.constant 0 : index
    %get3A_30 = arith.constant 0 : index
    %get3A_31 = vector.load %arg5[%get3A_29, %get3A_30] : memref<128x128xf32, #tpu.memory_space<vmem>>, vector<128x128xf32>
    %dot_general3A_32 = arith.constant dense<0.000000e+00> : vector<10000x128xf32>
    %dot_general3A_33 = tpu.matmul %get3A_28, %get3A_31, %dot_general3A_32 {dimension_numbers = #tpu.dot_dimension_numbers<[1], [0], [0], [1], [0, 0, 1, 1], [], []>, transpose_lhs_hint = false} : vector<10000x128xf32>, vector<128x128xf32>, vector<10000x128xf32> -> vector<10000x128xf32>
    %add3A_34 = arith.addf %add3A_25, %dot_general3A_33 : vector<10000x128xf32>
    %get3A_35 = arith.constant 0 : index
    %get3A_36 = arith.constant 0 : index
    %get3A_37 = vector.load %arg6[%get3A_35, %get3A_36] : memref<1x128xf32, #tpu.memory_space<vmem>>, vector<1x128xf32>
    %add3A_38 = vector.broadcast %get3A_37 : vector<1x128xf32> to vector<10000x128xf32>
    %add3A_39 = arith.addf %add3A_34, %add3A_38 : vector<10000x128xf32>
    %max3A_40 = arith.constant 0.000000e+00 : f32
    %max3A_41 = vector.broadcast %max3A_40 : f32 to vector<10000x128xf32>
    %max3A_42 = arith.maximumf %add3A_39, %max3A_41 : vector<10000x128xf32>
    %reduce_sum3A = arith.constant dense<0.000000e+00> : vector<128xf32>
    %reduce_sum3A_43 = vector.multi_reduction <add>, %max3A_42, %reduce_sum3A [0] : vector<10000x128xf32> to vector<128xf32>
    %broadcast_in_dim3A_44 = vector.shape_cast %reduce_sum3A_43 : vector<128xf32> to vector<1x128xf32>
    %div3A_45 = arith.constant 1.000000e+04 : f32
    %div3A_46 = vector.broadcast %div3A_45 : f32 to vector<1x128xf32>
    %div3A_47 = arith.divf %broadcast_in_dim3A_44, %div3A_46 : vector<1x128xf32>
    %sub3A = vector.broadcast %div3A_47 : vector<1x128xf32> to vector<10000x128xf32>
    %sub3A_48 = arith.subf %max3A_42, %sub3A : vector<10000x128xf32>
    %mul3A = arith.mulf %sub3A_48, %sub3A_48 : vector<10000x128xf32>
    %reduce_sum3A_49 = arith.constant dense<0.000000e+00> : vector<128xf32>
    %reduce_sum3A_50 = vector.multi_reduction <add>, %mul3A, %reduce_sum3A_49 [0] : vector<10000x128xf32> to vector<128xf32>
    %broadcast_in_dim3A_51 = vector.shape_cast %reduce_sum3A_50 : vector<128xf32> to vector<1x128xf32>
    %div3A_52 = arith.constant 1.000000e+04 : f32
    %div3A_53 = vector.broadcast %div3A_52 : f32 to vector<1x128xf32>
    %div3A_54 = arith.divf %broadcast_in_dim3A_51, %div3A_53 : vector<1x128xf32>
    %add3A_55 = arith.constant 9.99999974E-6 : f32
    %add3A_56 = vector.broadcast %add3A_55 : f32 to vector<1x128xf32>
    %add3A_57 = arith.addf %div3A_54, %add3A_56 : vector<1x128xf32>
    %rsqrt3A = math.rsqrt %add3A_57 : vector<1x128xf32>
    %mul3A_58 = vector.broadcast %rsqrt3A : vector<1x128xf32> to vector<10000x128xf32>
    %mul3A_59 = arith.mulf %sub3A_48, %mul3A_58 : vector<10000x128xf32>
    %get3A_60 = arith.constant 0 : index
    %get3A_61 = arith.constant 0 : index
    %get3A_62 = vector.load %arg7[%get3A_60, %get3A_61] : memref<1x128xf32, #tpu.memory_space<vmem>>, vector<1x128xf32>
    %mul3A_63 = vector.broadcast %get3A_62 : vector<1x128xf32> to vector<10000x128xf32>
    %mul3A_64 = arith.mulf %mul3A_59, %mul3A_63 : vector<10000x128xf32>
    %get3A_65 = arith.constant 0 : index
    %get3A_66 = arith.constant 0 : index
    %get3A_67 = vector.load %arg8[%get3A_65, %get3A_66] : memref<1x128xf32, #tpu.memory_space<vmem>>, vector<1x128xf32>
    %add3A_68 = vector.broadcast %get3A_67 : vector<1x128xf32> to vector<10000x128xf32>
    %add3A_69 = arith.addf %mul3A_64, %add3A_68 : vector<10000x128xf32>
    %swap3A = arith.constant 0 : index
    %swap3A_70 = arith.constant 0 : index
    %swap3A_71 = vector.load %arg9[%swap3A, %swap3A_70] : memref<10000x128xf32, #tpu.memory_space<vmem>>, vector<10000x128xf32>
    tpu.vector_store %arg9[%swap3A, %swap3A_70], %add3A_69 {strides = array<i32>} : memref<10000x128xf32, #tpu.memory_space<vmem>>, vector<10000x128xf32>,
    return
  }
}

module attributes {stable_mosaic.version = 14 : i64} {
  func.func @_mix2_body(%arg0: memref<2x10240x64xf32, #tpu.memory_space<vmem>>, %arg1: memref<16x10240xf32, #tpu.memory_space<vmem>>, %arg2: memref<10000x128xf32, #tpu.memory_space<vmem>>, %arg3: memref<128x128xf32, #tpu.memory_space<vmem>>, %arg4: memref<1x128xf32, #tpu.memory_space<vmem>>, %arg5: memref<128x128xf32, #tpu.memory_space<vmem>>, %arg6: memref<1x128xf32, #tpu.memory_space<vmem>>, %arg7: memref<128x1xf32, #tpu.memory_space<vmem>>, %arg8: memref<1x1xf32, #tpu.memory_space<vmem>>, %arg9: memref<10000x1xf32, #tpu.memory_space<vmem>>) attributes {dimension_semantics = [], scalar_prefetch = 0 : i64, scratch_operands = 0 : i64, tpu.core_type = #tpu.core_type<tc>} {
    %get3A = arith.constant 0 : index
    %get3A_0 = arith.constant 0 : index
    %get3A_1 = arith.constant 0 : index
    %get3A_2 = vector.load %arg0[%get3A, %get3A_0, %get3A_1] : memref<2x10240x64xf32, #tpu.memory_space<vmem>>, vector<1x10000x64xf32>
    %get3A_3 = vector.shape_cast %get3A_2 : vector<1x10000x64xf32> to vector<10000x64xf32>
    %get3A_4 = arith.constant 1 : index
    %get3A_5 = arith.constant 0 : index
    %get3A_6 = arith.constant 0 : index
    %get3A_7 = vector.load %arg0[%get3A_4, %get3A_5, %get3A_6] : memref<2x10240x64xf32, #tpu.memory_space<vmem>>, vector<1x10000x64xf32>
    %get3A_8 = vector.shape_cast %get3A_7 : vector<1x10000x64xf32> to vector<10000x64xf32>
    %concatenate3A = tpu.concatenate %get3A_3, %get3A_8 in 1 : vector<10000x64xf32>, vector<10000x64xf32> -> vector<10000x128xf32>
    %get3A_9 = arith.constant 0 : index
    %get3A_10 = arith.constant 0 : index
    %get3A_11 = vector.load %arg1[%get3A_9, %get3A_10] : memref<16x10240xf32, #tpu.memory_space<vmem>>, vector<16x10240xf32>
    %broadcast_in_dim3A = arith.constant 1.000000e+00 : f32
    %broadcast_in_dim3A_12 = vector.broadcast %broadcast_in_dim3A : f32 to vector<16x1xf32>
    %dot_general3A = arith.constant dense<0.000000e+00> : vector<10240x1xf32>
    %dot_general3A_13 = tpu.matmul %get3A_11, %broadcast_in_dim3A_12, %dot_general3A {dimension_numbers = #tpu.dot_dimension_numbers<[0], [0], [1], [1], [0, 1, 1, 1], [], []>, transpose_lhs_hint = false} : vector<16x10240xf32>, vector<16x1xf32>, vector<10240x1xf32> -> vector<10240x1xf32>
    %slice3A = vector.extract_strided_slice %dot_general3A_13 {offsets = [0, 0], sizes = [10000, 1], strides = [1, 1]} : vector<10240x1xf32> to vector<10000x1xf32>
    %max3A = arith.constant 1.000000e+00 : f32
    %max3A_14 = vector.broadcast %max3A : f32 to vector<10000x1xf32>
    %max3A_15 = arith.maximumf %slice3A, %max3A_14 : vector<10000x1xf32>
    %div3A = vector.broadcast %max3A_15 : vector<10000x1xf32> to vector<10000x128xf32>
    %div3A_16 = arith.divf %concatenate3A, %div3A : vector<10000x128xf32>
    %get3A_17 = arith.constant 0 : index
    %get3A_18 = arith.constant 0 : index
    %get3A_19 = vector.load %arg3[%get3A_17, %get3A_18] : memref<128x128xf32, #tpu.memory_space<vmem>>, vector<128x128xf32>
    %dot_general3A_20 = arith.constant dense<0.000000e+00> : vector<10000x128xf32>
    %dot_general3A_21 = tpu.matmul %div3A_16, %get3A_19, %dot_general3A_20 {dimension_numbers = #tpu.dot_dimension_numbers<[1], [0], [0], [1], [0, 0, 1, 1], [], []>, transpose_lhs_hint = false} : vector<10000x128xf32>, vector<128x128xf32>, vector<10000x128xf32> -> vector<10000x128xf32>
    %get3A_22 = arith.constant 0 : index
    %get3A_23 = arith.constant 0 : index
    %get3A_24 = vector.load %arg4[%get3A_22, %get3A_23] : memref<1x128xf32, #tpu.memory_space<vmem>>, vector<1x128xf32>
    %add3A = vector.broadcast %get3A_24 : vector<1x128xf32> to vector<10000x128xf32>
    %add3A_25 = arith.addf %dot_general3A_21, %add3A : vector<10000x128xf32>
    %get3A_26 = arith.constant 0 : index
    %get3A_27 = arith.constant 0 : index
    %get3A_28 = vector.load %arg2[%get3A_26, %get3A_27] : memref<10000x128xf32, #tpu.memory_space<vmem>>, vector<10000x128xf32>
    %get3A_29 = arith.constant 0 : index
    %get3A_30 = arith.constant 0 : index
    %get3A_31 = vector.load %arg5[%get3A_29, %get3A_30] : memref<128x128xf32, #tpu.memory_space<vmem>>, vector<128x128xf32>
    %dot_general3A_32 = arith.constant dense<0.000000e+00> : vector<10000x128xf32>
    %dot_general3A_33 = tpu.matmul %get3A_28, %get3A_31, %dot_general3A_32 {dimension_numbers = #tpu.dot_dimension_numbers<[1], [0], [0], [1], [0, 0, 1, 1], [], []>, transpose_lhs_hint = false} : vector<10000x128xf32>, vector<128x128xf32>, vector<10000x128xf32> -> vector<10000x128xf32>
    %add3A_34 = arith.addf %add3A_25, %dot_general3A_33 : vector<10000x128xf32>
    %get3A_35 = arith.constant 0 : index
    %get3A_36 = arith.constant 0 : index
    %get3A_37 = vector.load %arg6[%get3A_35, %get3A_36] : memref<1x128xf32, #tpu.memory_space<vmem>>, vector<1x128xf32>
    %add3A_38 = vector.broadcast %get3A_37 : vector<1x128xf32> to vector<10000x128xf32>
    %add3A_39 = arith.addf %add3A_34, %add3A_38 : vector<10000x128xf32>
    %max3A_40 = arith.constant 0.000000e+00 : f32
    %max3A_41 = vector.broadcast %max3A_40 : f32 to vector<10000x128xf32>
    %max3A_42 = arith.maximumf %add3A_39, %max3A_41 : vector<10000x128xf32>
    %get3A_43 = arith.constant 0 : index
    %get3A_44 = arith.constant 0 : index
    %get3A_45 = vector.load %arg7[%get3A_43, %get3A_44] : memref<128x1xf32, #tpu.memory_space<vmem>>, vector<128x1xf32>
    %dot_general3A_46 = arith.constant dense<0.000000e+00> : vector<10000x1xf32>
    %dot_general3A_47 = tpu.matmul %max3A_42, %get3A_45, %dot_general3A_46 {dimension_numbers = #tpu.dot_dimension_numbers<[1], [0], [0], [1], [0, 0, 1, 1], [], []>, transpose_lhs_hint = false} : vector<10000x128xf32>, vector<128x1xf32>, vector<10000x1xf32> -> vector<10000x1xf32>
    %get3A_48 = arith.constant 0 : index
    %get3A_49 = arith.constant 0 : index
    %get3A_50 = vector.load %arg8[%get3A_48, %get3A_49] : memref<1x1xf32, #tpu.memory_space<vmem>>, vector<1x1xf32>
    %add3A_51 = vector.broadcast %get3A_50 : vector<1x1xf32> to vector<10000x1xf32>
    %add3A_52 = arith.addf %dot_general3A_47, %add3A_51 : vector<10000x1xf32>
    %logistic3A = arith.negf %add3A_52 : vector<10000x1xf32>
    %logistic3A_53 = math.exp %logistic3A : vector<10000x1xf32>
    %logistic3A_54 = arith.constant 1.000000e+00 : f32
    %logistic3A_55 = vector.broadcast %logistic3A_54 : f32 to vector<10000x1xf32>
    %logistic3A_56 = arith.addf %logistic3A_55, %logistic3A_53 : vector<10000x1xf32>
    %logistic3A_57 = arith.divf %logistic3A_55, %logistic3A_56 : vector<10000x1xf32>
    %swap3A = arith.constant 0 : index
    %swap3A_58 = arith.constant 0 : index
    %swap3A_59 = vector.load %arg9[%swap3A, %swap3A_58] : memref<10000x1xf32, #tpu.memory_space<vmem>>, vector<10000x1xf32>
    tpu.vector_store %arg9[%swap3A, %swap3A_58], %logistic3A_57 {strides = array<i32>} : memref<10000x1xf32, #tpu.memory_space<vmem>>, vector<10000x1xf32>,
    return
  }
}

</mosaic_0001>

<sc_bundles>
// kernel: kernel.10.cloned.1.call-start
scs
__scs_entry_jumppad:
0x0: {  	(pc) =	sbr.rel $0x88, $3  }
0x1: {  	(tag) =	ssettag $0x0;
	lr =	simm.s32 $0x1  }
0x2: {  	[smem:$0x3F91] =	sst lr;
	_ =	strace $0xD0000000  }
0x3: {  	_ = 	snop  }
0x4: {  	_ = 	snop  }
0x5: {  	_ = 	snop  }
0x6: {  	_ = 	snop  }
0x7: {  	_ = 	snop  }
__scs_overlays_trampoline_lowered:
0x8: {  	[smem:$0x3FA0] =	sst s0  }
0x9: {  	[smem:$0x3FA1] =	sst s1  }
0xa: {  	[smem:$0x3FA2] =	sst s2  }
0xb: {  	[smem:$0x3FA3] =	sst s3  }
0xc: {  	[smem:$0x3FA4] =	sst s4  }
0xd: {  	[smem:$0x3FA5] =	sst s5  }
0xe: {  	[smem:$0x3FA6] =	sst s6  }
0xf: {  	[smem:$0x3FA7] =	sst s7  }
0x10: {  	[smem:$0x3FA8] =	sst s8  }
0x11: {  	[smem:$0x3FA9] =	sst s9;
	s0 =	simm.s32 @!p0 $0x0  }
0x12: {  	s1 =	sld [smem:$0x3F8F];
	s0 =	simm.s32 @p0 $0x1  }
0x13: {  	[smem:$0x3FAA] =	sst s0;
	s0 =	simm.s32 @!p1 $0x0  }
0x14: {  	s2 =	sld [smem:$0x3F8E];
	s0 =	simm.s32 @p1 $0x1  }
0x15: {  	[smem:$0x3FAB] =	sst s0;
	s0 =	simm.s32 @!p2 $0x0  }
0x16: {  	s3 =	sld [smem:$0x3FDB];
	s0 =	simm.s32 @p2 $0x1  }
0x17: {  	s4 =	simm.s32 $0x1BF5;
	[smem:$0x3FAD] =	sst s0  }
0x18: {  	s0 =	sld [smem:$0x3F90];
	_ =	swait.ge [sflag:s4], $0x0  }
0x19: {  	s7 =	sld [smem:$0x3F91]  }
0x1a: {  	s8 =	sadd.s32 $0xFFFFE003, lr  }
0x1b: {  	s9 =	sadd.s32 $0xFFFFFEF7, lr;
	s5 =	simm.s32 $0xFFFFFFFF;
	p2 =	slt.u32 s8, $0xFFFFF086  }
0x1c: {  	p1 =	slt.u32 s9, $0xF7A;
	s5 =	simm.s32 @!p2 $0x0  }
0x1d: {  	s5 =	simm.s32 @p1 $0x1;
	p0 =	seq.s32 s7, s2  }
0x1e: {  	s7 =	smul.u32 @!p0 $0xF7A, s2;
	p2 =	seq.s32 @!p0 s5, $0x0  }
0x1f: {  	s9 =	smul.u32 $0xF7A, s1;
	s8 =	simm.s32 @!p0 $0x1BF5;
	p2 =	por !p2, p0  }
0x20: {  	[sflag:s8] =	ssyncset.s32 @!p0 $0xFFFFF086;
	s6 =	sadd.s32 @!p0 s3, s7;
	s7 =	simm.s32 @!p0 $0x108  }
0x21: {  	s3 =	sadd.s32 s3, s9;
	s6 =	sadd.s32 @!p0 $0x88, s6;
	s7 =	simm.s32 @p2 $0x1082  }
0x22: {  	[simem:s7], [sflag:s8] =	dma.local @!p0 [hbm:s6], $0xF7A  }
0x23: {  	s9 =	sor.u32 $0xD0000000, s2;
	s6 =	simm.s32 $0x108;
	_ =	swait.ge @!p0 [sflag:s8], $0x0  }
0x24: {  	s3 =	sadd.s32 $0x88, s3;
	s6 =	simm.s32 @!p1 $0x1082;
	[sflag:s4] =	ssyncset.s32 $0xFFFFF086  }
0x25: {  	[simem:s6], [sflag:s4] =	dma.local [hbm:s3], $0xF7A  }
0x26: {  	[smem:$0x3F91] =	sst s1;
	(tag) =	ssettag s2;
	_ =	strace s9  }
0x27: {  	s1 =	sld [smem:$0x3FA1]  }
0x28: {  	s2 =	sld [smem:$0x3FA2]  }
0x29: {  	s4 =	sld [smem:$0x3FA4]  }
0x2a: {  	p0 =	seq.s32 s5, $0x0;
	s5 =	sld [smem:$0x3FA5]  }
0x2b: {  	s6 =	sld [smem:$0x3FA6]  }
0x2c: {  	s7 =	sld [smem:$0x3FA7]  }
0x2d: {  	s3 =	simm.s32 $0x108;
	s8 =	sld [smem:$0x3FA8]  }
0x2e: {  	s3 =	simm.s32 @!p0 $0x1082;
	s9 =	sld [smem:$0x3FA9]  }
0x2f: {  	lr =	sadd.s32 s0, s3;
	s0 =	sld [smem:$0x3FA0]  }
0x30: {  	s3 =	sld [smem:$0x3FA3]  }
0x31: {  	[smem:$0x3FAC] =	sst s10  }
0x32: {  	s10 =	sld [smem:$0x3FAA];
	_ =	sdelay $0x3  }
0x33: {  	p0 =	seq.s32 s10, $0x1;
	s10 =	sld [smem:$0x3FAC];
	_ =	sdelay $0x3  }
0x34: {  	[smem:$0x3FAC] =	sst s10  }
0x35: {  	s10 =	sld [smem:$0x3FAB];
	_ =	sdelay $0x3  }
0x36: {  	p1 =	seq.s32 s10, $0x1;
	s10 =	sld [smem:$0x3FAC];
	_ =	sdelay $0x3  }
0x37: {  	[smem:$0x3FAC] =	sst s10  }
0x38: {  	s10 =	sld [smem:$0x3FAD]  }
0x39: {  	_ = 	snop;
	(pc) =	sbr.ind lr, $3  }
0x3a: {  	_ = 	snop  }
0x3b: {  	_ = 	snop  }
0x3c: {  	p2 =	seq.s32 s10, $0x1;
	s10 =	sld [smem:$0x3FAC]  }
0x3d: {  	_ =	shalt  }
0x3e: {  	_ =	shalt  }
0x3f: {  	_ =	shalt  }
0x40: {  	_ =	shalt  }
0x41: {  	_ =	shalt  }
0x42: {  	_ =	shalt  }
0x43: {  	_ =	shalt  }
0x44: {  	_ =	shalt  }
0x45: {  	_ =	shalt  }
0x46: {  	_ =	shalt  }
0x47: {  	_ =	shalt  }
0x48: {  	_ =	shalt  }
0x49: {  	_ =	shalt  }
0x4a: {  	_ =	shalt  }
0x4b: {  	_ =	shalt  }
0x4c: {  	_ =	shalt  }
0x4d: {  	_ =	shalt  }
0x4e: {  	_ =	shalt  }
0x4f: {  	_ =	shalt  }
0x50: {  	_ =	shalt  }
0x51: {  	_ =	shalt  }
0x52: {  	_ =	shalt  }
0x53: {  	_ =	shalt  }
0x54: {  	_ =	shalt  }
0x55: {  	_ =	shalt  }
0x56: {  	_ =	shalt  }
0x57: {  	_ =	shalt  }
0x58: {  	_ =	shalt  }
0x59: {  	_ =	shalt  }
0x5a: {  	_ =	shalt  }
0x5b: {  	_ =	shalt  }
0x5c: {  	_ =	shalt  }
0x5d: {  	_ =	shalt  }
0x5e: {  	_ =	shalt  }
0x5f: {  	_ =	shalt  }
0x60: {  	_ =	shalt  }
0x61: {  	_ =	shalt  }
0x62: {  	_ =	shalt  }
0x63: {  	_ =	shalt  }
0x64: {  	_ =	shalt  }
0x65: {  	_ =	shalt  }
0x66: {  	_ =	shalt  }
0x67: {  	_ =	shalt  }
0x68: {  	_ =	shalt  }
0x69: {  	_ =	shalt  }
0x6a: {  	_ =	shalt  }
0x6b: {  	_ =	shalt  }
0x6c: {  	_ =	shalt  }
0x6d: {  	_ =	shalt  }
0x6e: {  	_ =	shalt  }
0x6f: {  	_ =	shalt  }
0x70: {  	_ =	shalt  }
0x71: {  	_ =	shalt  }
0x72: {  	_ =	shalt  }
0x73: {  	_ =	shalt  }
0x74: {  	_ =	shalt  }
0x75: {  	_ =	shalt  }
0x76: {  	_ =	shalt  }
0x77: {  	_ =	shalt  }
0x78: {  	_ =	shalt  }
0x79: {  	_ =	shalt  }
0x7a: {  	_ =	shalt  }
0x7b: {  	_ =	shalt  }
0x7c: {  	_ =	shalt  }
0x7d: {  	_ =	shalt  }
0x7e: {  	_ =	shalt  }
0x7f: {  	_ =	shalt  }
0x80: {  	_ =	shalt  }
0x81: {  	_ =	shalt  }
0x82: {  	_ =	shalt  }
0x83: {  	_ =	shalt  }
0x84: {  	_ =	shalt  }
0x85: {  	_ =	shalt  }
0x86: {  	_ =	shalt  }
0x87: {  	_ =	shalt  }
.Lfunc_end0:
.L_simem_size_0:
called_computation.1_lowered:
.L_overlay_start_0:
0x88: {  	s2 =	sld [smem:$0x3FD9]  }
0x89: {  	s3 =	sld [smem:$0x3FFE];
	_ =	sdelay $0x1  }
0x8a: {  	s1 =	srdreg.scid  }
0x8b: {  	s0 =	sand.u32 $0x1, s1  }
0x8c: {  	s16 =	sshll.u32 s0, $0xA;
	s2 =	sadd.s32 s3, s2  }
0x8d: {  	s2 =	sadd.s32 s2, s16  }
0x8e: {  	[smem:$0x3FB8] =	sst s2  }
0x8f: {  	_ = 	snop  }
0x90: {  	(tm) =	ssettm $0x1  }
0x91: {  	s17 =	sld [smem:$0x3FFB];
	_ =	sdelay $0x3  }
0x92: {  	_ =	strace s17  }
0x93: {  	s2 =	sld [smem:$0x3FFC];
	_ =	sdelay $0x3  }
0x94: {  	_ =	strace s2  }
0x95: {  	s2 =	sld [smem:$0x3FFD];
	_ =	sdelay $0x3  }
0x96: {  	_ =	strace s2  }
0x97: {  	_ =	strace $0x8FFFFFFF  }
0x98: {  	s18 =	sld [smem:$0x3FDB];
	_ =	sdelay $0x1  }
0x99: {  	s19 =	simm.s32 $_scs_section_size  }
0x9a: {  	s4 =	simm.s32 $_size__tile_overlayer_lowered;
	s5 =	simm.s32 $_tile_overlayer_lowered  }
0x9b: {  	s22 =	simm.s32 $0x1BFF;
	s21 =	sshll.u32 s5, $0x1;
	s2 =	sadd.s32 s19, s18  }
0x9c: {  	s6 =	simm.s32 $0x0;
	s20 =	sshll.u32 s4, $0x1;
	s4 =	sadd.s32 s21, s2  }
0x9d: {  	[timem:s6], [sflag:s22] =	dma.local [hbm:s4], s20  }
0x9e: {  	_ =	swait.ge [sflag:s22], s20  }
0x9f: {  	s3 =	ssub.s32 $0x0, s20;
	[sflag:s22] =	ssyncset.done $0x0  }
0xa0: {  	[sflag:s22] =	ssyncadd.s32 s3;
	_ =	sdelay $0x1  }
0xa1: {  	s23 =	simm.s32 $0x1B8B  }
0xa2: {  	_ =	swait.ge [sflag:s23], $0x1  }
0xa3: {  	[sflag:s23] =	ssyncset.done $0x0  }
0xa4: {  	s25 =	simm.s32 $0x1B8E;
	s24 =	sld [smem:$0x3FFE];
	[sflag:s23] =	ssyncadd.s32 $0xFFFFFFFF  }
0xa5: {  	s26 =	simm.s32 $execute0_lowered;
	[smem:$0x3FD2] =	sst s25  }
0xa6: {  	s4 =	sshll.u32 s26, $0x1;
	_ =	strace $0x80000049;
	[dreg:$0x1] =	wrdreg $0xFFFFFFFF  }
0xa7: {  	s28 =	simm.s32 $_size_execute0_lowered;
	s2 =	sadd.s32 s2, s4;
	[dreg:$0x0] =	wrdreg $0x0  }
0xa8: {  	s4 =	sshll.u32 s28, $0x1;
	[dreg:$0x2] =	wrdreg s2  }
0xa9: {  	[dreg:$0x3] =	wrdreg s4  }
0xaa: {  	[dreg:$0x4] =	wrdreg $0xC0  }
0xab: {  	_ =	task [dreg:s6], $0x5FFFF  }
0xac: {  	[dreg:$0x1] =	wrdreg $0xFFFFFFFF  }
0xad: {  	[dreg:$0x0] =	wrdreg $0x60  }
0xae: {  	[dreg:$0x2] =	wrdreg s24  }
0xaf: {  	[dreg:$0x3] =	wrdreg $0x10A400  }
0xb0: {  	[dreg:$0x4] =	wrdreg $0x9  }
0xb1: {  	_ =	task.clear_ibuf [dreg:s6], $0x5FFFF;
	_ =	strace $0x90000049  }
0xb2: {  	s29 =	simm.s32 $0x9;
	_ =	strace $0x8000004B  }
0xb3: {  	_ =	swait.ge [sflag:s29], $0x1  }
0xb4: {  	[sflag:s29] =	ssyncadd.s32 $0xFFFFFFFF  }
0xb5: {  	_ =	strace $0x9000004B  }
0xb6: {  	_ =	sfence  }
0xb7: {  	s30 =	sld [smem:$0x0];
	_ =	sdelay $0x2  }
0xb8: {  	s31 =	sshll.u32 s1, $0xD;
	s1 =	sshrl.u32 s1, $0x2  }
0xb9: {  	s3 =	sand.u32 $0x4000, s31;
	s1 =	sadd.s32 s1, s30  }
0xba: {  	s0 =	sor.u32 s3, s0;
	s1 =	sshll.u32 s1, $0x11  }
0xbb: {  	s0 =	sor.u32 s1, s0  }
0xbc: {  	s0 =	sadd.s32 $0x8F2B, s0  }
0xbd: {  	[sflag:s0] =	ssyncadd.remote.s32 $0x1  }
0xbe: {  	_ =	sfence.sel $0xFFFF  }
0xbf: {  	[dreg:$0x0] =	wrdreg $0xFFFFFFFF;
	(pc) =	sbr.abs _section_cstart, $3  }
0xc0: {  	[dreg:$0x1] =	wrdreg $0xFFFFFFFF  }
0xc1: {  	_ =	task.clear_ibuf [dreg:s6], $0x2FFFF;
	_ =	strace $0x9FFFFFFF  }
0xc2: {  	(tm) =	ssettm $0x7FFFFFFF  }
0xc3: {  	_ =	shalt  }
tec
execute0_lowered:
.L_overlay_start_1:
0x0: {  	(tag) =	ssettag $0x1  }
0x1: {  	s0 =	rddreg [dreg:$0x0]  }
0x2: {  	s2 =	rddreg [dreg:$0x1]  }
0x3: {  	s6 =	stileid.u32;
	s3 =	srdreg.scid  }
0x4: {  	s4 =	simm.s32 $0x0;
	s29 =	simm.s32 $0x28;
	s1 =	smul.u32 $0x4E20, s6  }
0x5: {  	s30 =	simm.s32 $0x9C40;
	s31 =	simm.s32 $0xA640;
	s14 =	smul.u32 $0xA000, s6  }
0x6: {  	s28 =	simm.s32 $0xBA40;
	s8 =	simm.s32 $0xEC40;
	s6 =	smul.u32 $0x28000, s6  }
0x7: {  	s9 =	simm.s32 $0xF640;
	s11 =	simm.s32 $0x2;
	s12 =	simm.s32 $0x0  }
0x8: {  	s10 =	sand.u32 $0x1, s3;
	[smem:$0x7FF] =	sst s4;
	s6 =	sshrl.u32 s6, $0x2  }
0x9: {  	s4 =	sadd.s32 $0x16C00, s0;
	s3 =	simm.s32 $0xCE40;
	s16 =	sadd.s32 s6, s2  }
0xa: {  	s5 =	smul.u32 $0xA0000, s10;
	_ =	strace $0x8000004A;
	s6 =	sadd.s32 $0xA00, s16  }
0xb: {  	s7 =	ssub.s32 $0x2, s10;
	s17 =	sadd.s32 $0x1400, s16;
	[dreg:$0x3] =	wrdreg s6  }
0xc: {  	v0 =	vmov s10;
	s10 =	simm.s32 $0x1;
	s18 =	sadd.s32 $0x1E00, s16;
	[dreg:$0x4] =	wrdreg s17  }
0xd: {  	s1 =	sshrl.u32 s1, $0x3;
	s19 =	sadd.s32 $0x2800, s16;
	[dreg:$0x5] =	wrdreg s18  }
0xe: {  	s15 =	sshrl.u32 s7, $0x1;
	s20 =	sadd.s32 $0x3200, s16;
	[dreg:$0x6] =	wrdreg s19  }
0xf: {  	s5 =	sadd.s32 s14, s5;
	s21 =	sadd.s32 $0x3C00, s16;
	[dreg:$0x7] =	wrdreg s20  }
0x10: {  	s1 =	sadd.s32 s1, s0;
	s22 =	sadd.s32 $0x4600, s16;
	[dreg:$0x8] =	wrdreg s21  }
0x11: {  	s7 =	ssub.s32 s7, s15;
	s23 =	sadd.s32 $0x5000, s16;
	[dreg:$0x9] =	wrdreg s22  }
0x12: {  	s5 =	sshrl.u32 s5, $0x3;
	s24 =	sadd.s32 $0x5A00, s16;
	[dreg:$0xa] =	wrdreg s23  }
0x13: {  	s25 =	sadd.s32 $0x6400, s16;
	s26 =	sadd.s32 $0x6E00, s16;
	[dreg:$0xb] =	wrdreg s24  }
0x14: {  	s0 =	sadd.s32 s5, s0;
	s5 =	sadd.s32 s14, s2;
	[dreg:$0xc] =	wrdreg s25  }
0x15: {  	[dreg:$0xd] =	wrdreg s26;
	s17 =	sadd.s32 $0x7800, s16;
	s18 =	sadd.s32 $0x8200, s16  }
0x16: {  	s19 =	sadd.s32 $0x8C00, s16;
	s20 =	sadd.s32 $0x9600, s16;
	s21 =	sadd.s32 $0x3200, s1  }
0x17: {  	s22 =	sadd.s32 $0xCE40, s1;
	s24 =	smax.u32 s7, $0x1;
	s25 =	simm.s32 $0x10040  }
0x18: {  	s26 =	simm.s32 $0x3;
	s1 =	simm.s32 $0xC440;
	s6 =	simm.s32 $0xD840  }
0x19: {  	v1 =	vimm.f32 $0.0e+00;
	s7 =	simm.s32 $0xE240;
	s23 =	sadd.s32 $0x3DE00, s0;
	s0 =	simm.s32 $0xB040  }
.LBB2_1:
0x1a: {  	s14 =	simm.s32 $0x0  }
0x1b: {  	s13 =	sand.u32 $0x3F00, s14  }
0x1c: {  	s14 =	sand.u32 $0x30, s14;
	s15 =	sshrl.u32 s13, $0x2  }
0x1d: {  	s13 =	simm.s32 $0x40;
	s15 =	sor.u32 s14, s15;
	s14 =	simm.s32 $0x0  }
.LBB2_2:
0x1e: {  	p0 =	sne.s32 s13, $0x27C0  }
0x1f: {  	[tilespmem:s15+$0x10040] =	vst v1;
	s14 =	sadd.s32 $0x10, s14;
	s15 =	smov.u32 s13;
	s13 =	sadd.s32 $0x40, s13  }
.Ltmp0:
0x20: {  	(pc) =	sbr.rel @p0 .LBB2_2-.Ltmp0, $4  }
0x21: {  	_ = 	snop  }
0x22: {  	s15 =	sand.u32 $0x3F00, s15  }
0x23: {  	s16 =	sand.u32 $0x30, s14;
	s15 =	sshrl.u32 s15, $0x2  }
0x24: {  	s15 =	sor.u32 s16, s15  }
0x25: {  	[tilespmem:s15+$0x10040] =	vst v1  }
0x26: {  	[spmem:s5] =	stream.linear.scatter [tilespmem:s25], [sflag:$0x3], $0xA00, $0x38;
	[tilespmem:$0x1AA40] =	vst v63  }
0x27: {  	_ =	swait.ge [sflag:s26], $0xA00  }
0x28: {  	[sflag:s26] =	ssyncset.done $0x0  }
0x29: {  	s13 =	rddreg [dreg:$0x3];
	[sflag:s26] =	ssyncadd.s32 $0xFFFFF600  }
0x2a: {  	[spmem:s13] =	stream.linear.scatter [tilespmem:s25], [sflag:$0x3], $0xA00, $0x38;
	[tilespmem:$0x1AA40] =	vst v63  }
0x2b: {  	_ =	swait.ge [sflag:s26], $0xA00  }
0x2c: {  	[sflag:s26] =	ssyncset.done $0x0  }
0x2d: {  	s15 =	rddreg [dreg:$0x4];
	[sflag:s26] =	ssyncadd.s32 $0xFFFFF600  }
0x2e: {  	[spmem:s15] =	stream.linear.scatter [tilespmem:s25], [sflag:$0x3], $0xA00, $0x38;
	[tilespmem:$0x1AA40] =	vst v63  }
0x2f: {  	_ =	swait.ge [sflag:s26], $0xA00  }
0x30: {  	[sflag:s26] =	ssyncset.done $0x0  }
0x31: {  	s16 =	rddreg [dreg:$0x5];
	[sflag:s26] =	ssyncadd.s32 $0xFFFFF600  }
0x32: {  	[spmem:s16] =	stream.linear.scatter [tilespmem:s25], [sflag:$0x3], $0xA00, $0x38;
	[tilespmem:$0x1AA40] =	vst v63  }
0x33: {  	_ =	swait.ge [sflag:s26], $0xA00  }
0x34: {  	[sflag:s26] =	ssyncset.done $0x0  }
0x35: {  	s14 =	rddreg [dreg:$0x6];
	[sflag:s26] =	ssyncadd.s32 $0xFFFFF600  }
0x36: {  	[spmem:s14] =	stream.linear.scatter [tilespmem:s25], [sflag:$0x3], $0xA00, $0x38;
	[tilespmem:$0x1AA40] =	vst v63  }
0x37: {  	_ =	swait.ge [sflag:s26], $0xA00  }
0x38: {  	[sflag:s26] =	ssyncset.done $0x0  }
0x39: {  	s15 =	rddreg [dreg:$0x7];
	[sflag:s26] =	ssyncadd.s32 $0xFFFFF600  }
0x3a: {  	[spmem:s15] =	stream.linear.scatter [tilespmem:s25], [sflag:$0x3], $0xA00, $0x38;
	[tilespmem:$0x1AA40] =	vst v63  }
0x3b: {  	_ =	swait.ge [sflag:s26], $0xA00  }
0x3c: {  	[sflag:s26] =	ssyncset.done $0x0  }
0x3d: {  	s16 =	rddreg [dreg:$0x8];
	[sflag:s26] =	ssyncadd.s32 $0xFFFFF600  }
0x3e: {  	[spmem:s16] =	stream.linear.scatter [tilespmem:s25], [sflag:$0x3], $0xA00, $0x38;
	[tilespmem:$0x1AA40] =	vst v63  }
0x3f: {  	_ =	swait.ge [sflag:s26], $0xA00  }
0x40: {  	[sflag:s26] =	ssyncset.done $0x0  }
0x41: {  	s14 =	rddreg [dreg:$0x9];
	[sflag:s26] =	ssyncadd.s32 $0xFFFFF600  }
0x42: {  	[spmem:s14] =	stream.linear.scatter [tilespmem:s25], [sflag:$0x3], $0xA00, $0x38;
	[tilespmem:$0x1AA40] =	vst v63  }
0x43: {  	_ =	swait.ge [sflag:s26], $0xA00  }
0x44: {  	[sflag:s26] =	ssyncset.done $0x0  }
0x45: {  	s15 =	rddreg [dreg:$0xa];
	[sflag:s26] =	ssyncadd.s32 $0xFFFFF600  }
0x46: {  	[spmem:s15] =	stream.linear.scatter [tilespmem:s25], [sflag:$0x3], $0xA00, $0x38;
	[tilespmem:$0x1AA40] =	vst v63  }
0x47: {  	_ =	swait.ge [sflag:s26], $0xA00  }
0x48: {  	[sflag:s26] =	ssyncset.done $0x0  }
0x49: {  	s16 =	rddreg [dreg:$0xb];
	[sflag:s26] =	ssyncadd.s32 $0xFFFFF600  }
0x4a: {  	[spmem:s16] =	stream.linear.scatter [tilespmem:s25], [sflag:$0x3], $0xA00, $0x38;
	[tilespmem:$0x1AA40] =	vst v63  }
0x4b: {  	_ =	swait.ge [sflag:s26], $0xA00  }
0x4c: {  	[sflag:s26] =	ssyncset.done $0x0  }
0x4d: {  	s14 =	rddreg [dreg:$0xc];
	[sflag:s26] =	ssyncadd.s32 $0xFFFFF600  }
0x4e: {  	[spmem:s14] =	stream.linear.scatter [tilespmem:s25], [sflag:$0x3], $0xA00, $0x38;
	[tilespmem:$0x1AA40] =	vst v63  }
0x4f: {  	_ =	swait.ge [sflag:s26], $0xA00  }
0x50: {  	[sflag:s26] =	ssyncset.done $0x0  }
0x51: {  	s15 =	rddreg [dreg:$0xd];
	[sflag:s26] =	ssyncadd.s32 $0xFFFFF600  }
0x52: {  	[spmem:s15] =	stream.linear.scatter [tilespmem:s25], [sflag:$0x3], $0xA00, $0x38;
	[tilespmem:$0x1AA40] =	vst v63  }
0x53: {  	_ =	swait.ge [sflag:s26], $0xA00  }
0x54: {  	[sflag:s26] =	ssyncset.done $0x0  }
0x55: {  	[sflag:s26] =	ssyncadd.s32 $0xFFFFF600  }
0x56: {  	[spmem:s17] =	stream.linear.scatter [tilespmem:s25], [sflag:$0x3], $0xA00, $0x38;
	[tilespmem:$0x1AA40] =	vst v63  }
0x57: {  	_ =	swait.ge [sflag:s26], $0xA00  }
0x58: {  	[sflag:s26] =	ssyncset.done $0x0  }
0x59: {  	[sflag:s26] =	ssyncadd.s32 $0xFFFFF600  }
0x5a: {  	[spmem:s18] =	stream.linear.scatter [tilespmem:s25], [sflag:$0x3], $0xA00, $0x38;
	[tilespmem:$0x1AA40] =	vst v63  }
0x5b: {  	_ =	swait.ge [sflag:s26], $0xA00  }
0x5c: {  	[sflag:s26] =	ssyncset.done $0x0  }
0x5d: {  	[sflag:s26] =	ssyncadd.s32 $0xFFFFF600  }
0x5e: {  	[spmem:s19] =	stream.linear.scatter [tilespmem:s25], [sflag:$0x3], $0xA00, $0x38;
	[tilespmem:$0x1AA40] =	vst v63  }
0x5f: {  	_ =	swait.ge [sflag:s26], $0xA00  }
0x60: {  	[sflag:s26] =	ssyncset.done $0x0  }
0x61: {  	[sflag:s26] =	ssyncadd.s32 $0xFFFFF600  }
0x62: {  	[spmem:s20] =	stream.linear.scatter [tilespmem:s25], [sflag:$0x3], $0xA00, $0x38;
	[tilespmem:$0x1AA40] =	vst v63  }
0x63: {  	_ =	swait.ge [sflag:s26], $0xA00  }
0x64: {  	[sflag:s26] =	ssyncset.done $0x0  }
0x65: {  	s16 =	simm.s32 $0x0;
	[sflag:s26] =	ssyncadd.s32 $0xFFFFF600  }
0x66: {  	[tilespmem:s16], [sflag:$0x3] =	stream.linear.gather [hbm4b:s21+s16], $0x4E20, $0x38;
	[tilespmem:$0x1AA40] =	vst v63  }
0x67: {  	_ =	swait.ge [sflag:s26], $0x4E20  }
0x68: {  	[sflag:s26] =	ssyncset.done $0x0  }
0x69: {  	s14 =	simm.s32 $0x4E20;
	[sflag:s26] =	ssyncadd.s32 $0xFFFFB1E0  }
0x6a: {  	[tilespmem:s14], [sflag:$0x3] =	stream.linear.gather [hbm4b:s22+s16], $0x4E20, $0x38;
	[tilespmem:$0x1AA40] =	vst v63  }
0x6b: {  	_ =	swait.ge [sflag:s26], $0x4E20  }
0x6c: {  	[sflag:s26] =	ssyncset.done $0x0  }
0x6d: {  	s13 =	simm.s32 $0x0;
	s14 =	simm.s32 $0x40;
	[sflag:s26] =	ssyncadd.s32 $0xFFFFB1E0  }
.LBB2_4:
0x6e: {  	p0 =	sne.s32 s14, $0x13840;
	v2 =	vld [tilespmem:s13+$0x0];
	_ =	sdelay $0x2  }
.Ltmp1:
0x6f: {  	(pc) =	sbr.rel @p0 .LBB2_4-.Ltmp1, $4  }
0x70: {  	_ = 	snop  }
0x71: {  	v2 =	vshll.u32 v2, $0x1  }
0x72: {  	v2 =	vor.u32 v0, v2  }
0x73: {  	[tilespmem:s13+$0x0] =	vst v2;
	s13 =	sshra.s32 s14, $0x2;
	s14 =	sadd.s32 $0x40, s14  }
0x74: {  	v2 =	vld [tilespmem:s13+$0x0];
	_ =	sdelay $0x4  }
0x75: {  	v2 =	vshll.u32 v2, $0x1  }
0x76: {  	v2 =	vor.u32 v0, v2  }
0x77: {  	[tilespmem:s13+$0x0] =	vst v2  }
0x78: {  	s15 =	simm.s32 $0x0;
	[bflag:$0x0] =	sbarrier.arrive $0xFFFF  }
0x79: {  	[tilespmem:s30], [sflag:$0x1] =	stream.indirect.gather [hbm4b:s4+s29], $0x40, s15, s29, $0xb8;
	[tilespmem:$0x1AA40] =	vst v63  }
0x7a: {  	s16 =	simm.s32 $0x28  }
0x7b: {  	[tilespmem:s31], [sflag:$0x1] =	stream.indirect.gather [hbm4b:s4+s29], $0x40, s16, s29, $0xb8;
	[tilespmem:$0x1AA40] =	vst v63  }
0x7c: {  	s14 =	simm.s32 $0x50  }
0x7d: {  	[tilespmem:s0], [sflag:$0x1] =	stream.indirect.gather [hbm4b:s4+s29], $0x40, s14, s29, $0xb8;
	[tilespmem:$0x1AA40] =	vst v63  }
0x7e: {  	s15 =	simm.s32 $0x78  }
0x7f: {  	[tilespmem:s28], [sflag:$0x1] =	stream.indirect.gather [hbm4b:s4+s29], $0x40, s15, s29, $0xb8;
	[tilespmem:$0x1AA40] =	vst v63  }
0x80: {  	s16 =	simm.s32 $0xA0  }
0x81: {  	[tilespmem:s1], [sflag:$0x1] =	stream.indirect.gather [hbm4b:s4+s29], $0x40, s16, s29, $0xb8;
	[tilespmem:$0x1AA40] =	vst v63  }
0x82: {  	s14 =	simm.s32 $0xC8  }
0x83: {  	[tilespmem:s3], [sflag:$0x1] =	stream.indirect.gather [hbm4b:s4+s29], $0x40, s14, s29, $0xb8;
	[tilespmem:$0x1AA40] =	vst v63  }
0x84: {  	s15 =	simm.s32 $0xF0  }
0x85: {  	[tilespmem:s6], [sflag:$0x1] =	stream.indirect.gather [hbm4b:s4+s29], $0x40, s15, s29, $0xb8;
	[tilespmem:$0x1AA40] =	vst v63  }
0x86: {  	s16 =	simm.s32 $0x118  }
0x87: {  	[tilespmem:s7], [sflag:$0x1] =	stream.indirect.gather [hbm4b:s4+s29], $0x40, s16, s29, $0xb8;
	[tilespmem:$0x1AA40] =	vst v63  }
0x88: {  	s14 =	simm.s32 $0x140  }
0x89: {  	[tilespmem:s8], [sflag:$0x1] =	stream.indirect.gather [hbm4b:s4+s29], $0x40, s14, s29, $0xb8;
	[tilespmem:$0x1AA40] =	vst v63  }
0x8a: {  	s15 =	simm.s32 $0x168  }
0x8b: {  	[tilespmem:s9], [sflag:$0x1] =	stream.indirect.gather [hbm4b:s4+s29], $0x40, s15, s29, $0xb8;
	[tilespmem:$0x1AA40] =	vst v63  }
0x8c: {  	_ =	swait.ge [sflag:s10], $0xA00  }
0x8d: {  	[sflag:s10] =	ssyncset.done $0x0  }
0x8e: {  	s16 =	simm.s32 $0x4E20;
	[sflag:s10] =	ssyncadd.s32 $0xFFFFF600  }
0x8f: {  	[spmem:s2] =	stream.indirect.scatter.add.f32 [tilespmem:s30], [sflag:$0x2], $0x40, s16, s29, $0xb8;
	[tilespmem:$0x1AA40] =	vst v63  }
0x90: {  	_ =	swait.ge [sflag:s10], $0xA00  }
0x91: {  	[sflag:s10] =	ssyncset.done $0x0  }
0x92: {  	s14 =	simm.s32 $0x4E48;
	[sflag:s10] =	ssyncadd.s32 $0xFFFFF600  }
0x93: {  	[spmem:s2] =	stream.indirect.scatter.add.f32 [tilespmem:s31], [sflag:$0x2], $0x40, s14, s29, $0xb8;
	[tilespmem:$0x1AA40] =	vst v63  }
0x94: {  	_ =	swait.ge [sflag:s10], $0xA00  }
0x95: {  	[sflag:s10] =	ssyncset.done $0x0  }
0x96: {  	s15 =	simm.s32 $0x4E70;
	[sflag:s10] =	ssyncadd.s32 $0xFFFFF600  }
0x97: {  	[spmem:s2] =	stream.indirect.scatter.add.f32 [tilespmem:s0], [sflag:$0x2], $0x40, s15, s29, $0xb8;
	[tilespmem:$0x1AA40] =	vst v63  }
0x98: {  	_ =	swait.ge [sflag:s10], $0xA00  }
0x99: {  	[sflag:s10] =	ssyncset.done $0x0  }
0x9a: {  	s16 =	simm.s32 $0x4E98;
	[sflag:s10] =	ssyncadd.s32 $0xFFFFF600  }
0x9b: {  	[spmem:s2] =	stream.indirect.scatter.add.f32 [tilespmem:s28], [sflag:$0x2], $0x40, s16, s29, $0xb8;
	[tilespmem:$0x1AA40] =	vst v63  }
0x9c: {  	_ =	swait.ge [sflag:s10], $0xA00  }
0x9d: {  	[sflag:s10] =	ssyncset.done $0x0  }
0x9e: {  	s14 =	simm.s32 $0x4EC0;
	[sflag:s10] =	ssyncadd.s32 $0xFFFFF600  }
0x9f: {  	[spmem:s2] =	stream.indirect.scatter.add.f32 [tilespmem:s1], [sflag:$0x2], $0x40, s14, s29, $0xb8;
	[tilespmem:$0x1AA40] =	vst v63  }
0xa0: {  	_ =	swait.ge [sflag:s10], $0xA00  }
0xa1: {  	[sflag:s10] =	ssyncset.done $0x0  }
0xa2: {  	s15 =	simm.s32 $0x4EE8;
	[sflag:s10] =	ssyncadd.s32 $0xFFFFF600  }
0xa3: {  	[spmem:s2] =	stream.indirect.scatter.add.f32 [tilespmem:s3], [sflag:$0x2], $0x40, s15, s29, $0xb8;
	[tilespmem:$0x1AA40] =	vst v63  }
0xa4: {  	_ =	swait.ge [sflag:s10], $0xA00  }
0xa5: {  	[sflag:s10] =	ssyncset.done $0x0  }
0xa6: {  	s16 =	simm.s32 $0x4F10;
	[sflag:s10] =	ssyncadd.s32 $0xFFFFF600  }
0xa7: {  	[spmem:s2] =	stream.indirect.scatter.add.f32 [tilespmem:s6], [sflag:$0x2], $0x40, s16, s29, $0xb8;
	[tilespmem:$0x1AA40] =	vst v63  }
0xa8: {  	_ =	swait.ge [sflag:s10], $0xA00  }
0xa9: {  	[sflag:s10] =	ssyncset.done $0x0  }
0xaa: {  	s14 =	simm.s32 $0x4F38;
	[sflag:s10] =	ssyncadd.s32 $0xFFFFF600  }
0xab: {  	[spmem:s2] =	stream.indirect.scatter.add.f32 [tilespmem:s7], [sflag:$0x2], $0x40, s14, s29, $0xb8;
	[tilespmem:$0x1AA40] =	vst v63  }
0xac: {  	_ =	swait.ge [sflag:s10], $0xA00  }
0xad: {  	[sflag:s10] =	ssyncset.done $0x0  }
0xae: {  	s15 =	simm.s32 $0x4F60;
	[sflag:s10] =	ssyncadd.s32 $0xFFFFF600  }
0xaf: {  	[spmem:s2] =	stream.indirect.scatter.add.f32 [tilespmem:s8], [sflag:$0x2], $0x40, s15, s29, $0xb8;
	[tilespmem:$0x1AA40] =	vst v63  }
0xb0: {  	_ =	swait.ge [sflag:s10], $0xA00  }
0xb1: {  	[sflag:s10] =	ssyncset.done $0x0  }
0xb2: {  	s16 =	simm.s32 $0x4F88;
	[sflag:s10] =	ssyncadd.s32 $0xFFFFF600  }
0xb3: {  	[spmem:s2] =	stream.indirect.scatter.add.f32 [tilespmem:s9], [sflag:$0x2], $0x40, s16, s29, $0xb8;
	[tilespmem:$0x1AA40] =	vst v63  }
0xb4: {  	_ =	swait.ge [sflag:s11], $0xA00  }
0xb5: {  	[sflag:s11] =	ssyncset.done $0x0  }
0xb6: {  	[sflag:s11] =	ssyncadd.s32 $0xFFFFF600  }
0xb7: {  	_ =	swait.ge [sflag:s11], $0xA00  }
0xb8: {  	[sflag:s11] =	ssyncset.done $0x0  }
0xb9: {  	[sflag:s11] =	ssyncadd.s32 $0xFFFFF600  }
0xba: {  	_ =	swait.ge [sflag:s11], $0xA00  }
0xbb: {  	[sflag:s11] =	ssyncset.done $0x0  }
0xbc: {  	[sflag:s11] =	ssyncadd.s32 $0xFFFFF600  }
0xbd: {  	_ =	swait.ge [sflag:s11], $0xA00  }
0xbe: {  	[sflag:s11] =	ssyncset.done $0x0  }
0xbf: {  	[sflag:s11] =	ssyncadd.s32 $0xFFFFF600  }
0xc0: {  	_ =	swait.ge [sflag:s11], $0xA00  }
0xc1: {  	[sflag:s11] =	ssyncset.done $0x0  }
0xc2: {  	[sflag:s11] =	ssyncadd.s32 $0xFFFFF600  }
0xc3: {  	_ =	swait.ge [sflag:s11], $0xA00  }
0xc4: {  	[sflag:s11] =	ssyncset.done $0x0  }
0xc5: {  	[sflag:s11] =	ssyncadd.s32 $0xFFFFF600  }
0xc6: {  	_ =	swait.ge [sflag:s11], $0xA00  }
0xc7: {  	[sflag:s11] =	ssyncset.done $0x0  }
0xc8: {  	[sflag:s11] =	ssyncadd.s32 $0xFFFFF600  }
0xc9: {  	_ =	swait.ge [sflag:s11], $0xA00  }
0xca: {  	[sflag:s11] =	ssyncset.done $0x0  }
0xcb: {  	[sflag:s11] =	ssyncadd.s32 $0xFFFFF600  }
0xcc: {  	_ =	swait.ge [sflag:s11], $0xA00  }
0xcd: {  	[sflag:s11] =	ssyncset.done $0x0  }
0xce: {  	[sflag:s11] =	ssyncadd.s32 $0xFFFFF600  }
0xcf: {  	_ =	swait.ge [sflag:s11], $0xA00  }
0xd0: {  	s13 =	simm.s32 $0x640;
	s14 =	simm.s32 $0xC80;
	[sflag:s11] =	ssyncset.done $0x0  }
.LBB2_6:
0xd1: {  	s15 =	sshra.s32 s13, $0x2  }
0xd2: {  	[sflag:s11] =	ssyncadd.s32 $0xFFFFF600;
	s13 =	smov.u32 s14;
	s16 =	sadd.s32 $0x640, s14  }
0xd3: {  	[tilespmem:s30], [sflag:$0x1] =	stream.indirect.gather [hbm4b:s4+s29], $0x40, s15, s29, $0xb8;
	[tilespmem:$0x1AA40] =	vst v63  }
0xd4: {  	p0 =	sne.s32 s14, $0x13240;
	s14 =	sadd.s32 $0x28, s15  }
0xd5: {  	[tilespmem:s31], [sflag:$0x1] =	stream.indirect.gather [hbm4b:s4+s29], $0x40, s14, s29, $0xb8;
	[tilespmem:$0x1AA40] =	vst v63  }
0xd6: {  	s14 =	sadd.s32 $0x50, s15  }
0xd7: {  	[tilespmem:s0], [sflag:$0x1] =	stream.indirect.gather [hbm4b:s4+s29], $0x40, s14, s29, $0xb8;
	[tilespmem:$0x1AA40] =	vst v63  }
0xd8: {  	s14 =	sadd.s32 $0x78, s15  }
0xd9: {  	[tilespmem:s28], [sflag:$0x1] =	stream.indirect.gather [hbm4b:s4+s29], $0x40, s14, s29, $0xb8;
	[tilespmem:$0x1AA40] =	vst v63  }
0xda: {  	s14 =	sadd.s32 $0xA0, s15  }
0xdb: {  	[tilespmem:s1], [sflag:$0x1] =	stream.indirect.gather [hbm4b:s4+s29], $0x40, s14, s29, $0xb8;
	[tilespmem:$0x1AA40] =	vst v63  }
0xdc: {  	s14 =	sadd.s32 $0xC8, s15  }
0xdd: {  	[tilespmem:s3], [sflag:$0x1] =	stream.indirect.gather [hbm4b:s4+s29], $0x40, s14, s29, $0xb8;
	[tilespmem:$0x1AA40] =	vst v63  }
0xde: {  	s14 =	sadd.s32 $0xF0, s15  }
0xdf: {  	[tilespmem:s6], [sflag:$0x1] =	stream.indirect.gather [hbm4b:s4+s29], $0x40, s14, s29, $0xb8;
	[tilespmem:$0x1AA40] =	vst v63  }
0xe0: {  	s14 =	sadd.s32 $0x118, s15  }
0xe1: {  	[tilespmem:s7], [sflag:$0x1] =	stream.indirect.gather [hbm4b:s4+s29], $0x40, s14, s29, $0xb8;
	[tilespmem:$0x1AA40] =	vst v63  }
0xe2: {  	s14 =	sadd.s32 $0x140, s15  }
0xe3: {  	[tilespmem:s8], [sflag:$0x1] =	stream.indirect.gather [hbm4b:s4+s29], $0x40, s14, s29, $0xb8;
	[tilespmem:$0x1AA40] =	vst v63  }
0xe4: {  	s14 =	sadd.s32 $0x168, s15  }
0xe5: {  	[tilespmem:s9], [sflag:$0x1] =	stream.indirect.gather [hbm4b:s4+s29], $0x40, s14, s29, $0xb8;
	[tilespmem:$0x1AA40] =	vst v63  }
0xe6: {  	_ =	swait.ge [sflag:s10], $0xA00  }
0xe7: {  	[sflag:s10] =	ssyncset.done $0x0  }
0xe8: {  	s14 =	sadd.s32 $0x4E20, s15;
	[sflag:s10] =	ssyncadd.s32 $0xFFFFF600  }
0xe9: {  	[spmem:s2] =	stream.indirect.scatter.add.f32 [tilespmem:s30], [sflag:$0x2], $0x40, s14, s29, $0xb8;
	[tilespmem:$0x1AA40] =	vst v63  }
0xea: {  	_ =	swait.ge [sflag:s10], $0xA00  }
0xeb: {  	[sflag:s10] =	ssyncset.done $0x0  }
0xec: {  	s14 =	sadd.s32 $0x4E48, s15;
	[sflag:s10] =	ssyncadd.s32 $0xFFFFF600  }
0xed: {  	[spmem:s2] =	stream.indirect.scatter.add.f32 [tilespmem:s31], [sflag:$0x2], $0x40, s14, s29, $0xb8;
	[tilespmem:$0x1AA40] =	vst v63  }
0xee: {  	_ =	swait.ge [sflag:s10], $0xA00  }
0xef: {  	[sflag:s10] =	ssyncset.done $0x0  }
0xf0: {  	s14 =	sadd.s32 $0x4E70, s15;
	[sflag:s10] =	ssyncadd.s32 $0xFFFFF600  }
0xf1: {  	[spmem:s2] =	stream.indirect.scatter.add.f32 [tilespmem:s0], [sflag:$0x2], $0x40, s14, s29, $0xb8;
	[tilespmem:$0x1AA40] =	vst v63  }
0xf2: {  	_ =	swait.ge [sflag:s10], $0xA00  }
0xf3: {  	[sflag:s10] =	ssyncset.done $0x0  }
0xf4: {  	s14 =	sadd.s32 $0x4E98, s15;
	[sflag:s10] =	ssyncadd.s32 $0xFFFFF600  }
0xf5: {  	[spmem:s2] =	stream.indirect.scatter.add.f32 [tilespmem:s28], [sflag:$0x2], $0x40, s14, s29, $0xb8;
	[tilespmem:$0x1AA40] =	vst v63  }
0xf6: {  	_ =	swait.ge [sflag:s10], $0xA00  }
0xf7: {  	[sflag:s10] =	ssyncset.done $0x0  }
0xf8: {  	s14 =	sadd.s32 $0x4EC0, s15;
	[sflag:s10] =	ssyncadd.s32 $0xFFFFF600  }
0xf9: {  	[spmem:s2] =	stream.indirect.scatter.add.f32 [tilespmem:s1], [sflag:$0x2], $0x40, s14, s29, $0xb8;
	[tilespmem:$0x1AA40] =	vst v63  }
0xfa: {  	_ =	swait.ge [sflag:s10], $0xA00  }
0xfb: {  	[sflag:s10] =	ssyncset.done $0x0  }
0xfc: {  	s14 =	sadd.s32 $0x4EE8, s15;
	[sflag:s10] =	ssyncadd.s32 $0xFFFFF600  }
0xfd: {  	[spmem:s2] =	stream.indirect.scatter.add.f32 [tilespmem:s3], [sflag:$0x2], $0x40, s14, s29, $0xb8;
	[tilespmem:$0x1AA40] =	vst v63  }
0xfe: {  	_ =	swait.ge [sflag:s10], $0xA00  }
0xff: {  	[sflag:s10] =	ssyncset.done $0x0  }
0x100: {  	s14 =	sadd.s32 $0x4F10, s15;
	[sflag:s10] =	ssyncadd.s32 $0xFFFFF600  }
0x101: {  	[spmem:s2] =	stream.indirect.scatter.add.f32 [tilespmem:s6], [sflag:$0x2], $0x40, s14, s29, $0xb8;
	[tilespmem:$0x1AA40] =	vst v63  }
0x102: {  	_ =	swait.ge [sflag:s10], $0xA00  }
0x103: {  	[sflag:s10] =	ssyncset.done $0x0  }
0x104: {  	s14 =	sadd.s32 $0x4F38, s15;
	[sflag:s10] =	ssyncadd.s32 $0xFFFFF600  }
0x105: {  	[spmem:s2] =	stream.indirect.scatter.add.f32 [tilespmem:s7], [sflag:$0x2], $0x40, s14, s29, $0xb8;
	[tilespmem:$0x1AA40] =	vst v63  }
0x106: {  	_ =	swait.ge [sflag:s10], $0xA00  }
0x107: {  	[sflag:s10] =	ssyncset.done $0x0  }
0x108: {  	s14 =	sadd.s32 $0x4F60, s15;
	[sflag:s10] =	ssyncadd.s32 $0xFFFFF600  }
0x109: {  	[spmem:s2] =	stream.indirect.scatter.add.f32 [tilespmem:s8], [sflag:$0x2], $0x40, s14, s29, $0xb8;
	[tilespmem:$0x1AA40] =	vst v63  }
0x10a: {  	_ =	swait.ge [sflag:s10], $0xA00  }
0x10b: {  	[sflag:s10] =	ssyncset.done $0x0  }
0x10c: {  	s14 =	sadd.s32 $0x4F88, s15;
	[sflag:s10] =	ssyncadd.s32 $0xFFFFF600  }
0x10d: {  	[spmem:s2] =	stream.indirect.scatter.add.f32 [tilespmem:s9], [sflag:$0x2], $0x40, s14, s29, $0xb8;
	[tilespmem:$0x1AA40] =	vst v63  }
0x10e: {  	_ =	swait.ge [sflag:s11], $0xA00  }
0x10f: {  	[sflag:s11] =	ssyncset.done $0x0  }
0x110: {  	[sflag:s11] =	ssyncadd.s32 $0xFFFFF600  }
0x111: {  	_ =	swait.ge [sflag:s11], $0xA00  }
0x112: {  	[sflag:s11] =	ssyncset.done $0x0  }
0x113: {  	[sflag:s11] =	ssyncadd.s32 $0xFFFFF600  }
0x114: {  	_ =	swait.ge [sflag:s11], $0xA00  }
0x115: {  	[sflag:s11] =	ssyncset.done $0x0  }
0x116: {  	[sflag:s11] =	ssyncadd.s32 $0xFFFFF600  }
0x117: {  	_ =	swait.ge [sflag:s11], $0xA00  }
0x118: {  	[sflag:s11] =	ssyncset.done $0x0  }
0x119: {  	[sflag:s11] =	ssyncadd.s32 $0xFFFFF600  }
0x11a: {  	_ =	swait.ge [sflag:s11], $0xA00  }
0x11b: {  	[sflag:s11] =	ssyncset.done $0x0  }
0x11c: {  	[sflag:s11] =	ssyncadd.s32 $0xFFFFF600  }
0x11d: {  	_ =	swait.ge [sflag:s11], $0xA00  }
0x11e: {  	[sflag:s11] =	ssyncset.done $0x0  }
0x11f: {  	[sflag:s11] =	ssyncadd.s32 $0xFFFFF600  }
0x120: {  	_ =	swait.ge [sflag:s11], $0xA00  }
0x121: {  	[sflag:s11] =	ssyncset.done $0x0  }
0x122: {  	[sflag:s11] =	ssyncadd.s32 $0xFFFFF600  }
0x123: {  	_ =	swait.ge [sflag:s11], $0xA00  }
0x124: {  	[sflag:s11] =	ssyncset.done $0x0  }
0x125: {  	[sflag:s11] =	ssyncadd.s32 $0xFFFFF600  }
.Ltmp2:
0x126: {  	_ =	swait.ge [sflag:s11], $0xA00;
	(pc) =	sbr.rel @p0 .LBB2_6-.Ltmp2, $4  }
0x127: {  	[sflag:s11] =	ssyncset.done $0x0  }
0x128: {  	[sflag:s11] =	ssyncadd.s32 $0xFFFFF600  }
0x129: {  	_ =	swait.ge [sflag:s11], $0xA00  }
0x12a: {  	s14 =	smov.u32 s16;
	[sflag:s11] =	ssyncset.done $0x0  }
0x12b: {  	s13 =	sshra.s32 s13, $0x2;
	[sflag:s11] =	ssyncadd.s32 $0xFFFFF600  }
0x12c: {  	[tilespmem:s30], [sflag:$0x1] =	stream.indirect.gather [hbm4b:s4+s29], $0x40, s13, s29, $0xb8;
	[tilespmem:$0x1AA40] =	vst v63  }
0x12d: {  	s14 =	sadd.s32 $0x28, s13  }
0x12e: {  	[tilespmem:s31], [sflag:$0x1] =	stream.indirect.gather [hbm4b:s4+s29], $0x40, s14, s29, $0xb8;
	[tilespmem:$0x1AA40] =	vst v63  }
0x12f: {  	s16 =	sadd.s32 $0x50, s13  }
0x130: {  	[tilespmem:s0], [sflag:$0x1] =	stream.indirect.gather [hbm4b:s4+s29], $0x40, s16, s29, $0xb8;
	[tilespmem:$0x1AA40] =	vst v63  }
0x131: {  	s15 =	sadd.s32 $0x78, s13  }
0x132: {  	[tilespmem:s28], [sflag:$0x1] =	stream.indirect.gather [hbm4b:s4+s29], $0x40, s15, s29, $0xb8;
	[tilespmem:$0x1AA40] =	vst v63  }
0x133: {  	s16 =	sadd.s32 $0xA0, s13  }
0x134: {  	[tilespmem:s1], [sflag:$0x1] =	stream.indirect.gather [hbm4b:s4+s29], $0x40, s16, s29, $0xb8;
	[tilespmem:$0x1AA40] =	vst v63  }
0x135: {  	s15 =	sadd.s32 $0xC8, s13  }
0x136: {  	[tilespmem:s3], [sflag:$0x1] =	stream.indirect.gather [hbm4b:s4+s29], $0x40, s15, s29, $0xb8;
	[tilespmem:$0x1AA40] =	vst v63  }
0x137: {  	s16 =	sadd.s32 $0xF0, s13  }
0x138: {  	[tilespmem:s6], [sflag:$0x1] =	stream.indirect.gather [hbm4b:s4+s29], $0x40, s16, s29, $0xb8;
	[tilespmem:$0x1AA40] =	vst v63  }
0x139: {  	s15 =	sadd.s32 $0x118, s13  }
0x13a: {  	[tilespmem:s7], [sflag:$0x1] =	stream.indirect.gather [hbm4b:s4+s29], $0x40, s15, s29, $0xb8;
	[tilespmem:$0x1AA40] =	vst v63  }
0x13b: {  	s16 =	sadd.s32 $0x140, s13  }
0x13c: {  	[tilespmem:s8], [sflag:$0x1] =	stream.indirect.gather [hbm4b:s4+s29], $0x40, s16, s29, $0xb8;
	[tilespmem:$0x1AA40] =	vst v63  }
0x13d: {  	s15 =	sadd.s32 $0x168, s13  }
0x13e: {  	[tilespmem:s9], [sflag:$0x1] =	stream.indirect.gather [hbm4b:s4+s29], $0x40, s15, s29, $0xb8;
	[tilespmem:$0x1AA40] =	vst v63  }
0x13f: {  	_ =	swait.ge [sflag:s10], $0xA00  }
0x140: {  	[sflag:s10] =	ssyncset.done $0x0  }
0x141: {  	s16 =	sadd.s32 $0x4E20, s13;
	[sflag:s10] =	ssyncadd.s32 $0xFFFFF600  }
0x142: {  	[spmem:s2] =	stream.indirect.scatter.add.f32 [tilespmem:s30], [sflag:$0x2], $0x40, s16, s29, $0xb8;
	[tilespmem:$0x1AA40] =	vst v63  }
0x143: {  	_ =	swait.ge [sflag:s10], $0xA00  }
0x144: {  	[sflag:s10] =	ssyncset.done $0x0  }
0x145: {  	s15 =	sadd.s32 $0x4E48, s13;
	[sflag:s10] =	ssyncadd.s32 $0xFFFFF600  }
0x146: {  	[spmem:s2] =	stream.indirect.scatter.add.f32 [tilespmem:s31], [sflag:$0x2], $0x40, s15, s29, $0xb8;
	[tilespmem:$0x1AA40] =	vst v63  }
0x147: {  	_ =	swait.ge [sflag:s10], $0xA00  }
0x148: {  	[sflag:s10] =	ssyncset.done $0x0  }
0x149: {  	s16 =	sadd.s32 $0x4E70, s13;
	[sflag:s10] =	ssyncadd.s32 $0xFFFFF600  }
0x14a: {  	[spmem:s2] =	stream.indirect.scatter.add.f32 [tilespmem:s0], [sflag:$0x2], $0x40, s16, s29, $0xb8;
	[tilespmem:$0x1AA40] =	vst v63  }
0x14b: {  	_ =	swait.ge [sflag:s10], $0xA00  }
0x14c: {  	[sflag:s10] =	ssyncset.done $0x0  }
0x14d: {  	s15 =	sadd.s32 $0x4E98, s13;
	[sflag:s10] =	ssyncadd.s32 $0xFFFFF600  }
0x14e: {  	[spmem:s2] =	stream.indirect.scatter.add.f32 [tilespmem:s28], [sflag:$0x2], $0x40, s15, s29, $0xb8;
	[tilespmem:$0x1AA40] =	vst v63  }
0x14f: {  	_ =	swait.ge [sflag:s10], $0xA00  }
0x150: {  	[sflag:s10] =	ssyncset.done $0x0  }
0x151: {  	s16 =	sadd.s32 $0x4EC0, s13;
	[sflag:s10] =	ssyncadd.s32 $0xFFFFF600  }
0x152: {  	[spmem:s2] =	stream.indirect.scatter.add.f32 [tilespmem:s1], [sflag:$0x2], $0x40, s16, s29, $0xb8;
	[tilespmem:$0x1AA40] =	vst v63  }
0x153: {  	_ =	swait.ge [sflag:s10], $0xA00  }
0x154: {  	[sflag:s10] =	ssyncset.done $0x0  }
0x155: {  	s15 =	sadd.s32 $0x4EE8, s13;
	[sflag:s10] =	ssyncadd.s32 $0xFFFFF600  }
0x156: {  	[spmem:s2] =	stream.indirect.scatter.add.f32 [tilespmem:s3], [sflag:$0x2], $0x40, s15, s29, $0xb8;
	[tilespmem:$0x1AA40] =	vst v63  }
0x157: {  	_ =	swait.ge [sflag:s10], $0xA00  }
0x158: {  	[sflag:s10] =	ssyncset.done $0x0  }
0x159: {  	s16 =	sadd.s32 $0x4F10, s13;
	[sflag:s10] =	ssyncadd.s32 $0xFFFFF600  }
0x15a: {  	[spmem:s2] =	stream.indirect.scatter.add.f32 [tilespmem:s6], [sflag:$0x2], $0x40, s16, s29, $0xb8;
	[tilespmem:$0x1AA40] =	vst v63  }
0x15b: {  	_ =	swait.ge [sflag:s10], $0xA00  }
0x15c: {  	[sflag:s10] =	ssyncset.done $0x0  }
0x15d: {  	s15 =	sadd.s32 $0x4F38, s13;
	[sflag:s10] =	ssyncadd.s32 $0xFFFFF600  }
0x15e: {  	[spmem:s2] =	stream.indirect.scatter.add.f32 [tilespmem:s7], [sflag:$0x2], $0x40, s15, s29, $0xb8;
	[tilespmem:$0x1AA40] =	vst v63  }
0x15f: {  	_ =	swait.ge [sflag:s10], $0xA00  }
0x160: {  	[sflag:s10] =	ssyncset.done $0x0  }
0x161: {  	s16 =	sadd.s32 $0x4F60, s13;
	[sflag:s10] =	ssyncadd.s32 $0xFFFFF600  }
0x162: {  	[spmem:s2] =	stream.indirect.scatter.add.f32 [tilespmem:s8], [sflag:$0x2], $0x40, s16, s29, $0xb8;
	[tilespmem:$0x1AA40] =	vst v63  }
0x163: {  	_ =	swait.ge [sflag:s10], $0xA00  }
0x164: {  	[sflag:s10] =	ssyncset.done $0x0  }
0x165: {  	s13 =	sadd.s32 $0x4F88, s13;
	[sflag:s10] =	ssyncadd.s32 $0xFFFFF600  }
0x166: {  	[spmem:s2] =	stream.indirect.scatter.add.f32 [tilespmem:s9], [sflag:$0x2], $0x40, s13, s29, $0xb8;
	[tilespmem:$0x1AA40] =	vst v63  }
0x167: {  	_ =	swait.ge [sflag:s11], $0xA00  }
0x168: {  	[sflag:s11] =	ssyncset.done $0x0  }
0x169: {  	[sflag:s11] =	ssyncadd.s32 $0xFFFFF600  }
0x16a: {  	_ =	swait.ge [sflag:s11], $0xA00  }
0x16b: {  	[sflag:s11] =	ssyncset.done $0x0  }
0x16c: {  	[sflag:s11] =	ssyncadd.s32 $0xFFFFF600  }
0x16d: {  	_ =	swait.ge [sflag:s11], $0xA00  }
0x16e: {  	[sflag:s11] =	ssyncset.done $0x0  }
0x16f: {  	[sflag:s11] =	ssyncadd.s32 $0xFFFFF600  }
0x170: {  	_ =	swait.ge [sflag:s11], $0xA00  }
0x171: {  	[sflag:s11] =	ssyncset.done $0x0  }
0x172: {  	[sflag:s11] =	ssyncadd.s32 $0xFFFFF600  }
0x173: {  	_ =	swait.ge [sflag:s11], $0xA00  }
0x174: {  	[sflag:s11] =	ssyncset.done $0x0  }
0x175: {  	[sflag:s11] =	ssyncadd.s32 $0xFFFFF600  }
0x176: {  	_ =	swait.ge [sflag:s11], $0xA00  }
0x177: {  	[sflag:s11] =	ssyncset.done $0x0  }
0x178: {  	[sflag:s11] =	ssyncadd.s32 $0xFFFFF600  }
0x179: {  	_ =	swait.ge [sflag:s11], $0xA00  }
0x17a: {  	[sflag:s11] =	ssyncset.done $0x0  }
0x17b: {  	[sflag:s11] =	ssyncadd.s32 $0xFFFFF600  }
0x17c: {  	_ =	swait.ge [sflag:s11], $0xA00  }
0x17d: {  	[sflag:s11] =	ssyncset.done $0x0  }
0x17e: {  	[sflag:s11] =	ssyncadd.s32 $0xFFFFF600  }
0x17f: {  	_ =	swait.ge [sflag:s11], $0xA00  }
0x180: {  	[sflag:s11] =	ssyncset.done $0x0  }
0x181: {  	[sflag:s11] =	ssyncadd.s32 $0xFFFFF600  }
0x182: {  	s12 =	sadd.s32 $0x1, s12;
	_ =	swait.ge [sflag:s11], $0xA00  }
0x183: {  	p0 =	sne.s32 s12, s24;
	s15 =	stileid.u32;
	[sflag:s11] =	ssyncset.done $0x0  }
0x184: {  	s16 =	sshrl.u32 s5, $0x3;
	s13 =	sshll.u32 s15, $0x6;
	[sflag:s11] =	ssyncadd.s32 $0xFFFFF600  }
.Ltmp3:
0x185: {  	s13 =	sor.u32 $0x1C03, s13;
	[bflag:$0x0] =	sbarrier.arrive $0xFFFF;
	(pc) =	sbr.rel @p0 .LBB2_1-.Ltmp3, $4  }
0x186: {  	[hbm:s23], [sflag:s13] =	dma.local [spmem:s16], $0x1400  }
0x187: {  	_ =	swait.ge [sflag:s26], $0x1400  }
0x188: {  	[sflag:s26] =	ssyncset.done $0x0  }
0x189: {  	[sflag:s26] =	ssyncadd.s32 $0xFFFFEC00  }
0x18a: {  	_ =	sfence.sel $0x180000  }
0x18b: {  	[bflag:$0x0] =	sbarrier.arrive $0xFFFF  }
0x18c: {  	_ =	strace $0x9000004A  }
0x18d: {  	s0 =	stileid.u32;
	[bflag:$0x2] =	sbarrier.arrive $0xFFFF  }
0x18e: {  	p0 =	sne.s32 s0, $0x0;
	s0 =	rddreg [dreg:$0x2]  }
0x18f: {  	s0 =	sadd.s32 @!p0 $0x100000, s0  }
0x190: {  	[sflag:s0] =	ssyncadd.tile.s32 @!p0 $0x1;
	_ =	shalt  }
.Lfunc_end2:
_tile_overlayer_lowered:
.L_overlay_start_2:
0x191: {  	(tag) =	ssettag $0x2  }
0x192: {  	s0 =	rddreg [dreg:$0x0];
	s2 =	stileid.u32  }
0x193: {  	s1 =	rddreg [dreg:$0x1];
	p0 =	sne.s32 s2, $0x0  }
0x194: {  	s3 =	rddreg [dreg:$0x2];
	[bflag:$0x3] =	sbarrier.arrive $0xFFFF;
	s2 =	simm.s32 @!p0 $0x1C03  }
0x195: {  	[timem:s3], [sflag:s2] =	dma.local @!p0 [hbm:s0], s1  }
0x196: {  	s0 =	simm.s32 @!p0 $0x3  }
0x197: {  	_ =	swait.ge @!p0 [sflag:s0], s1  }
0x198: {  	s1 =	ssub.s32 @!p0 $0x0, s1;
	[sflag:s0] =	ssyncset.done @!p0 $0x0  }
0x199: {  	[sflag:s0] =	ssyncadd.s32 @!p0 s1  }
0x19a: {  	[bflag:$0x3] =	sbarrier.arrive $0xFFFF  }
0x19b: {  	_ =	shalt  }

// kernel: kernel.7.cloned.1.call-start
scs
__scs_entry_jumppad:
0x0: {  	(pc) =	sbr.rel $0x88, $3  }
0x1: {  	(tag) =	ssettag $0x0;
	lr =	simm.s32 $0x1  }
0x2: {  	[smem:$0x3F91] =	sst lr;
	_ =	strace $0xD0000000  }
0x3: {  	_ = 	snop  }
0x4: {  	_ = 	snop  }
0x5: {  	_ = 	snop  }
0x6: {  	_ = 	snop  }
0x7: {  	_ = 	snop  }
__scs_overlays_trampoline_lowered:
0x8: {  	[smem:$0x3FA0] =	sst s0  }
0x9: {  	[smem:$0x3FA1] =	sst s1  }
0xa: {  	[smem:$0x3FA2] =	sst s2  }
0xb: {  	[smem:$0x3FA3] =	sst s3  }
0xc: {  	[smem:$0x3FA4] =	sst s4  }
0xd: {  	[smem:$0x3FA5] =	sst s5  }
0xe: {  	[smem:$0x3FA6] =	sst s6  }
0xf: {  	[smem:$0x3FA7] =	sst s7  }
0x10: {  	[smem:$0x3FA8] =	sst s8  }
0x11: {  	[smem:$0x3FA9] =	sst s9;
	s0 =	simm.s32 @!p0 $0x0  }
0x12: {  	s1 =	sld [smem:$0x3F8F];
	s0 =	simm.s32 @p0 $0x1  }
0x13: {  	[smem:$0x3FAA] =	sst s0;
	s0 =	simm.s32 @!p1 $0x0  }
0x14: {  	s2 =	sld [smem:$0x3F8E];
	s0 =	simm.s32 @p1 $0x1  }
0x15: {  	[smem:$0x3FAB] =	sst s0;
	s0 =	simm.s32 @!p2 $0x0  }
0x16: {  	s3 =	sld [smem:$0x3FDB];
	s0 =	simm.s32 @p2 $0x1  }
0x17: {  	s4 =	simm.s32 $0x1BF5;
	[smem:$0x3FAD] =	sst s0  }
0x18: {  	s0 =	sld [smem:$0x3F90];
	_ =	swait.ge [sflag:s4], $0x0  }
0x19: {  	s7 =	sld [smem:$0x3F91]  }
0x1a: {  	s8 =	sadd.s32 $0xFFFFE003, lr  }
0x1b: {  	s9 =	sadd.s32 $0xFFFFFEF7, lr;
	s5 =	simm.s32 $0xFFFFFFFF;
	p2 =	slt.u32 s8, $0xFFFFF086  }
0x1c: {  	p1 =	slt.u32 s9, $0xF7A;
	s5 =	simm.s32 @!p2 $0x0  }
0x1d: {  	s5 =	simm.s32 @p1 $0x1;
	p0 =	seq.s32 s7, s2  }
0x1e: {  	s7 =	smul.u32 @!p0 $0xF7A, s2;
	p2 =	seq.s32 @!p0 s5, $0x0  }
0x1f: {  	s9 =	smul.u32 $0xF7A, s1;
	s8 =	simm.s32 @!p0 $0x1BF5;
	p2 =	por !p2, p0  }
0x20: {  	[sflag:s8] =	ssyncset.s32 @!p0 $0xFFFFF086;
	s6 =	sadd.s32 @!p0 s3, s7;
	s7 =	simm.s32 @!p0 $0x108  }
0x21: {  	s3 =	sadd.s32 s3, s9;
	s6 =	sadd.s32 @!p0 $0x88, s6;
	s7 =	simm.s32 @p2 $0x1082  }
0x22: {  	[simem:s7], [sflag:s8] =	dma.local @!p0 [hbm:s6], $0xF7A  }
0x23: {  	s9 =	sor.u32 $0xD0000000, s2;
	s6 =	simm.s32 $0x108;
	_ =	swait.ge @!p0 [sflag:s8], $0x0  }
0x24: {  	s3 =	sadd.s32 $0x88, s3;
	s6 =	simm.s32 @!p1 $0x1082;
	[sflag:s4] =	ssyncset.s32 $0xFFFFF086  }
0x25: {  	[simem:s6], [sflag:s4] =	dma.local [hbm:s3], $0xF7A  }
0x26: {  	[smem:$0x3F91] =	sst s1;
	(tag) =	ssettag s2;
	_ =	strace s9  }
0x27: {  	s1 =	sld [smem:$0x3FA1]  }
0x28: {  	s2 =	sld [smem:$0x3FA2]  }
0x29: {  	s4 =	sld [smem:$0x3FA4]  }
0x2a: {  	p0 =	seq.s32 s5, $0x0;
	s5 =	sld [smem:$0x3FA5]  }
0x2b: {  	s6 =	sld [smem:$0x3FA6]  }
0x2c: {  	s7 =	sld [smem:$0x3FA7]  }
0x2d: {  	s3 =	simm.s32 $0x108;
	s8 =	sld [smem:$0x3FA8]  }
0x2e: {  	s3 =	simm.s32 @!p0 $0x1082;
	s9 =	sld [smem:$0x3FA9]  }
0x2f: {  	lr =	sadd.s32 s0, s3;
	s0 =	sld [smem:$0x3FA0]  }
0x30: {  	s3 =	sld [smem:$0x3FA3]  }
0x31: {  	[smem:$0x3FAC] =	sst s10  }
0x32: {  	s10 =	sld [smem:$0x3FAA];
	_ =	sdelay $0x3  }
0x33: {  	p0 =	seq.s32 s10, $0x1;
	s10 =	sld [smem:$0x3FAC];
	_ =	sdelay $0x3  }
0x34: {  	[smem:$0x3FAC] =	sst s10  }
0x35: {  	s10 =	sld [smem:$0x3FAB];
	_ =	sdelay $0x3  }
0x36: {  	p1 =	seq.s32 s10, $0x1;
	s10 =	sld [smem:$0x3FAC];
	_ =	sdelay $0x3  }
0x37: {  	[smem:$0x3FAC] =	sst s10  }
0x38: {  	s10 =	sld [smem:$0x3FAD]  }
0x39: {  	_ = 	snop;
	(pc) =	sbr.ind lr, $3  }
0x3a: {  	_ = 	snop  }
0x3b: {  	_ = 	snop  }
0x3c: {  	p2 =	seq.s32 s10, $0x1;
	s10 =	sld [smem:$0x3FAC]  }
0x3d: {  	_ =	shalt  }
0x3e: {  	_ =	shalt  }
0x3f: {  	_ =	shalt  }
0x40: {  	_ =	shalt  }
0x41: {  	_ =	shalt  }
0x42: {  	_ =	shalt  }
0x43: {  	_ =	shalt  }
0x44: {  	_ =	shalt  }
0x45: {  	_ =	shalt  }
0x46: {  	_ =	shalt  }
0x47: {  	_ =	shalt  }
0x48: {  	_ =	shalt  }
0x49: {  	_ =	shalt  }
0x4a: {  	_ =	shalt  }
0x4b: {  	_ =	shalt  }
0x4c: {  	_ =	shalt  }
0x4d: {  	_ =	shalt  }
0x4e: {  	_ =	shalt  }
0x4f: {  	_ =	shalt  }
0x50: {  	_ =	shalt  }
0x51: {  	_ =	shalt  }
0x52: {  	_ =	shalt  }
0x53: {  	_ =	shalt  }
0x54: {  	_ =	shalt  }
0x55: {  	_ =	shalt  }
0x56: {  	_ =	shalt  }
0x57: {  	_ =	shalt  }
0x58: {  	_ =	shalt  }
0x59: {  	_ =	shalt  }
0x5a: {  	_ =	shalt  }
0x5b: {  	_ =	shalt  }
0x5c: {  	_ =	shalt  }
0x5d: {  	_ =	shalt  }
0x5e: {  	_ =	shalt  }
0x5f: {  	_ =	shalt  }
0x60: {  	_ =	shalt  }
0x61: {  	_ =	shalt  }
0x62: {  	_ =	shalt  }
0x63: {  	_ =	shalt  }
0x64: {  	_ =	shalt  }
0x65: {  	_ =	shalt  }
0x66: {  	_ =	shalt  }
0x67: {  	_ =	shalt  }
0x68: {  	_ =	shalt  }
0x69: {  	_ =	shalt  }
0x6a: {  	_ =	shalt  }
0x6b: {  	_ =	shalt  }
0x6c: {  	_ =	shalt  }
0x6d: {  	_ =	shalt  }
0x6e: {  	_ =	shalt  }
0x6f: {  	_ =	shalt  }
0x70: {  	_ =	shalt  }
0x71: {  	_ =	shalt  }
0x72: {  	_ =	shalt  }
0x73: {  	_ =	shalt  }
0x74: {  	_ =	shalt  }
0x75: {  	_ =	shalt  }
0x76: {  	_ =	shalt  }
0x77: {  	_ =	shalt  }
0x78: {  	_ =	shalt  }
0x79: {  	_ =	shalt  }
0x7a: {  	_ =	shalt  }
0x7b: {  	_ =	shalt  }
0x7c: {  	_ =	shalt  }
0x7d: {  	_ =	shalt  }
0x7e: {  	_ =	shalt  }
0x7f: {  	_ =	shalt  }
0x80: {  	_ =	shalt  }
0x81: {  	_ =	shalt  }
0x82: {  	_ =	shalt  }
0x83: {  	_ =	shalt  }
0x84: {  	_ =	shalt  }
0x85: {  	_ =	shalt  }
0x86: {  	_ =	shalt  }
0x87: {  	_ =	shalt  }
.Lfunc_end0:
.L_simem_size_0:
called_computation_lowered:
.L_overlay_start_0:
0x88: {  	s2 =	sld [smem:$0x3FD9]  }
0x89: {  	s3 =	sld [smem:$0x3FFE];
	_ =	sdelay $0x1  }
0x8a: {  	s1 =	srdreg.scid  }
0x8b: {  	s0 =	sand.u32 $0x1, s1  }
0x8c: {  	s16 =	sshll.u32 s0, $0xA;
	s2 =	sadd.s32 s3, s2  }
0x8d: {  	s2 =	sadd.s32 s2, s16  }
0x8e: {  	[smem:$0x3FB8] =	sst s2  }
0x8f: {  	_ = 	snop  }
0x90: {  	(tm) =	ssettm $0x1  }
0x91: {  	s17 =	sld [smem:$0x3FFB];
	_ =	sdelay $0x3  }
0x92: {  	_ =	strace s17  }
0x93: {  	s2 =	sld [smem:$0x3FFC];
	_ =	sdelay $0x3  }
0x94: {  	_ =	strace s2  }
0x95: {  	s2 =	sld [smem:$0x3FFD];
	_ =	sdelay $0x3  }
0x96: {  	_ =	strace s2  }
0x97: {  	_ =	strace $0x8FFFFFFF  }
0x98: {  	s18 =	sld [smem:$0x3FDB];
	_ =	sdelay $0x1  }
0x99: {  	s19 =	simm.s32 $_scs_section_size  }
0x9a: {  	s4 =	simm.s32 $_size__tile_overlayer_lowered;
	s5 =	simm.s32 $_tile_overlayer_lowered  }
0x9b: {  	s22 =	simm.s32 $0x1BFF;
	s21 =	sshll.u32 s5, $0x1;
	s2 =	sadd.s32 s19, s18  }
0x9c: {  	s6 =	simm.s32 $0x0;
	s20 =	sshll.u32 s4, $0x1;
	s4 =	sadd.s32 s21, s2  }
0x9d: {  	[timem:s6], [sflag:s22] =	dma.local [hbm:s4], s20  }
0x9e: {  	_ =	swait.ge [sflag:s22], s20  }
0x9f: {  	s3 =	ssub.s32 $0x0, s20;
	[sflag:s22] =	ssyncset.done $0x0  }
0xa0: {  	[sflag:s22] =	ssyncadd.s32 s3;
	_ =	sdelay $0x1  }
0xa1: {  	s23 =	simm.s32 $0x1B8B  }
0xa2: {  	_ =	swait.ge [sflag:s23], $0x1  }
0xa3: {  	[sflag:s23] =	ssyncset.done $0x0  }
0xa4: {  	s25 =	simm.s32 $0x1B8E;
	s24 =	sld [smem:$0x3FFE];
	[sflag:s23] =	ssyncadd.s32 $0xFFFFFFFF  }
0xa5: {  	s26 =	simm.s32 $execute0_lowered;
	[smem:$0x3FD2] =	sst s25  }
0xa6: {  	s4 =	sshll.u32 s26, $0x1;
	_ =	strace $0x80000046;
	[dreg:$0x1] =	wrdreg $0xFFFFFFFF  }
0xa7: {  	s28 =	simm.s32 $_size_execute0_lowered;
	s2 =	sadd.s32 s2, s4;
	[dreg:$0x0] =	wrdreg $0x0  }
0xa8: {  	s4 =	sshll.u32 s28, $0x1;
	[dreg:$0x2] =	wrdreg s2  }
0xa9: {  	[dreg:$0x3] =	wrdreg s4  }
0xaa: {  	[dreg:$0x4] =	wrdreg $0xC0  }
0xab: {  	_ =	task [dreg:s6], $0x5FFFF  }
0xac: {  	[dreg:$0x1] =	wrdreg $0xFFFFFFFF  }
0xad: {  	[dreg:$0x0] =	wrdreg $0x60  }
0xae: {  	[dreg:$0x2] =	wrdreg s24  }
0xaf: {  	[dreg:$0x3] =	wrdreg $0x132400  }
0xb0: {  	[dreg:$0x4] =	wrdreg $0x9  }
0xb1: {  	_ =	task.clear_ibuf [dreg:s6], $0x5FFFF;
	_ =	strace $0x90000046  }
0xb2: {  	s29 =	simm.s32 $0x9;
	_ =	strace $0x80000048  }
0xb3: {  	_ =	swait.ge [sflag:s29], $0x1  }
0xb4: {  	[sflag:s29] =	ssyncadd.s32 $0xFFFFFFFF  }
0xb5: {  	_ =	strace $0x90000048  }
0xb6: {  	_ =	sfence  }
0xb7: {  	s30 =	sld [smem:$0x0];
	_ =	sdelay $0x2  }
0xb8: {  	s31 =	sshll.u32 s1, $0xD;
	s1 =	sshrl.u32 s1, $0x2  }
0xb9: {  	s3 =	sand.u32 $0x4000, s31;
	s1 =	sadd.s32 s1, s30  }
0xba: {  	s0 =	sor.u32 s3, s0;
	s1 =	sshll.u32 s1, $0x11  }
0xbb: {  	s0 =	sor.u32 s1, s0  }
0xbc: {  	s0 =	sadd.s32 $0x8F2B, s0  }
0xbd: {  	[sflag:s0] =	ssyncadd.remote.s32 $0x1  }
0xbe: {  	_ =	sfence.sel $0xFFFF  }
0xbf: {  	[dreg:$0x0] =	wrdreg $0xFFFFFFFF;
	(pc) =	sbr.abs _section_cstart, $3  }
0xc0: {  	[dreg:$0x1] =	wrdreg $0xFFFFFFFF  }
0xc1: {  	_ =	task.clear_ibuf [dreg:s6], $0x2FFFF;
	_ =	strace $0x9FFFFFFF  }
0xc2: {  	(tm) =	ssettm $0x7FFFFFFF  }
0xc3: {  	_ =	shalt  }
tec
execute0_lowered:
.L_overlay_start_1:
0x0: {  	(tag) =	ssettag $0x1  }
0x1: {  	s8 =	stileid.u32  }
0x2: {  	s10 =	smul.u32 $0xA000, s8  }
0x3: {  	s0 =	rddreg [dreg:$0x0];
	s6 =	smul.u32 $0x4E20, s8  }
0x4: {  	s2 =	rddreg [dreg:$0x1];
	s7 =	smul.u32 $0x500, s8  }
0x5: {  	s1 =	srdreg.scid;
	s3 =	simm.s32 $0x0;
	s8 =	smul.u32 $0x28000, s8  }
0x6: {  	s28 =	simm.s32 $0x3;
	s30 =	simm.s32 $0x10A40;
	s31 =	simm.s32 $0x28  }
0x7: {  	s29 =	simm.s32 $0xA640;
	s12 =	sand.u32 $0x1, s1;
	s8 =	sshrl.u32 s8, $0x2  }
0x8: {  	[smem:$0x7FF] =	sst s3;
	s4 =	sadd.s32 $0x16C00, s0;
	s14 =	sadd.s32 s8, s2  }
0x9: {  	s1 =	simm.s32 $0xBA40;
	s5 =	smul.u32 $0xA0000, s12;
	s8 =	sadd.s32 $0xA00, s14  }
0xa: {  	_ =	strace $0x80000047;
	s15 =	sadd.s32 $0x1400, s14;
	[dreg:$0x3] =	wrdreg s8  }
0xb: {  	s11 =	ssub.s32 $0x2, s12;
	s16 =	sadd.s32 $0x1E00, s14;
	[dreg:$0x4] =	wrdreg s15  }
0xc: {  	p0 =	sne.s32 s12, $0x0;
	s17 =	sadd.s32 $0x2800, s14;
	[dreg:$0x5] =	wrdreg s16  }
0xd: {  	v0 =	vmov s12;
	s12 =	simm.s32 $0x1;
	s18 =	sadd.s32 $0x3200, s14;
	[dreg:$0x6] =	wrdreg s17  }
0xe: {  	s6 =	sshrl.u32 s6, $0x3;
	s19 =	sadd.s32 $0x3C00, s14;
	[dreg:$0x7] =	wrdreg s18  }
0xf: {  	s13 =	sshrl.u32 s11, $0x1;
	s20 =	sadd.s32 $0x4600, s14;
	[dreg:$0x8] =	wrdreg s19  }
0x10: {  	s5 =	sadd.s32 s10, s5;
	s21 =	sadd.s32 $0x5000, s14;
	[dreg:$0x9] =	wrdreg s20  }
0x11: {  	s6 =	sadd.s32 s6, s0;
	s22 =	sadd.s32 $0x5A00, s14;
	[dreg:$0xa] =	wrdreg s21  }
0x12: {  	s5 =	sshrl.u32 s5, $0x3;
	s23 =	sadd.s32 $0x6400, s14;
	[dreg:$0xb] =	wrdreg s22  }
0x13: {  	s24 =	sadd.s32 $0x6E00, s14;
	s25 =	sadd.s32 $0x7800, s14;
	[dreg:$0xc] =	wrdreg s23  }
0x14: {  	s26 =	sadd.s32 $0x8200, s14;
	s9 =	sadd.s32 s5, s0;
	[dreg:$0xd] =	wrdreg s24  }
0x15: {  	s0 =	sadd.s32 s7, s0;
	s7 =	ssub.s32 s11, s13;
	[dreg:$0xe] =	wrdreg s25  }
0x16: {  	s5 =	sadd.s32 s10, s2;
	[dreg:$0xf] =	wrdreg s26;
	s19 =	sadd.s32 $0x8C00, s14  }
0x17: {  	s20 =	sadd.s32 $0x9600, s14;
	s21 =	sadd.s32 $0x3200, s6;
	s22 =	sadd.s32 $0xCE40, s6  }
0x18: {  	s26 =	simm.s32 $0x10040;
	s23 =	simm.s32 $0xB040;
	s6 =	simm.s32 $0xC440  }
0x19: {  	s8 =	simm.s32 $0xD840;
	s10 =	simm.s32 $0xEC40;
	s11 =	simm.s32 $0xF640  }
0x1a: {  	s13 =	simm.s32 $0x2;
	s14 =	simm.s32 $0x0;
	s0 =	sadd.s32 $0x3DE00, s0  }
0x1b: {  	s24 =	sadd.s32 $0x42E00, s9;
	s25 =	smax.u32 s7, $0x1;
	s7 =	simm.s32 $0xCE40  }
0x1c: {  	v1 =	vimm.f32 $0.0e+00;
	v2 =	vimm.f32 $1.000000000e+00;
	s9 =	simm.s32 $0xE240;
	[dreg:$0x10] =	wrdreg s0;
	s0 =	simm.s32 $0x9C40  }
.LBB2_1:
0x1d: {  	s15 =	sand.u32 $0x3F00, s3  }
0x1e: {  	s16 =	sand.u32 $0x30, s3;
	s17 =	sshrl.u32 s15, $0x2  }
0x1f: {  	s15 =	simm.s32 $0x40;
	s17 =	sor.u32 s16, s17;
	s16 =	simm.s32 $0x0  }
.LBB2_2:
0x20: {  	p1 =	sne.s32 s15, $0x27C0  }
0x21: {  	[tilespmem:s17+$0x10040] =	vst v1;
	s16 =	sadd.s32 $0x10, s16;
	s17 =	smov.u32 s15;
	s15 =	sadd.s32 $0x40, s15  }
.Ltmp0:
0x22: {  	(pc) =	sbr.rel @p1 .LBB2_2-.Ltmp0, $4  }
0x23: {  	_ = 	snop  }
0x24: {  	s17 =	sand.u32 $0x3F00, s17  }
0x25: {  	s18 =	sand.u32 $0x30, s16;
	s17 =	sshrl.u32 s17, $0x2  }
0x26: {  	s17 =	sor.u32 s18, s17  }
0x27: {  	[tilespmem:s17+$0x10040] =	vst v1  }
0x28: {  	[spmem:s5] =	stream.linear.scatter [tilespmem:s26], [sflag:$0x3], $0xA00, $0x38;
	[tilespmem:$0x1D240] =	vst v63  }
0x29: {  	_ =	swait.ge [sflag:s28], $0xA00  }
0x2a: {  	[sflag:s28] =	ssyncset.done $0x0  }
0x2b: {  	s15 =	rddreg [dreg:$0x3];
	[sflag:s28] =	ssyncadd.s32 $0xFFFFF600  }
0x2c: {  	[spmem:s15] =	stream.linear.scatter [tilespmem:s26], [sflag:$0x3], $0xA00, $0x38;
	[tilespmem:$0x1D240] =	vst v63  }
0x2d: {  	_ =	swait.ge [sflag:s28], $0xA00  }
0x2e: {  	[sflag:s28] =	ssyncset.done $0x0  }
0x2f: {  	s18 =	rddreg [dreg:$0x4];
	[sflag:s28] =	ssyncadd.s32 $0xFFFFF600  }
0x30: {  	[spmem:s18] =	stream.linear.scatter [tilespmem:s26], [sflag:$0x3], $0xA00, $0x38;
	[tilespmem:$0x1D240] =	vst v63  }
0x31: {  	_ =	swait.ge [sflag:s28], $0xA00  }
0x32: {  	[sflag:s28] =	ssyncset.done $0x0  }
0x33: {  	s16 =	rddreg [dreg:$0x5];
	[sflag:s28] =	ssyncadd.s32 $0xFFFFF600  }
0x34: {  	[spmem:s16] =	stream.linear.scatter [tilespmem:s26], [sflag:$0x3], $0xA00, $0x38;
	[tilespmem:$0x1D240] =	vst v63  }
0x35: {  	_ =	swait.ge [sflag:s28], $0xA00  }
0x36: {  	[sflag:s28] =	ssyncset.done $0x0  }
0x37: {  	s17 =	rddreg [dreg:$0x6];
	[sflag:s28] =	ssyncadd.s32 $0xFFFFF600  }
0x38: {  	[spmem:s17] =	stream.linear.scatter [tilespmem:s26], [sflag:$0x3], $0xA00, $0x38;
	[tilespmem:$0x1D240] =	vst v63  }
0x39: {  	_ =	swait.ge [sflag:s28], $0xA00  }
0x3a: {  	[sflag:s28] =	ssyncset.done $0x0  }
0x3b: {  	s18 =	rddreg [dreg:$0x7];
	[sflag:s28] =	ssyncadd.s32 $0xFFFFF600  }
0x3c: {  	[spmem:s18] =	stream.linear.scatter [tilespmem:s26], [sflag:$0x3], $0xA00, $0x38;
	[tilespmem:$0x1D240] =	vst v63  }
0x3d: {  	_ =	swait.ge [sflag:s28], $0xA00  }
0x3e: {  	[sflag:s28] =	ssyncset.done $0x0  }
0x3f: {  	s16 =	rddreg [dreg:$0x8];
	[sflag:s28] =	ssyncadd.s32 $0xFFFFF600  }
0x40: {  	[spmem:s16] =	stream.linear.scatter [tilespmem:s26], [sflag:$0x3], $0xA00, $0x38;
	[tilespmem:$0x1D240] =	vst v63  }
0x41: {  	_ =	swait.ge [sflag:s28], $0xA00  }
0x42: {  	[sflag:s28] =	ssyncset.done $0x0  }
0x43: {  	s17 =	rddreg [dreg:$0x9];
	[sflag:s28] =	ssyncadd.s32 $0xFFFFF600  }
0x44: {  	[spmem:s17] =	stream.linear.scatter [tilespmem:s26], [sflag:$0x3], $0xA00, $0x38;
	[tilespmem:$0x1D240] =	vst v63  }
0x45: {  	_ =	swait.ge [sflag:s28], $0xA00  }
0x46: {  	[sflag:s28] =	ssyncset.done $0x0  }
0x47: {  	s18 =	rddreg [dreg:$0xa];
	[sflag:s28] =	ssyncadd.s32 $0xFFFFF600  }
0x48: {  	[spmem:s18] =	stream.linear.scatter [tilespmem:s26], [sflag:$0x3], $0xA00, $0x38;
	[tilespmem:$0x1D240] =	vst v63  }
0x49: {  	_ =	swait.ge [sflag:s28], $0xA00  }
0x4a: {  	[sflag:s28] =	ssyncset.done $0x0  }
0x4b: {  	s16 =	rddreg [dreg:$0xb];
	[sflag:s28] =	ssyncadd.s32 $0xFFFFF600  }
0x4c: {  	[spmem:s16] =	stream.linear.scatter [tilespmem:s26], [sflag:$0x3], $0xA00, $0x38;
	[tilespmem:$0x1D240] =	vst v63  }
0x4d: {  	_ =	swait.ge [sflag:s28], $0xA00  }
0x4e: {  	[sflag:s28] =	ssyncset.done $0x0  }
0x4f: {  	s17 =	rddreg [dreg:$0xc];
	[sflag:s28] =	ssyncadd.s32 $0xFFFFF600  }
0x50: {  	[spmem:s17] =	stream.linear.scatter [tilespmem:s26], [sflag:$0x3], $0xA00, $0x38;
	[tilespmem:$0x1D240] =	vst v63  }
0x51: {  	_ =	swait.ge [sflag:s28], $0xA00  }
0x52: {  	[sflag:s28] =	ssyncset.done $0x0  }
0x53: {  	s18 =	rddreg [dreg:$0xd];
	[sflag:s28] =	ssyncadd.s32 $0xFFFFF600  }
0x54: {  	[spmem:s18] =	stream.linear.scatter [tilespmem:s26], [sflag:$0x3], $0xA00, $0x38;
	[tilespmem:$0x1D240] =	vst v63  }
0x55: {  	_ =	swait.ge [sflag:s28], $0xA00  }
0x56: {  	[sflag:s28] =	ssyncset.done $0x0  }
0x57: {  	s16 =	rddreg [dreg:$0xe];
	[sflag:s28] =	ssyncadd.s32 $0xFFFFF600  }
0x58: {  	[spmem:s16] =	stream.linear.scatter [tilespmem:s26], [sflag:$0x3], $0xA00, $0x38;
	[tilespmem:$0x1D240] =	vst v63  }
0x59: {  	_ =	swait.ge [sflag:s28], $0xA00  }
0x5a: {  	[sflag:s28] =	ssyncset.done $0x0  }
0x5b: {  	s17 =	rddreg [dreg:$0xf];
	[sflag:s28] =	ssyncadd.s32 $0xFFFFF600  }
0x5c: {  	[spmem:s17] =	stream.linear.scatter [tilespmem:s26], [sflag:$0x3], $0xA00, $0x38;
	[tilespmem:$0x1D240] =	vst v63  }
0x5d: {  	_ =	swait.ge [sflag:s28], $0xA00  }
0x5e: {  	[sflag:s28] =	ssyncset.done $0x0  }
0x5f: {  	[sflag:s28] =	ssyncadd.s32 $0xFFFFF600  }
0x60: {  	[spmem:s19] =	stream.linear.scatter [tilespmem:s26], [sflag:$0x3], $0xA00, $0x38;
	[tilespmem:$0x1D240] =	vst v63  }
0x61: {  	_ =	swait.ge [sflag:s28], $0xA00  }
0x62: {  	[sflag:s28] =	ssyncset.done $0x0  }
0x63: {  	[sflag:s28] =	ssyncadd.s32 $0xFFFFF600  }
0x64: {  	[spmem:s20] =	stream.linear.scatter [tilespmem:s26], [sflag:$0x3], $0xA00, $0x38;
	[tilespmem:$0x1D240] =	vst v63  }
0x65: {  	_ =	swait.ge [sflag:s28], $0xA00  }
0x66: {  	[sflag:s28] =	ssyncset.done $0x0  }
0x67: {  	s18 =	simm.s32 $0x0;
	[sflag:s28] =	ssyncadd.s32 $0xFFFFF600  }
0x68: {  	[tilespmem:s18], [sflag:$0x3] =	stream.linear.gather [hbm4b:s21+s18], $0x4E20, $0x38;
	[tilespmem:$0x1D240] =	vst v63  }
0x69: {  	_ =	swait.ge [sflag:s28], $0x4E20  }
0x6a: {  	[sflag:s28] =	ssyncset.done $0x0  }
0x6b: {  	s16 =	simm.s32 $0x4E20;
	[sflag:s28] =	ssyncadd.s32 $0xFFFFB1E0  }
0x6c: {  	[tilespmem:s16], [sflag:$0x3] =	stream.linear.gather [hbm4b:s22+s18], $0x4E20, $0x38;
	[tilespmem:$0x1D240] =	vst v63  }
0x6d: {  	_ =	swait.ge [sflag:s28], $0x4E20  }
0x6e: {  	[sflag:s28] =	ssyncset.done $0x0  }
0x6f: {  	s15 =	simm.s32 $0x0;
	s16 =	simm.s32 $0x40;
	[sflag:s28] =	ssyncadd.s32 $0xFFFFB1E0  }
.LBB2_4:
0x70: {  	p1 =	sne.s32 s16, $0x13840;
	v3 =	vld [tilespmem:s15+$0x0];
	_ =	sdelay $0x2  }
.Ltmp1:
0x71: {  	(pc) =	sbr.rel @p1 .LBB2_4-.Ltmp1, $4  }
0x72: {  	_ = 	snop  }
0x73: {  	v3 =	vshll.u32 v3, $0x1  }
0x74: {  	v3 =	vor.u32 v0, v3  }
0x75: {  	[tilespmem:s15+$0x0] =	vst v3;
	s15 =	sshra.s32 s16, $0x2;
	s16 =	sadd.s32 $0x40, s16  }
0x76: {  	v3 =	vld [tilespmem:s15+$0x0];
	_ =	sdelay $0x2  }
.Ltmp2:
0x77: {  	_ = 	snop;
	(pc) =	sbr.rel @p0 .LBB2_11-.Ltmp2, $4  }
0x78: {  	_ = 	snop  }
0x79: {  	v3 =	vshll.u32 v3, $0x1  }
0x7a: {  	v3 =	vor.u32 v0, v3  }
0x7b: {  	[tilespmem:s15+$0x0] =	vst v3  }
0x7c: {  	s15 =	simm.s32 $0x40;
	s16 =	simm.s32 $0x0  }
.LBB2_7:
0x7d: {  	p1 =	sne.s32 s15, $0x9FC0;
	[tilespmem:s16+$0x10A40] =	vst v1;
	s16 =	smov.u32 s15;
	s15 =	sadd.s32 $0x40, s15  }
.Ltmp3:
0x7e: {  	(pc) =	sbr.rel @p1 .LBB2_7-.Ltmp3, $2  }
0x7f: {  	_ =	sdelay $0x2  }
0x80: {  	s16 =	sshra.s32 s16, $0x2  }
0x81: {  	[tilespmem:s16+$0x10A40] =	vst v1;
	s16 =	simm.s32 $0x0;
	s15 =	simm.s32 $0x40  }
.LBB2_9:
0x82: {  	p1 =	sne.s32 s15, $0x13840;
	v3 =	vld [tilespmem:s16+$0x4E20];
	_ =	sdelay $0x3  }
.Ltmp4:
0x83: {  	(pc) =	sbr.rel @p1 .LBB2_9-.Ltmp4, $2  }
0x84: {  	_ =	sdelay $0x2  }
0x85: {  	s16 =	sshra.s32 s15, $0x2;
	s15 =	sadd.s32 $0x40, s15;
	[tilespmem:v3+s30+$0x0] =	vst.idx.add.f32.msk $0xffff, v2  }
0x86: {  	v3 =	vld [tilespmem:s16+$0x4E20];
	_ =	sdelay $0x7  }
0x87: {  	s15 =	rddreg [dreg:$0x10];
	[tilespmem:v3+s30+$0x0] =	vst.idx.add.f32.msk $0xffff, v2  }
0x88: {  	[hbm4b:s15+s3] =	stream.linear.scatter [tilespmem:s30], [sflag:$0x3], $0x2800, $0x38;
	[tilespmem:$0x1D240] =	vst v63  }
0x89: {  	_ =	swait.ge [sflag:s28], $0x2800  }
0x8a: {  	[sflag:s28] =	ssyncset.done $0x0  }
0x8b: {  	[sflag:s28] =	ssyncadd.s32 $0xFFFFD800  }
.LBB2_11:
0x8c: {  	[bflag:$0x0] =	sbarrier.arrive $0xFFFF;
	s15 =	simm.s32 $0x0  }
0x8d: {  	[tilespmem:s0], [sflag:$0x1] =	stream.indirect.gather [hbm4b:s4+s31], $0x40, s15, s31, $0xb8;
	[tilespmem:$0x1D240] =	vst v63  }
0x8e: {  	s18 =	simm.s32 $0x28  }
0x8f: {  	[tilespmem:s29], [sflag:$0x1] =	stream.indirect.gather [hbm4b:s4+s31], $0x40, s18, s31, $0xb8;
	[tilespmem:$0x1D240] =	vst v63  }
0x90: {  	s16 =	simm.s32 $0x50  }
0x91: {  	[tilespmem:s23], [sflag:$0x1] =	stream.indirect.gather [hbm4b:s4+s31], $0x40, s16, s31, $0xb8;
	[tilespmem:$0x1D240] =	vst v63  }
0x92: {  	s17 =	simm.s32 $0x78  }
0x93: {  	[tilespmem:s1], [sflag:$0x1] =	stream.indirect.gather [hbm4b:s4+s31], $0x40, s17, s31, $0xb8;
	[tilespmem:$0x1D240] =	vst v63  }
0x94: {  	s18 =	simm.s32 $0xA0  }
0x95: {  	[tilespmem:s6], [sflag:$0x1] =	stream.indirect.gather [hbm4b:s4+s31], $0x40, s18, s31, $0xb8;
	[tilespmem:$0x1D240] =	vst v63  }
0x96: {  	s16 =	simm.s32 $0xC8  }
0x97: {  	[tilespmem:s7], [sflag:$0x1] =	stream.indirect.gather [hbm4b:s4+s31], $0x40, s16, s31, $0xb8;
	[tilespmem:$0x1D240] =	vst v63  }
0x98: {  	s17 =	simm.s32 $0xF0  }
0x99: {  	[tilespmem:s8], [sflag:$0x1] =	stream.indirect.gather [hbm4b:s4+s31], $0x40, s17, s31, $0xb8;
	[tilespmem:$0x1D240] =	vst v63  }
0x9a: {  	s18 =	simm.s32 $0x118  }
0x9b: {  	[tilespmem:s9], [sflag:$0x1] =	stream.indirect.gather [hbm4b:s4+s31], $0x40, s18, s31, $0xb8;
	[tilespmem:$0x1D240] =	vst v63  }
0x9c: {  	s16 =	simm.s32 $0x140  }
0x9d: {  	[tilespmem:s10], [sflag:$0x1] =	stream.indirect.gather [hbm4b:s4+s31], $0x40, s16, s31, $0xb8;
	[tilespmem:$0x1D240] =	vst v63  }
0x9e: {  	s17 =	simm.s32 $0x168  }
0x9f: {  	[tilespmem:s11], [sflag:$0x1] =	stream.indirect.gather [hbm4b:s4+s31], $0x40, s17, s31, $0xb8;
	[tilespmem:$0x1D240] =	vst v63  }
0xa0: {  	_ =	swait.ge [sflag:s12], $0xA00  }
0xa1: {  	[sflag:s12] =	ssyncset.done $0x0  }
0xa2: {  	s18 =	simm.s32 $0x4E20;
	[sflag:s12] =	ssyncadd.s32 $0xFFFFF600  }
0xa3: {  	[spmem:s2] =	stream.indirect.scatter.add.f32 [tilespmem:s0], [sflag:$0x2], $0x40, s18, s31, $0xb8;
	[tilespmem:$0x1D240] =	vst v63  }
0xa4: {  	_ =	swait.ge [sflag:s12], $0xA00  }
0xa5: {  	[sflag:s12] =	ssyncset.done $0x0  }
0xa6: {  	s16 =	simm.s32 $0x4E48;
	[sflag:s12] =	ssyncadd.s32 $0xFFFFF600  }
0xa7: {  	[spmem:s2] =	stream.indirect.scatter.add.f32 [tilespmem:s29], [sflag:$0x2], $0x40, s16, s31, $0xb8;
	[tilespmem:$0x1D240] =	vst v63  }
0xa8: {  	_ =	swait.ge [sflag:s12], $0xA00  }
0xa9: {  	[sflag:s12] =	ssyncset.done $0x0  }
0xaa: {  	s17 =	simm.s32 $0x4E70;
	[sflag:s12] =	ssyncadd.s32 $0xFFFFF600  }
0xab: {  	[spmem:s2] =	stream.indirect.scatter.add.f32 [tilespmem:s23], [sflag:$0x2], $0x40, s17, s31, $0xb8;
	[tilespmem:$0x1D240] =	vst v63  }
0xac: {  	_ =	swait.ge [sflag:s12], $0xA00  }
0xad: {  	[sflag:s12] =	ssyncset.done $0x0  }
0xae: {  	s18 =	simm.s32 $0x4E98;
	[sflag:s12] =	ssyncadd.s32 $0xFFFFF600  }
0xaf: {  	[spmem:s2] =	stream.indirect.scatter.add.f32 [tilespmem:s1], [sflag:$0x2], $0x40, s18, s31, $0xb8;
	[tilespmem:$0x1D240] =	vst v63  }
0xb0: {  	_ =	swait.ge [sflag:s12], $0xA00  }
0xb1: {  	[sflag:s12] =	ssyncset.done $0x0  }
0xb2: {  	s16 =	simm.s32 $0x4EC0;
	[sflag:s12] =	ssyncadd.s32 $0xFFFFF600  }
0xb3: {  	[spmem:s2] =	stream.indirect.scatter.add.f32 [tilespmem:s6], [sflag:$0x2], $0x40, s16, s31, $0xb8;
	[tilespmem:$0x1D240] =	vst v63  }
0xb4: {  	_ =	swait.ge [sflag:s12], $0xA00  }
0xb5: {  	[sflag:s12] =	ssyncset.done $0x0  }
0xb6: {  	s17 =	simm.s32 $0x4EE8;
	[sflag:s12] =	ssyncadd.s32 $0xFFFFF600  }
0xb7: {  	[spmem:s2] =	stream.indirect.scatter.add.f32 [tilespmem:s7], [sflag:$0x2], $0x40, s17, s31, $0xb8;
	[tilespmem:$0x1D240] =	vst v63  }
0xb8: {  	_ =	swait.ge [sflag:s12], $0xA00  }
0xb9: {  	[sflag:s12] =	ssyncset.done $0x0  }
0xba: {  	s18 =	simm.s32 $0x4F10;
	[sflag:s12] =	ssyncadd.s32 $0xFFFFF600  }
0xbb: {  	[spmem:s2] =	stream.indirect.scatter.add.f32 [tilespmem:s8], [sflag:$0x2], $0x40, s18, s31, $0xb8;
	[tilespmem:$0x1D240] =	vst v63  }
0xbc: {  	_ =	swait.ge [sflag:s12], $0xA00  }
0xbd: {  	[sflag:s12] =	ssyncset.done $0x0  }
0xbe: {  	s16 =	simm.s32 $0x4F38;
	[sflag:s12] =	ssyncadd.s32 $0xFFFFF600  }
0xbf: {  	[spmem:s2] =	stream.indirect.scatter.add.f32 [tilespmem:s9], [sflag:$0x2], $0x40, s16, s31, $0xb8;
	[tilespmem:$0x1D240] =	vst v63  }
0xc0: {  	_ =	swait.ge [sflag:s12], $0xA00  }
0xc1: {  	[sflag:s12] =	ssyncset.done $0x0  }
0xc2: {  	s17 =	simm.s32 $0x4F60;
	[sflag:s12] =	ssyncadd.s32 $0xFFFFF600  }
0xc3: {  	[spmem:s2] =	stream.indirect.scatter.add.f32 [tilespmem:s10], [sflag:$0x2], $0x40, s17, s31, $0xb8;
	[tilespmem:$0x1D240] =	vst v63  }
0xc4: {  	_ =	swait.ge [sflag:s12], $0xA00  }
0xc5: {  	[sflag:s12] =	ssyncset.done $0x0  }
0xc6: {  	s18 =	simm.s32 $0x4F88;
	[sflag:s12] =	ssyncadd.s32 $0xFFFFF600  }
0xc7: {  	[spmem:s2] =	stream.indirect.scatter.add.f32 [tilespmem:s11], [sflag:$0x2], $0x40, s18, s31, $0xb8;
	[tilespmem:$0x1D240] =	vst v63  }
0xc8: {  	_ =	swait.ge [sflag:s13], $0xA00  }
0xc9: {  	[sflag:s13] =	ssyncset.done $0x0  }
0xca: {  	[sflag:s13] =	ssyncadd.s32 $0xFFFFF600  }
0xcb: {  	_ =	swait.ge [sflag:s13], $0xA00  }
0xcc: {  	[sflag:s13] =	ssyncset.done $0x0  }
0xcd: {  	[sflag:s13] =	ssyncadd.s32 $0xFFFFF600  }
0xce: {  	_ =	swait.ge [sflag:s13], $0xA00  }
0xcf: {  	[sflag:s13] =	ssyncset.done $0x0  }
0xd0: {  	[sflag:s13] =	ssyncadd.s32 $0xFFFFF600  }
0xd1: {  	_ =	swait.ge [sflag:s13], $0xA00  }
0xd2: {  	[sflag:s13] =	ssyncset.done $0x0  }
0xd3: {  	[sflag:s13] =	ssyncadd.s32 $0xFFFFF600  }
0xd4: {  	_ =	swait.ge [sflag:s13], $0xA00  }
0xd5: {  	[sflag:s13] =	ssyncset.done $0x0  }
0xd6: {  	[sflag:s13] =	ssyncadd.s32 $0xFFFFF600  }
0xd7: {  	_ =	swait.ge [sflag:s13], $0xA00  }
0xd8: {  	[sflag:s13] =	ssyncset.done $0x0  }
0xd9: {  	[sflag:s13] =	ssyncadd.s32 $0xFFFFF600  }
0xda: {  	_ =	swait.ge [sflag:s13], $0xA00  }
0xdb: {  	[sflag:s13] =	ssyncset.done $0x0  }
0xdc: {  	[sflag:s13] =	ssyncadd.s32 $0xFFFFF600  }
0xdd: {  	_ =	swait.ge [sflag:s13], $0xA00  }
0xde: {  	[sflag:s13] =	ssyncset.done $0x0  }
0xdf: {  	[sflag:s13] =	ssyncadd.s32 $0xFFFFF600  }
0xe0: {  	_ =	swait.ge [sflag:s13], $0xA00  }
0xe1: {  	[sflag:s13] =	ssyncset.done $0x0  }
0xe2: {  	[sflag:s13] =	ssyncadd.s32 $0xFFFFF600  }
0xe3: {  	_ =	swait.ge [sflag:s13], $0xA00  }
0xe4: {  	s15 =	simm.s32 $0x640;
	s16 =	simm.s32 $0xC80;
	[sflag:s13] =	ssyncset.done $0x0  }
.LBB2_12:
0xe5: {  	s17 =	sshra.s32 s15, $0x2  }
0xe6: {  	[sflag:s13] =	ssyncadd.s32 $0xFFFFF600;
	s15 =	smov.u32 s16;
	s18 =	sadd.s32 $0x640, s16  }
0xe7: {  	[tilespmem:s0], [sflag:$0x1] =	stream.indirect.gather [hbm4b:s4+s31], $0x40, s17, s31, $0xb8;
	[tilespmem:$0x1D240] =	vst v63  }
0xe8: {  	p1 =	sne.s32 s16, $0x13240;
	s16 =	sadd.s32 $0x28, s17  }
0xe9: {  	[tilespmem:s29], [sflag:$0x1] =	stream.indirect.gather [hbm4b:s4+s31], $0x40, s16, s31, $0xb8;
	[tilespmem:$0x1D240] =	vst v63  }
0xea: {  	s16 =	sadd.s32 $0x50, s17  }
0xeb: {  	[tilespmem:s23], [sflag:$0x1] =	stream.indirect.gather [hbm4b:s4+s31], $0x40, s16, s31, $0xb8;
	[tilespmem:$0x1D240] =	vst v63  }
0xec: {  	s16 =	sadd.s32 $0x78, s17  }
0xed: {  	[tilespmem:s1], [sflag:$0x1] =	stream.indirect.gather [hbm4b:s4+s31], $0x40, s16, s31, $0xb8;
	[tilespmem:$0x1D240] =	vst v63  }
0xee: {  	s16 =	sadd.s32 $0xA0, s17  }
0xef: {  	[tilespmem:s6], [sflag:$0x1] =	stream.indirect.gather [hbm4b:s4+s31], $0x40, s16, s31, $0xb8;
	[tilespmem:$0x1D240] =	vst v63  }
0xf0: {  	s16 =	sadd.s32 $0xC8, s17  }
0xf1: {  	[tilespmem:s7], [sflag:$0x1] =	stream.indirect.gather [hbm4b:s4+s31], $0x40, s16, s31, $0xb8;
	[tilespmem:$0x1D240] =	vst v63  }
0xf2: {  	s16 =	sadd.s32 $0xF0, s17  }
0xf3: {  	[tilespmem:s8], [sflag:$0x1] =	stream.indirect.gather [hbm4b:s4+s31], $0x40, s16, s31, $0xb8;
	[tilespmem:$0x1D240] =	vst v63  }
0xf4: {  	s16 =	sadd.s32 $0x118, s17  }
0xf5: {  	[tilespmem:s9], [sflag:$0x1] =	stream.indirect.gather [hbm4b:s4+s31], $0x40, s16, s31, $0xb8;
	[tilespmem:$0x1D240] =	vst v63  }
0xf6: {  	s16 =	sadd.s32 $0x140, s17  }
0xf7: {  	[tilespmem:s10], [sflag:$0x1] =	stream.indirect.gather [hbm4b:s4+s31], $0x40, s16, s31, $0xb8;
	[tilespmem:$0x1D240] =	vst v63  }
0xf8: {  	s16 =	sadd.s32 $0x168, s17  }
0xf9: {  	[tilespmem:s11], [sflag:$0x1] =	stream.indirect.gather [hbm4b:s4+s31], $0x40, s16, s31, $0xb8;
	[tilespmem:$0x1D240] =	vst v63  }
0xfa: {  	_ =	swait.ge [sflag:s12], $0xA00  }
0xfb: {  	[sflag:s12] =	ssyncset.done $0x0  }
0xfc: {  	s16 =	sadd.s32 $0x4E20, s17;
	[sflag:s12] =	ssyncadd.s32 $0xFFFFF600  }
0xfd: {  	[spmem:s2] =	stream.indirect.scatter.add.f32 [tilespmem:s0], [sflag:$0x2], $0x40, s16, s31, $0xb8;
	[tilespmem:$0x1D240] =	vst v63  }
0xfe: {  	_ =	swait.ge [sflag:s12], $0xA00  }
0xff: {  	[sflag:s12] =	ssyncset.done $0x0  }
0x100: {  	s16 =	sadd.s32 $0x4E48, s17;
	[sflag:s12] =	ssyncadd.s32 $0xFFFFF600  }
0x101: {  	[spmem:s2] =	stream.indirect.scatter.add.f32 [tilespmem:s29], [sflag:$0x2], $0x40, s16, s31, $0xb8;
	[tilespmem:$0x1D240] =	vst v63  }
0x102: {  	_ =	swait.ge [sflag:s12], $0xA00  }
0x103: {  	[sflag:s12] =	ssyncset.done $0x0  }
0x104: {  	s16 =	sadd.s32 $0x4E70, s17;
	[sflag:s12] =	ssyncadd.s32 $0xFFFFF600  }
0x105: {  	[spmem:s2] =	stream.indirect.scatter.add.f32 [tilespmem:s23], [sflag:$0x2], $0x40, s16, s31, $0xb8;
	[tilespmem:$0x1D240] =	vst v63  }
0x106: {  	_ =	swait.ge [sflag:s12], $0xA00  }
0x107: {  	[sflag:s12] =	ssyncset.done $0x0  }
0x108: {  	s16 =	sadd.s32 $0x4E98, s17;
	[sflag:s12] =	ssyncadd.s32 $0xFFFFF600  }
0x109: {  	[spmem:s2] =	stream.indirect.scatter.add.f32 [tilespmem:s1], [sflag:$0x2], $0x40, s16, s31, $0xb8;
	[tilespmem:$0x1D240] =	vst v63  }
0x10a: {  	_ =	swait.ge [sflag:s12], $0xA00  }
0x10b: {  	[sflag:s12] =	ssyncset.done $0x0  }
0x10c: {  	s16 =	sadd.s32 $0x4EC0, s17;
	[sflag:s12] =	ssyncadd.s32 $0xFFFFF600  }
0x10d: {  	[spmem:s2] =	stream.indirect.scatter.add.f32 [tilespmem:s6], [sflag:$0x2], $0x40, s16, s31, $0xb8;
	[tilespmem:$0x1D240] =	vst v63  }
0x10e: {  	_ =	swait.ge [sflag:s12], $0xA00  }
0x10f: {  	[sflag:s12] =	ssyncset.done $0x0  }
0x110: {  	s16 =	sadd.s32 $0x4EE8, s17;
	[sflag:s12] =	ssyncadd.s32 $0xFFFFF600  }
0x111: {  	[spmem:s2] =	stream.indirect.scatter.add.f32 [tilespmem:s7], [sflag:$0x2], $0x40, s16, s31, $0xb8;
	[tilespmem:$0x1D240] =	vst v63  }
0x112: {  	_ =	swait.ge [sflag:s12], $0xA00  }
0x113: {  	[sflag:s12] =	ssyncset.done $0x0  }
0x114: {  	s16 =	sadd.s32 $0x4F10, s17;
	[sflag:s12] =	ssyncadd.s32 $0xFFFFF600  }
0x115: {  	[spmem:s2] =	stream.indirect.scatter.add.f32 [tilespmem:s8], [sflag:$0x2], $0x40, s16, s31, $0xb8;
	[tilespmem:$0x1D240] =	vst v63  }
0x116: {  	_ =	swait.ge [sflag:s12], $0xA00  }
0x117: {  	[sflag:s12] =	ssyncset.done $0x0  }
0x118: {  	s16 =	sadd.s32 $0x4F38, s17;
	[sflag:s12] =	ssyncadd.s32 $0xFFFFF600  }
0x119: {  	[spmem:s2] =	stream.indirect.scatter.add.f32 [tilespmem:s9], [sflag:$0x2], $0x40, s16, s31, $0xb8;
	[tilespmem:$0x1D240] =	vst v63  }
0x11a: {  	_ =	swait.ge [sflag:s12], $0xA00  }
0x11b: {  	[sflag:s12] =	ssyncset.done $0x0  }
0x11c: {  	s16 =	sadd.s32 $0x4F60, s17;
	[sflag:s12] =	ssyncadd.s32 $0xFFFFF600  }
0x11d: {  	[spmem:s2] =	stream.indirect.scatter.add.f32 [tilespmem:s10], [sflag:$0x2], $0x40, s16, s31, $0xb8;
	[tilespmem:$0x1D240] =	vst v63  }
0x11e: {  	_ =	swait.ge [sflag:s12], $0xA00  }
0x11f: {  	[sflag:s12] =	ssyncset.done $0x0  }
0x120: {  	s16 =	sadd.s32 $0x4F88, s17;
	[sflag:s12] =	ssyncadd.s32 $0xFFFFF600  }
0x121: {  	[spmem:s2] =	stream.indirect.scatter.add.f32 [tilespmem:s11], [sflag:$0x2], $0x40, s16, s31, $0xb8;
	[tilespmem:$0x1D240] =	vst v63  }
0x122: {  	_ =	swait.ge [sflag:s13], $0xA00  }
0x123: {  	[sflag:s13] =	ssyncset.done $0x0  }
0x124: {  	[sflag:s13] =	ssyncadd.s32 $0xFFFFF600  }
0x125: {  	_ =	swait.ge [sflag:s13], $0xA00  }
0x126: {  	[sflag:s13] =	ssyncset.done $0x0  }
0x127: {  	[sflag:s13] =	ssyncadd.s32 $0xFFFFF600  }
0x128: {  	_ =	swait.ge [sflag:s13], $0xA00  }
0x129: {  	[sflag:s13] =	ssyncset.done $0x0  }
0x12a: {  	[sflag:s13] =	ssyncadd.s32 $0xFFFFF600  }
0x12b: {  	_ =	swait.ge [sflag:s13], $0xA00  }
0x12c: {  	[sflag:s13] =	ssyncset.done $0x0  }
0x12d: {  	[sflag:s13] =	ssyncadd.s32 $0xFFFFF600  }
0x12e: {  	_ =	swait.ge [sflag:s13], $0xA00  }
0x12f: {  	[sflag:s13] =	ssyncset.done $0x0  }
0x130: {  	[sflag:s13] =	ssyncadd.s32 $0xFFFFF600  }
0x131: {  	_ =	swait.ge [sflag:s13], $0xA00  }
0x132: {  	[sflag:s13] =	ssyncset.done $0x0  }
0x133: {  	[sflag:s13] =	ssyncadd.s32 $0xFFFFF600  }
0x134: {  	_ =	swait.ge [sflag:s13], $0xA00  }
0x135: {  	[sflag:s13] =	ssyncset.done $0x0  }
0x136: {  	[sflag:s13] =	ssyncadd.s32 $0xFFFFF600  }
0x137: {  	_ =	swait.ge [sflag:s13], $0xA00  }
0x138: {  	[sflag:s13] =	ssyncset.done $0x0  }
0x139: {  	[sflag:s13] =	ssyncadd.s32 $0xFFFFF600  }
.Ltmp5:
0x13a: {  	_ =	swait.ge [sflag:s13], $0xA00;
	(pc) =	sbr.rel @p1 .LBB2_12-.Ltmp5, $4  }
0x13b: {  	[sflag:s13] =	ssyncset.done $0x0  }
0x13c: {  	[sflag:s13] =	ssyncadd.s32 $0xFFFFF600  }
0x13d: {  	_ =	swait.ge [sflag:s13], $0xA00  }
0x13e: {  	s16 =	smov.u32 s18;
	[sflag:s13] =	ssyncset.done $0x0  }
0x13f: {  	s15 =	sshra.s32 s15, $0x2;
	[sflag:s13] =	ssyncadd.s32 $0xFFFFF600  }
0x140: {  	[tilespmem:s0], [sflag:$0x1] =	stream.indirect.gather [hbm4b:s4+s31], $0x40, s15, s31, $0xb8;
	[tilespmem:$0x1D240] =	vst v63  }
0x141: {  	s16 =	sadd.s32 $0x28, s15  }
0x142: {  	[tilespmem:s29], [sflag:$0x1] =	stream.indirect.gather [hbm4b:s4+s31], $0x40, s16, s31, $0xb8;
	[tilespmem:$0x1D240] =	vst v63  }
0x143: {  	s18 =	sadd.s32 $0x50, s15  }
0x144: {  	[tilespmem:s23], [sflag:$0x1] =	stream.indirect.gather [hbm4b:s4+s31], $0x40, s18, s31, $0xb8;
	[tilespmem:$0x1D240] =	vst v63  }
0x145: {  	s17 =	sadd.s32 $0x78, s15  }
0x146: {  	[tilespmem:s1], [sflag:$0x1] =	stream.indirect.gather [hbm4b:s4+s31], $0x40, s17, s31, $0xb8;
	[tilespmem:$0x1D240] =	vst v63  }
0x147: {  	s18 =	sadd.s32 $0xA0, s15  }
0x148: {  	[tilespmem:s6], [sflag:$0x1] =	stream.indirect.gather [hbm4b:s4+s31], $0x40, s18, s31, $0xb8;
	[tilespmem:$0x1D240] =	vst v63  }
0x149: {  	s17 =	sadd.s32 $0xC8, s15  }
0x14a: {  	[tilespmem:s7], [sflag:$0x1] =	stream.indirect.gather [hbm4b:s4+s31], $0x40, s17, s31, $0xb8;
	[tilespmem:$0x1D240] =	vst v63  }
0x14b: {  	s18 =	sadd.s32 $0xF0, s15  }
0x14c: {  	[tilespmem:s8], [sflag:$0x1] =	stream.indirect.gather [hbm4b:s4+s31], $0x40, s18, s31, $0xb8;
	[tilespmem:$0x1D240] =	vst v63  }
0x14d: {  	s17 =	sadd.s32 $0x118, s15  }
0x14e: {  	[tilespmem:s9], [sflag:$0x1] =	stream.indirect.gather [hbm4b:s4+s31], $0x40, s17, s31, $0xb8;
	[tilespmem:$0x1D240] =	vst v63  }
0x14f: {  	s18 =	sadd.s32 $0x140, s15  }
0x150: {  	[tilespmem:s10], [sflag:$0x1] =	stream.indirect.gather [hbm4b:s4+s31], $0x40, s18, s31, $0xb8;
	[tilespmem:$0x1D240] =	vst v63  }
0x151: {  	s17 =	sadd.s32 $0x168, s15  }
0x152: {  	[tilespmem:s11], [sflag:$0x1] =	stream.indirect.gather [hbm4b:s4+s31], $0x40, s17, s31, $0xb8;
	[tilespmem:$0x1D240] =	vst v63  }
0x153: {  	_ =	swait.ge [sflag:s12], $0xA00  }
0x154: {  	[sflag:s12] =	ssyncset.done $0x0  }
0x155: {  	s18 =	sadd.s32 $0x4E20, s15;
	[sflag:s12] =	ssyncadd.s32 $0xFFFFF600  }
0x156: {  	[spmem:s2] =	stream.indirect.scatter.add.f32 [tilespmem:s0], [sflag:$0x2], $0x40, s18, s31, $0xb8;
	[tilespmem:$0x1D240] =	vst v63  }
0x157: {  	_ =	swait.ge [sflag:s12], $0xA00  }
0x158: {  	[sflag:s12] =	ssyncset.done $0x0  }
0x159: {  	s17 =	sadd.s32 $0x4E48, s15;
	[sflag:s12] =	ssyncadd.s32 $0xFFFFF600  }
0x15a: {  	[spmem:s2] =	stream.indirect.scatter.add.f32 [tilespmem:s29], [sflag:$0x2], $0x40, s17, s31, $0xb8;
	[tilespmem:$0x1D240] =	vst v63  }
0x15b: {  	_ =	swait.ge [sflag:s12], $0xA00  }
0x15c: {  	[sflag:s12] =	ssyncset.done $0x0  }
0x15d: {  	s18 =	sadd.s32 $0x4E70, s15;
	[sflag:s12] =	ssyncadd.s32 $0xFFFFF600  }
0x15e: {  	[spmem:s2] =	stream.indirect.scatter.add.f32 [tilespmem:s23], [sflag:$0x2], $0x40, s18, s31, $0xb8;
	[tilespmem:$0x1D240] =	vst v63  }
0x15f: {  	_ =	swait.ge [sflag:s12], $0xA00  }
0x160: {  	[sflag:s12] =	ssyncset.done $0x0  }
0x161: {  	s17 =	sadd.s32 $0x4E98, s15;
	[sflag:s12] =	ssyncadd.s32 $0xFFFFF600  }
0x162: {  	[spmem:s2] =	stream.indirect.scatter.add.f32 [tilespmem:s1], [sflag:$0x2], $0x40, s17, s31, $0xb8;
	[tilespmem:$0x1D240] =	vst v63  }
0x163: {  	_ =	swait.ge [sflag:s12], $0xA00  }
0x164: {  	[sflag:s12] =	ssyncset.done $0x0  }
0x165: {  	s18 =	sadd.s32 $0x4EC0, s15;
	[sflag:s12] =	ssyncadd.s32 $0xFFFFF600  }
0x166: {  	[spmem:s2] =	stream.indirect.scatter.add.f32 [tilespmem:s6], [sflag:$0x2], $0x40, s18, s31, $0xb8;
	[tilespmem:$0x1D240] =	vst v63  }
0x167: {  	_ =	swait.ge [sflag:s12], $0xA00  }
0x168: {  	[sflag:s12] =	ssyncset.done $0x0  }
0x169: {  	s17 =	sadd.s32 $0x4EE8, s15;
	[sflag:s12] =	ssyncadd.s32 $0xFFFFF600  }
0x16a: {  	[spmem:s2] =	stream.indirect.scatter.add.f32 [tilespmem:s7], [sflag:$0x2], $0x40, s17, s31, $0xb8;
	[tilespmem:$0x1D240] =	vst v63  }
0x16b: {  	_ =	swait.ge [sflag:s12], $0xA00  }
0x16c: {  	[sflag:s12] =	ssyncset.done $0x0  }
0x16d: {  	s18 =	sadd.s32 $0x4F10, s15;
	[sflag:s12] =	ssyncadd.s32 $0xFFFFF600  }
0x16e: {  	[spmem:s2] =	stream.indirect.scatter.add.f32 [tilespmem:s8], [sflag:$0x2], $0x40, s18, s31, $0xb8;
	[tilespmem:$0x1D240] =	vst v63  }
0x16f: {  	_ =	swait.ge [sflag:s12], $0xA00  }
0x170: {  	[sflag:s12] =	ssyncset.done $0x0  }
0x171: {  	s17 =	sadd.s32 $0x4F38, s15;
	[sflag:s12] =	ssyncadd.s32 $0xFFFFF600  }
0x172: {  	[spmem:s2] =	stream.indirect.scatter.add.f32 [tilespmem:s9], [sflag:$0x2], $0x40, s17, s31, $0xb8;
	[tilespmem:$0x1D240] =	vst v63  }
0x173: {  	_ =	swait.ge [sflag:s12], $0xA00  }
0x174: {  	[sflag:s12] =	ssyncset.done $0x0  }
0x175: {  	s18 =	sadd.s32 $0x4F60, s15;
	[sflag:s12] =	ssyncadd.s32 $0xFFFFF600  }
0x176: {  	[spmem:s2] =	stream.indirect.scatter.add.f32 [tilespmem:s10], [sflag:$0x2], $0x40, s18, s31, $0xb8;
	[tilespmem:$0x1D240] =	vst v63  }
0x177: {  	_ =	swait.ge [sflag:s12], $0xA00  }
0x178: {  	[sflag:s12] =	ssyncset.done $0x0  }
0x179: {  	s15 =	sadd.s32 $0x4F88, s15;
	[sflag:s12] =	ssyncadd.s32 $0xFFFFF600  }
0x17a: {  	[spmem:s2] =	stream.indirect.scatter.add.f32 [tilespmem:s11], [sflag:$0x2], $0x40, s15, s31, $0xb8;
	[tilespmem:$0x1D240] =	vst v63  }
0x17b: {  	_ =	swait.ge [sflag:s13], $0xA00  }
0x17c: {  	[sflag:s13] =	ssyncset.done $0x0  }
0x17d: {  	[sflag:s13] =	ssyncadd.s32 $0xFFFFF600  }
0x17e: {  	_ =	swait.ge [sflag:s13], $0xA00  }
0x17f: {  	[sflag:s13] =	ssyncset.done $0x0  }
0x180: {  	[sflag:s13] =	ssyncadd.s32 $0xFFFFF600  }
0x181: {  	_ =	swait.ge [sflag:s13], $0xA00  }
0x182: {  	[sflag:s13] =	ssyncset.done $0x0  }
0x183: {  	[sflag:s13] =	ssyncadd.s32 $0xFFFFF600  }
0x184: {  	_ =	swait.ge [sflag:s13], $0xA00  }
0x185: {  	[sflag:s13] =	ssyncset.done $0x0  }
0x186: {  	[sflag:s13] =	ssyncadd.s32 $0xFFFFF600  }
0x187: {  	_ =	swait.ge [sflag:s13], $0xA00  }
0x188: {  	[sflag:s13] =	ssyncset.done $0x0  }
0x189: {  	[sflag:s13] =	ssyncadd.s32 $0xFFFFF600  }
0x18a: {  	_ =	swait.ge [sflag:s13], $0xA00  }
0x18b: {  	[sflag:s13] =	ssyncset.done $0x0  }
0x18c: {  	[sflag:s13] =	ssyncadd.s32 $0xFFFFF600  }
0x18d: {  	_ =	swait.ge [sflag:s13], $0xA00  }
0x18e: {  	[sflag:s13] =	ssyncset.done $0x0  }
0x18f: {  	[sflag:s13] =	ssyncadd.s32 $0xFFFFF600  }
0x190: {  	_ =	swait.ge [sflag:s13], $0xA00  }
0x191: {  	[sflag:s13] =	ssyncset.done $0x0  }
0x192: {  	[sflag:s13] =	ssyncadd.s32 $0xFFFFF600  }
0x193: {  	_ =	swait.ge [sflag:s13], $0xA00  }
0x194: {  	[sflag:s13] =	ssyncset.done $0x0  }
0x195: {  	[sflag:s13] =	ssyncadd.s32 $0xFFFFF600  }
0x196: {  	s14 =	sadd.s32 $0x1, s14;
	_ =	swait.ge [sflag:s13], $0xA00  }
0x197: {  	p1 =	sne.s32 s14, s25;
	s17 =	stileid.u32;
	[sflag:s13] =	ssyncset.done $0x0  }
0x198: {  	s18 =	sshrl.u32 s5, $0x3;
	s15 =	sshll.u32 s17, $0x6;
	[sflag:s13] =	ssyncadd.s32 $0xFFFFF600  }
.Ltmp6:
0x199: {  	s15 =	sor.u32 $0x1C03, s15;
	[bflag:$0x0] =	sbarrier.arrive $0xFFFF;
	(pc) =	sbr.rel @p1 .LBB2_1-.Ltmp6, $4  }
0x19a: {  	[hbm:s24], [sflag:s15] =	dma.local [spmem:s18], $0x1400  }
0x19b: {  	_ =	swait.ge [sflag:s28], $0x1400  }
0x19c: {  	[sflag:s28] =	ssyncset.done $0x0  }
0x19d: {  	[sflag:s28] =	ssyncadd.s32 $0xFFFFEC00  }
0x19e: {  	_ =	sfence.sel $0x180000  }
0x19f: {  	[bflag:$0x0] =	sbarrier.arrive $0xFFFF  }
0x1a0: {  	_ =	strace $0x90000047  }
0x1a1: {  	s0 =	stileid.u32;
	[bflag:$0x2] =	sbarrier.arrive $0xFFFF  }
0x1a2: {  	p0 =	sne.s32 s0, $0x0;
	s0 =	rddreg [dreg:$0x2]  }
0x1a3: {  	s0 =	sadd.s32 @!p0 $0x100000, s0  }
0x1a4: {  	[sflag:s0] =	ssyncadd.tile.s32 @!p0 $0x1;
	_ =	shalt  }
.Lfunc_end2:
_tile_overlayer_lowered:
.L_overlay_start_2:
0x1a5: {  	(tag) =	ssettag $0x2  }
0x1a6: {  	s0 =	rddreg [dreg:$0x0];
	s2 =	stileid.u32  }
0x1a7: {  	s1 =	rddreg [dreg:$0x1];
	p0 =	sne.s32 s2, $0x0  }
0x1a8: {  	s3 =	rddreg [dreg:$0x2];
	[bflag:$0x3] =	sbarrier.arrive $0xFFFF;
	s2 =	simm.s32 @!p0 $0x1C03  }
0x1a9: {  	[timem:s3], [sflag:s2] =	dma.local @!p0 [hbm:s0], s1  }
0x1aa: {  	s0 =	simm.s32 @!p0 $0x3  }
0x1ab: {  	_ =	swait.ge @!p0 [sflag:s0], s1  }
0x1ac: {  	s1 =	ssub.s32 @!p0 $0x0, s1;
	[sflag:s0] =	ssyncset.done @!p0 $0x0  }
0x1ad: {  	[sflag:s0] =	ssyncadd.s32 @!p0 s1  }
0x1ae: {  	[bflag:$0x3] =	sbarrier.arrive $0xFFFF  }
0x1af: {  	_ =	shalt  }

</sc_bundles>
